<compile_context>
chip_gen: v7x
topology: tpu7x:2x2x1
jax: 0.10.2.dev20260603
libtpu: 0.0.44.dev20260713+nightly
codegen_flags: <defaults>
</compile_context>

<pallas_src>
import jax
import jax.numpy as jnp
from jax import lax
from jax.experimental import pallas as pl
from jax.experimental.pallas import tpu as pltpu
from jax.experimental.pallas import tpu_sc as plsc

_B = 16384
_V = 256
_NC = 2
_NS = 16
_NW = _NC * _NS
_BPW = _B // _NW
_L = 16
_GRAN = 16
_NROWS = _V * _V * _V // _GRAN
_CHUNK = 128
_NCHUNK = _BPW // _CHUNK
_NGRP = _BPW // _L


def _gather_body(x0_hbm, x1_hbm, x2_hbm, board_hbm, out_hbm,
                 ints, val_v, buf, sem_in, sems):
    wid = lax.axis_index("s") * _NC + lax.axis_index("c")
    base = wid * _BPW

    c0 = pltpu.async_copy(x0_hbm.at[pl.ds(base, _BPW)], ints.at[0], sem_in)
    c1 = pltpu.async_copy(x1_hbm.at[pl.ds(base, _BPW)], ints.at[1], sem_in)
    c2 = pltpu.async_copy(x2_hbm.at[pl.ds(base, _BPW)], ints.at[2], sem_in)
    c0.wait()
    c1.wait()
    c2.wait()

    gpc = _CHUNK // _L
    copies = []
    for j in range(_NCHUNK):
        for i in range(j * gpc, (j + 1) * gpc):
            s = pl.ds(i * _L, _L)
            x1v = ints.at[1][s]
            x2v = ints.at[2][s]
            p = ((ints.at[0][s] << 16) | ((x1v >> 3) << 11)
                 | ((x2v >> 7) << 10) | ((x1v & 7) << 7) | (x2v & 127))
            ints.at[1][s] = p >> 4
            ints.at[2][s] = p & 15
        c = pl.ds(j * _CHUNK, _CHUNK)
        copies.append(pltpu.async_copy(board_hbm.at[ints.at[1].at[c]],
                                       buf.at[c], sems.at[j]))

    lane = lax.iota(jnp.int32, _L)
    outs = []
    for j in range(_NCHUNK):
        copies[j].wait()
        for i in range(j * gpc, (j + 1) * gpc):
            s = pl.ds(i * _L, _L)
            val_v[s] = plsc.load_gather(buf, [lane + i * _L, ints.at[2][s]])
        c = pl.ds(j * _CHUNK, _CHUNK)
        outs.append(pltpu.async_copy(
            val_v.at[c], out_hbm.at[pl.ds(base + j * _CHUNK, _CHUNK)],
            sem_in))
    for o in outs:
        o.wait()


@jax.jit
def _gather_sc(x0, x1, x2, board16):
    mesh = plsc.VectorSubcoreMesh(core_axis_name="c", subcore_axis_name="s")
    f = pl.kernel(
        _gather_body,
        out_type=jax.ShapeDtypeStruct((_B,), jnp.float32),
        mesh=mesh,
        compiler_params=pltpu.CompilerParams(
            needs_layout_passes=False, use_tc_tiling_on_sc=False),
        scratch_types=[
            pltpu.VMEM((3, _BPW), jnp.int32),
            pltpu.VMEM((_BPW,), jnp.float32),
            pltpu.VMEM((_BPW, _GRAN), jnp.float32),
            pltpu.SemaphoreType.DMA,
            pltpu.SemaphoreType.DMA((_NCHUNK,)),
        ],
    )
    return f(x0, x1, x2, board16)


def kernel(x0, x1, x2, board):
    x0 = x0.astype(jnp.int32)
    x1 = x1.astype(jnp.int32)
    x2 = x2.astype(jnp.int32)
    board16 = (board.reshape(_V, 32, 8, 2, 128)
               .transpose(0, 1, 3, 2, 4)
               .reshape(_NROWS, _GRAN))
    out = _gather_sc(x0, x1, x2, board16)
    return out[:, None]

# --- scband reference (transcript-rebuilt; emitter-appended) ---
"""Pipeline reference for scband-has-value-net-45681272160533 (READ-ONLY COPY).

The authoritative reference and input builder live on the scoring server;
editing this copy changes nothing except your own understanding.
"""

import jax, jax.numpy as jnp
import numpy as np

B = 16384
V = 256

def setup_inputs(seed: int = 0) -> dict:
    key = jax.random.key(seed)
    k_board, k0, k1, k2 = jax.random.split(key, 4)
    board = jax.random.normal(k_board, (V, V, V), dtype=jnp.float32)
    x0 = jax.random.randint(k0, (B,), 0, V, dtype=jnp.int64)
    x1 = jax.random.randint(k1, (B,), 0, V, dtype=jnp.int64)
    x2 = jax.random.randint(k2, (B,), 0, V, dtype=jnp.int64)
    return {"x0": x0, "x1": x1, "x2": x2, "board": board}

def reference(x0, x1, x2, board):
    # torch: x = torch.stack(x, dim=1); idxs = x.long(); board[idxs[:,0], idxs[:,1], idxs[:,2]].unsqueeze(1)
    x = jnp.stack([x0, x1, x2], axis=1)
    idxs = x.astype(jnp.int32)
    out = board[idxs[:, 0], idxs[:, 1], idxs[:, 2]]
    return out[:, None]

if __name__ == "__main__":
    import jax
    _d = setup_inputs()
    print(jax.jit(kernel)(*tuple(_d.values())))

</pallas_src>

<mosaic_0001>
#map = affine_map<(d0, d1) -> (0)>
#map1 = affine_map<(d0, d1) -> (0, 0)>
module attributes {stable_mosaic.version = 14 : i64} {
  func.func @_gather_body(%arg0: i32, %arg1: i32, %arg2: memref<16384xi32, #tpu.memory_space<hbm>>, %arg3: memref<16384xi32, #tpu.memory_space<hbm>>, %arg4: memref<16384xi32, #tpu.memory_space<hbm>>, %arg5: memref<1048576x16xf32, #tpu.memory_space<hbm>>, %arg6: memref<16384xf32, #tpu.memory_space<hbm>>, %arg7: memref<3x512xi32, #tpu.memory_space<vmem>>, %arg8: memref<512xf32, #tpu.memory_space<vmem>>, %arg9: memref<512x16xf32, #tpu.memory_space<vmem>>, %arg10: memref<!tpu.dma_semaphore, #tpu.memory_space<semaphore_mem>>, %arg11: memref<4x!tpu.dma_semaphore, #tpu.memory_space<semaphore_mem>>) attributes {dimension_semantics = [#tpu.dimension_semantics<core_parallel>, #tpu.dimension_semantics<subcore_parallel>], iteration_bounds = array<i64: 2, 16>, scalar_prefetch = 0 : i64, scratch_operands = 5 : i64, tpu.core_type = #tpu.core_type<sc_vector_subcore>, window_params = [{transform_indices = #map}, {transform_indices = #map}, {transform_indices = #map}, {transform_indices = #map1}, {transform_indices = #map}]} {
    %mul3A = arith.constant 2 : i32
    %mul3A_0 = arith.muli %arg1, %mul3A : i32
    %add3A = arith.addi %mul3A_0, %arg0 : i32
    %mul3A_1 = arith.constant 512 : i32
    %mul3A_2 = arith.muli %add3A, %mul3A_1 : i32
    %dma_start3A = arith.constant 0 : i32
    %dma_start3A_3 = arith.constant 0 : i32
    %dma_start3A_4 = tpu.memref_slice %arg7[%dma_start3A, %dma_start3A_3] : memref<3x512xi32, #tpu.memory_space<vmem>> -> memref<1x512xi32, #tpu.memory_space<vmem>>
    %dma_start3A_5 = tpu.memref_squeeze %dma_start3A_4 : memref<1x512xi32, #tpu.memory_space<vmem>> -> memref<512xi32, #tpu.memory_space<vmem>>
    %dma_start3A_6 = tpu.memref_slice %arg2[%mul3A_2] : memref<16384xi32, #tpu.memory_space<hbm>> -> memref<512xi32, #tpu.memory_space<hbm>>
    %dma_start3A_7 = arith.constant 0 : i32
    %dma_start3A_8 = tpu.memref_slice %arg7[%dma_start3A, %dma_start3A_7] : memref<3x512xi32, #tpu.memory_space<vmem>> -> memref<1x512xi32, #tpu.memory_space<vmem>>
    %dma_start3A_9 = tpu.memref_squeeze %dma_start3A_8 : memref<1x512xi32, #tpu.memory_space<vmem>> -> memref<512xi32, #tpu.memory_space<vmem>>
    %dma_start3A_10 = tpu.memref_slice %arg2[%mul3A_2] : memref<16384xi32, #tpu.memory_space<hbm>> -> memref<512xi32, #tpu.memory_space<hbm>>
    tpu.enqueue_dma source(%dma_start3A_10 : memref<512xi32, #tpu.memory_space<hbm>>) target(%dma_start3A_9 : memref<512xi32, #tpu.memory_space<vmem>>) target_semaphore(%arg10 : memref<!tpu.dma_semaphore, #tpu.memory_space<semaphore_mem>>)
    %dma_start3A_11 = arith.constant 1 : i32
    %dma_start3A_12 = arith.constant 0 : i32
    %dma_start3A_13 = tpu.memref_slice %arg7[%dma_start3A_11, %dma_start3A_12] : memref<3x512xi32, #tpu.memory_space<vmem>> -> memref<1x512xi32, #tpu.memory_space<vmem>>
    %dma_start3A_14 = tpu.memref_squeeze %dma_start3A_13 : memref<1x512xi32, #tpu.memory_space<vmem>> -> memref<512xi32, #tpu.memory_space<vmem>>
    %dma_start3A_15 = tpu.memref_slice %arg3[%mul3A_2] : memref<16384xi32, #tpu.memory_space<hbm>> -> memref<512xi32, #tpu.memory_space<hbm>>
    %dma_start3A_16 = arith.constant 0 : i32
    %dma_start3A_17 = tpu.memref_slice %arg7[%dma_start3A_11, %dma_start3A_16] : memref<3x512xi32, #tpu.memory_space<vmem>> -> memref<1x512xi32, #tpu.memory_space<vmem>>
    %dma_start3A_18 = tpu.memref_squeeze %dma_start3A_17 : memref<1x512xi32, #tpu.memory_space<vmem>> -> memref<512xi32, #tpu.memory_space<vmem>>
    %dma_start3A_19 = tpu.memref_slice %arg3[%mul3A_2] : memref<16384xi32, #tpu.memory_space<hbm>> -> memref<512xi32, #tpu.memory_space<hbm>>
    tpu.enqueue_dma source(%dma_start3A_19 : memref<512xi32, #tpu.memory_space<hbm>>) target(%dma_start3A_18 : memref<512xi32, #tpu.memory_space<vmem>>) target_semaphore(%arg10 : memref<!tpu.dma_semaphore, #tpu.memory_space<semaphore_mem>>)
    %dma_start3A_20 = arith.constant 2 : i32
    %dma_start3A_21 = arith.constant 0 : i32
    %dma_start3A_22 = tpu.memref_slice %arg7[%dma_start3A_20, %dma_start3A_21] : memref<3x512xi32, #tpu.memory_space<vmem>> -> memref<1x512xi32, #tpu.memory_space<vmem>>
    %dma_start3A_23 = tpu.memref_squeeze %dma_start3A_22 : memref<1x512xi32, #tpu.memory_space<vmem>> -> memref<512xi32, #tpu.memory_space<vmem>>
    %dma_start3A_24 = tpu.memref_slice %arg4[%mul3A_2] : memref<16384xi32, #tpu.memory_space<hbm>> -> memref<512xi32, #tpu.memory_space<hbm>>
    %dma_start3A_25 = arith.constant 0 : i32
    %dma_start3A_26 = tpu.memref_slice %arg7[%dma_start3A_20, %dma_start3A_25] : memref<3x512xi32, #tpu.memory_space<vmem>> -> memref<1x512xi32, #tpu.memory_space<vmem>>
    %dma_start3A_27 = tpu.memref_squeeze %dma_start3A_26 : memref<1x512xi32, #tpu.memory_space<vmem>> -> memref<512xi32, #tpu.memory_space<vmem>>
    %dma_start3A_28 = tpu.memref_slice %arg4[%mul3A_2] : memref<16384xi32, #tpu.memory_space<hbm>> -> memref<512xi32, #tpu.memory_space<hbm>>
    tpu.enqueue_dma source(%dma_start3A_28 : memref<512xi32, #tpu.memory_space<hbm>>) target(%dma_start3A_27 : memref<512xi32, #tpu.memory_space<vmem>>) target_semaphore(%arg10 : memref<!tpu.dma_semaphore, #tpu.memory_space<semaphore_mem>>)
    %dma_wait3A = arith.constant 0 : i32
    %dma_wait3A_29 = arith.constant 0 : i32
    %dma_wait3A_30 = tpu.memref_slice %arg7[%dma_wait3A, %dma_wait3A_29] : memref<3x512xi32, #tpu.memory_space<vmem>> -> memref<1x512xi32, #tpu.memory_space<vmem>>
    %dma_wait3A_31 = tpu.memref_squeeze %dma_wait3A_30 : memref<1x512xi32, #tpu.memory_space<vmem>> -> memref<512xi32, #tpu.memory_space<vmem>>
    %dma_wait3A_32 = tpu.memref_slice %arg2[%mul3A_2] : memref<16384xi32, #tpu.memory_space<hbm>> -> memref<512xi32, #tpu.memory_space<hbm>>
    %dma_wait3A_33 = arith.constant 0 : i32
    %dma_wait3A_34 = tpu.memref_slice %arg7[%dma_wait3A, %dma_wait3A_33] : memref<3x512xi32, #tpu.memory_space<vmem>> -> memref<1x512xi32, #tpu.memory_space<vmem>>
    %dma_wait3A_35 = tpu.memref_squeeze %dma_wait3A_34 : memref<1x512xi32, #tpu.memory_space<vmem>> -> memref<512xi32, #tpu.memory_space<vmem>>
    %dma_wait3A_36 = tpu.memref_slice %arg2[%mul3A_2] : memref<16384xi32, #tpu.memory_space<hbm>> -> memref<512xi32, #tpu.memory_space<hbm>>
    tpu.wait_dma2 semaphore(%arg10 : memref<!tpu.dma_semaphore, #tpu.memory_space<semaphore_mem>>) src(%dma_wait3A_36 : memref<512xi32, #tpu.memory_space<hbm>>) dst(%dma_wait3A_35 : memref<512xi32, #tpu.memory_space<vmem>>)
    %dma_wait3A_37 = arith.constant 1 : i32
    %dma_wait3A_38 = arith.constant 0 : i32
    %dma_wait3A_39 = tpu.memref_slice %arg7[%dma_wait3A_37, %dma_wait3A_38] : memref<3x512xi32, #tpu.memory_space<vmem>> -> memref<1x512xi32, #tpu.memory_space<vmem>>
    %dma_wait3A_40 = tpu.memref_squeeze %dma_wait3A_39 : memref<1x512xi32, #tpu.memory_space<vmem>> -> memref<512xi32, #tpu.memory_space<vmem>>
    %dma_wait3A_41 = tpu.memref_slice %arg3[%mul3A_2] : memref<16384xi32, #tpu.memory_space<hbm>> -> memref<512xi32, #tpu.memory_space<hbm>>
    %dma_wait3A_42 = arith.constant 0 : i32
    %dma_wait3A_43 = tpu.memref_slice %arg7[%dma_wait3A_37, %dma_wait3A_42] : memref<3x512xi32, #tpu.memory_space<vmem>> -> memref<1x512xi32, #tpu.memory_space<vmem>>
    %dma_wait3A_44 = tpu.memref_squeeze %dma_wait3A_43 : memref<1x512xi32, #tpu.memory_space<vmem>> -> memref<512xi32, #tpu.memory_space<vmem>>
    %dma_wait3A_45 = tpu.memref_slice %arg3[%mul3A_2] : memref<16384xi32, #tpu.memory_space<hbm>> -> memref<512xi32, #tpu.memory_space<hbm>>
    tpu.wait_dma2 semaphore(%arg10 : memref<!tpu.dma_semaphore, #tpu.memory_space<semaphore_mem>>) src(%dma_wait3A_45 : memref<512xi32, #tpu.memory_space<hbm>>) dst(%dma_wait3A_44 : memref<512xi32, #tpu.memory_space<vmem>>)
    %dma_wait3A_46 = arith.constant 2 : i32
    %dma_wait3A_47 = arith.constant 0 : i32
    %dma_wait3A_48 = tpu.memref_slice %arg7[%dma_wait3A_46, %dma_wait3A_47] : memref<3x512xi32, #tpu.memory_space<vmem>> -> memref<1x512xi32, #tpu.memory_space<vmem>>
    %dma_wait3A_49 = tpu.memref_squeeze %dma_wait3A_48 : memref<1x512xi32, #tpu.memory_space<vmem>> -> memref<512xi32, #tpu.memory_space<vmem>>
    %dma_wait3A_50 = tpu.memref_slice %arg4[%mul3A_2] : memref<16384xi32, #tpu.memory_space<hbm>> -> memref<512xi32, #tpu.memory_space<hbm>>
    %dma_wait3A_51 = arith.constant 0 : i32
    %dma_wait3A_52 = tpu.memref_slice %arg7[%dma_wait3A_46, %dma_wait3A_51] : memref<3x512xi32, #tpu.memory_space<vmem>> -> memref<1x512xi32, #tpu.memory_space<vmem>>
    %dma_wait3A_53 = tpu.memref_squeeze %dma_wait3A_52 : memref<1x512xi32, #tpu.memory_space<vmem>> -> memref<512xi32, #tpu.memory_space<vmem>>
    %dma_wait3A_54 = tpu.memref_slice %arg4[%mul3A_2] : memref<16384xi32, #tpu.memory_space<hbm>> -> memref<512xi32, #tpu.memory_space<hbm>>
    tpu.wait_dma2 semaphore(%arg10 : memref<!tpu.dma_semaphore, #tpu.memory_space<semaphore_mem>>) src(%dma_wait3A_54 : memref<512xi32, #tpu.memory_space<hbm>>) dst(%dma_wait3A_53 : memref<512xi32, #tpu.memory_space<vmem>>)
    %get3A = arith.constant 1 : i32
    %get3A_55 = arith.constant 0 : i32
    %get3A_56 = tpu.memref_slice %arg7[%get3A, %get3A_55] : memref<3x512xi32, #tpu.memory_space<vmem>> -> memref<1x512xi32, #tpu.memory_space<vmem>>
    %get3A_57 = tpu.memref_squeeze %get3A_56 : memref<1x512xi32, #tpu.memory_space<vmem>> -> memref<512xi32, #tpu.memory_space<vmem>>
    %get3A_58 = arith.constant 0 : index
    %get3A_59 = tpu.vector_load %get3A_57[%get3A_58] {strides = array<i32>} : memref<512xi32, #tpu.memory_space<vmem>>, vector<16xi32>,
    %get3A_60 = arith.constant 2 : i32
    %get3A_61 = arith.constant 0 : i32
    %get3A_62 = tpu.memref_slice %arg7[%get3A_60, %get3A_61] : memref<3x512xi32, #tpu.memory_space<vmem>> -> memref<1x512xi32, #tpu.memory_space<vmem>>
    %get3A_63 = tpu.memref_squeeze %get3A_62 : memref<1x512xi32, #tpu.memory_space<vmem>> -> memref<512xi32, #tpu.memory_space<vmem>>
    %get3A_64 = arith.constant 0 : index
    %get3A_65 = tpu.vector_load %get3A_63[%get3A_64] {strides = array<i32>} : memref<512xi32, #tpu.memory_space<vmem>>, vector<16xi32>,
    %get3A_66 = arith.constant 0 : i32
    %get3A_67 = arith.constant 0 : i32
    %get3A_68 = tpu.memref_slice %arg7[%get3A_66, %get3A_67] : memref<3x512xi32, #tpu.memory_space<vmem>> -> memref<1x512xi32, #tpu.memory_space<vmem>>
    %get3A_69 = tpu.memref_squeeze %get3A_68 : memref<1x512xi32, #tpu.memory_space<vmem>> -> memref<512xi32, #tpu.memory_space<vmem>>
    %get3A_70 = arith.constant 0 : index
    %get3A_71 = tpu.vector_load %get3A_69[%get3A_70] {strides = array<i32>} : memref<512xi32, #tpu.memory_space<vmem>>, vector<16xi32>,
    %shift_left3A = arith.constant 16 : i32
    %shift_left3A_72 = vector.broadcast %shift_left3A : i32 to vector<16xi32>
    %shift_left3A_73 = arith.shli %get3A_71, %shift_left3A_72 : vector<16xi32>
    %shift_right_arithmetic3A = arith.constant 3 : i32
    %shift_right_arithmetic3A_74 = vector.broadcast %shift_right_arithmetic3A : i32 to vector<16xi32>
    %shift_right_arithmetic3A_75 = arith.shrsi %get3A_59, %shift_right_arithmetic3A_74 : vector<16xi32>
    %shift_left3A_76 = arith.constant 11 : i32
    %shift_left3A_77 = vector.broadcast %shift_left3A_76 : i32 to vector<16xi32>
    %shift_left3A_78 = arith.shli %shift_right_arithmetic3A_75, %shift_left3A_77 : vector<16xi32>
    %or3A = arith.ori %shift_left3A_73, %shift_left3A_78 : vector<16xi32>
    %shift_right_arithmetic3A_79 = arith.constant 7 : i32
    %shift_right_arithmetic3A_80 = vector.broadcast %shift_right_arithmetic3A_79 : i32 to vector<16xi32>
    %shift_right_arithmetic3A_81 = arith.shrsi %get3A_65, %shift_right_arithmetic3A_80 : vector<16xi32>
    %shift_left3A_82 = arith.constant 10 : i32
    %shift_left3A_83 = vector.broadcast %shift_left3A_82 : i32 to vector<16xi32>
    %shift_left3A_84 = arith.shli %shift_right_arithmetic3A_81, %shift_left3A_83 : vector<16xi32>
    %or3A_85 = arith.ori %or3A, %shift_left3A_84 : vector<16xi32>
    %and3A = arith.constant 7 : i32
    %and3A_86 = vector.broadcast %and3A : i32 to vector<16xi32>
    %and3A_87 = arith.andi %get3A_59, %and3A_86 : vector<16xi32>
    %shift_left3A_88 = arith.constant 7 : i32
    %shift_left3A_89 = vector.broadcast %shift_left3A_88 : i32 to vector<16xi32>
    %shift_left3A_90 = arith.shli %and3A_87, %shift_left3A_89 : vector<16xi32>
    %or3A_91 = arith.ori %or3A_85, %shift_left3A_90 : vector<16xi32>
    %and3A_92 = arith.constant 127 : i32
    %and3A_93 = vector.broadcast %and3A_92 : i32 to vector<16xi32>
    %and3A_94 = arith.andi %get3A_65, %and3A_93 : vector<16xi32>
    %or3A_95 = arith.ori %or3A_91, %and3A_94 : vector<16xi32>
    %shift_right_arithmetic3A_96 = arith.constant 4 : i32
    %shift_right_arithmetic3A_97 = vector.broadcast %shift_right_arithmetic3A_96 : i32 to vector<16xi32>
    %shift_right_arithmetic3A_98 = arith.shrsi %or3A_95, %shift_right_arithmetic3A_97 : vector<16xi32>
    %swap3A = arith.constant 1 : i32
    %swap3A_99 = arith.constant 0 : i32
    %swap3A_100 = tpu.memref_slice %arg7[%swap3A, %swap3A_99] : memref<3x512xi32, #tpu.memory_space<vmem>> -> memref<1x512xi32, #tpu.memory_space<vmem>>
    %swap3A_101 = tpu.memref_squeeze %swap3A_100 : memref<1x512xi32, #tpu.memory_space<vmem>> -> memref<512xi32, #tpu.memory_space<vmem>>
    %swap3A_102 = arith.constant 0 : index
    %swap3A_103 = tpu.vector_load %swap3A_101[%swap3A_102] {strides = array<i32>} : memref<512xi32, #tpu.memory_space<vmem>>, vector<16xi32>,
    tpu.vector_store %swap3A_101[%swap3A_102], %shift_right_arithmetic3A_98 {strides = array<i32>} : memref<512xi32, #tpu.memory_space<vmem>>, vector<16xi32>,
    %and3A_104 = arith.constant 15 : i32
    %and3A_105 = vector.broadcast %and3A_104 : i32 to vector<16xi32>
    %and3A_106 = arith.andi %or3A_95, %and3A_105 : vector<16xi32>
    %swap3A_107 = arith.constant 2 : i32
    %swap3A_108 = arith.constant 0 : i32
    %swap3A_109 = tpu.memref_slice %arg7[%swap3A_107, %swap3A_108] : memref<3x512xi32, #tpu.memory_space<vmem>> -> memref<1x512xi32, #tpu.memory_space<vmem>>
    %swap3A_110 = tpu.memref_squeeze %swap3A_109 : memref<1x512xi32, #tpu.memory_space<vmem>> -> memref<512xi32, #tpu.memory_space<vmem>>
    %swap3A_111 = arith.constant 0 : index
    %swap3A_112 = tpu.vector_load %swap3A_110[%swap3A_111] {strides = array<i32>} : memref<512xi32, #tpu.memory_space<vmem>>, vector<16xi32>,
    tpu.vector_store %swap3A_110[%swap3A_111], %and3A_106 {strides = array<i32>} : memref<512xi32, #tpu.memory_space<vmem>>, vector<16xi32>,
    %get3A_113 = arith.constant 1 : i32
    %get3A_114 = arith.constant 0 : i32
    %get3A_115 = tpu.memref_slice %arg7[%get3A_113, %get3A_114] : memref<3x512xi32, #tpu.memory_space<vmem>> -> memref<1x512xi32, #tpu.memory_space<vmem>>
    %get3A_116 = tpu.memref_squeeze %get3A_115 : memref<1x512xi32, #tpu.memory_space<vmem>> -> memref<512xi32, #tpu.memory_space<vmem>>
    %get3A_117 = arith.constant 16 : index
    %get3A_118 = tpu.vector_load %get3A_116[%get3A_117] {strides = array<i32>} : memref<512xi32, #tpu.memory_space<vmem>>, vector<16xi32>,
    %get3A_119 = arith.constant 2 : i32
    %get3A_120 = arith.constant 0 : i32
    %get3A_121 = tpu.memref_slice %arg7[%get3A_119, %get3A_120] : memref<3x512xi32, #tpu.memory_space<vmem>> -> memref<1x512xi32, #tpu.memory_space<vmem>>
    %get3A_122 = tpu.memref_squeeze %get3A_121 : memref<1x512xi32, #tpu.memory_space<vmem>> -> memref<512xi32, #tpu.memory_space<vmem>>
    %get3A_123 = arith.constant 16 : index
    %get3A_124 = tpu.vector_load %get3A_122[%get3A_123] {strides = array<i32>} : memref<512xi32, #tpu.memory_space<vmem>>, vector<16xi32>,
    %get3A_125 = arith.constant 0 : i32
    %get3A_126 = arith.constant 0 : i32
    %get3A_127 = tpu.memref_slice %arg7[%get3A_125, %get3A_126] : memref<3x512xi32, #tpu.memory_space<vmem>> -> memref<1x512xi32, #tpu.memory_space<vmem>>
    %get3A_128 = tpu.memref_squeeze %get3A_127 : memref<1x512xi32, #tpu.memory_space<vmem>> -> memref<512xi32, #tpu.memory_space<vmem>>
    %get3A_129 = arith.constant 16 : index
    %get3A_130 = tpu.vector_load %get3A_128[%get3A_129] {strides = array<i32>} : memref<512xi32, #tpu.memory_space<vmem>>, vector<16xi32>,
    %shift_left3A_131 = arith.constant 16 : i32
    %shift_left3A_132 = vector.broadcast %shift_left3A_131 : i32 to vector<16xi32>
    %shift_left3A_133 = arith.shli %get3A_130, %shift_left3A_132 : vector<16xi32>
    %shift_right_arithmetic3A_134 = arith.constant 3 : i32
    %shift_right_arithmetic3A_135 = vector.broadcast %shift_right_arithmetic3A_134 : i32 to vector<16xi32>
    %shift_right_arithmetic3A_136 = arith.shrsi %get3A_118, %shift_right_arithmetic3A_135 : vector<16xi32>
    %shift_left3A_137 = arith.constant 11 : i32
    %shift_left3A_138 = vector.broadcast %shift_left3A_137 : i32 to vector<16xi32>
    %shift_left3A_139 = arith.shli %shift_right_arithmetic3A_136, %shift_left3A_138 : vector<16xi32>
    %or3A_140 = arith.ori %shift_left3A_133, %shift_left3A_139 : vector<16xi32>
    %shift_right_arithmetic3A_141 = arith.constant 7 : i32
    %shift_right_arithmetic3A_142 = vector.broadcast %shift_right_arithmetic3A_141 : i32 to vector<16xi32>
    %shift_right_arithmetic3A_143 = arith.shrsi %get3A_124, %shift_right_arithmetic3A_142 : vector<16xi32>
    %shift_left3A_144 = arith.constant 10 : i32
    %shift_left3A_145 = vector.broadcast %shift_left3A_144 : i32 to vector<16xi32>
    %shift_left3A_146 = arith.shli %shift_right_arithmetic3A_143, %shift_left3A_145 : vector<16xi32>
    %or3A_147 = arith.ori %or3A_140, %shift_left3A_146 : vector<16xi32>
    %and3A_148 = arith.constant 7 : i32
    %and3A_149 = vector.broadcast %and3A_148 : i32 to vector<16xi32>
    %and3A_150 = arith.andi %get3A_118, %and3A_149 : vector<16xi32>
    %shift_left3A_151 = arith.constant 7 : i32
    %shift_left3A_152 = vector.broadcast %shift_left3A_151 : i32 to vector<16xi32>
    %shift_left3A_153 = arith.shli %and3A_150, %shift_left3A_152 : vector<16xi32>
    %or3A_154 = arith.ori %or3A_147, %shift_left3A_153 : vector<16xi32>
    %and3A_155 = arith.constant 127 : i32
    %and3A_156 = vector.broadcast %and3A_155 : i32 to vector<16xi32>
    %and3A_157 = arith.andi %get3A_124, %and3A_156 : vector<16xi32>
    %or3A_158 = arith.ori %or3A_154, %and3A_157 : vector<16xi32>
    %shift_right_arithmetic3A_159 = arith.constant 4 : i32
    %shift_right_arithmetic3A_160 = vector.broadcast %shift_right_arithmetic3A_159 : i32 to vector<16xi32>
    %shift_right_arithmetic3A_161 = arith.shrsi %or3A_158, %shift_right_arithmetic3A_160 : vector<16xi32>
    %swap3A_162 = arith.constant 1 : i32
    %swap3A_163 = arith.constant 0 : i32
    %swap3A_164 = tpu.memref_slice %arg7[%swap3A_162, %swap3A_163] : memref<3x512xi32, #tpu.memory_space<vmem>> -> memref<1x512xi32, #tpu.memory_space<vmem>>
    %swap3A_165 = tpu.memref_squeeze %swap3A_164 : memref<1x512xi32, #tpu.memory_space<vmem>> -> memref<512xi32, #tpu.memory_space<vmem>>
    %swap3A_166 = arith.constant 16 : index
    %swap3A_167 = tpu.vector_load %swap3A_165[%swap3A_166] {strides = array<i32>} : memref<512xi32, #tpu.memory_space<vmem>>, vector<16xi32>,
    tpu.vector_store %swap3A_165[%swap3A_166], %shift_right_arithmetic3A_161 {strides = array<i32>} : memref<512xi32, #tpu.memory_space<vmem>>, vector<16xi32>,
    %and3A_168 = arith.constant 15 : i32
    %and3A_169 = vector.broadcast %and3A_168 : i32 to vector<16xi32>
    %and3A_170 = arith.andi %or3A_158, %and3A_169 : vector<16xi32>
    %swap3A_171 = arith.constant 2 : i32
    %swap3A_172 = arith.constant 0 : i32
    %swap3A_173 = tpu.memref_slice %arg7[%swap3A_171, %swap3A_172] : memref<3x512xi32, #tpu.memory_space<vmem>> -> memref<1x512xi32, #tpu.memory_space<vmem>>
    %swap3A_174 = tpu.memref_squeeze %swap3A_173 : memref<1x512xi32, #tpu.memory_space<vmem>> -> memref<512xi32, #tpu.memory_space<vmem>>
    %swap3A_175 = arith.constant 16 : index
    %swap3A_176 = tpu.vector_load %swap3A_174[%swap3A_175] {strides = array<i32>} : memref<512xi32, #tpu.memory_space<vmem>>, vector<16xi32>,
    tpu.vector_store %swap3A_174[%swap3A_175], %and3A_170 {strides = array<i32>} : memref<512xi32, #tpu.memory_space<vmem>>, vector<16xi32>,
    %get3A_177 = arith.constant 1 : i32
    %get3A_178 = arith.constant 0 : i32
    %get3A_179 = tpu.memref_slice %arg7[%get3A_177, %get3A_178] : memref<3x512xi32, #tpu.memory_space<vmem>> -> memref<1x512xi32, #tpu.memory_space<vmem>>
    %get3A_180 = tpu.memref_squeeze %get3A_179 : memref<1x512xi32, #tpu.memory_space<vmem>> -> memref<512xi32, #tpu.memory_space<vmem>>
    %get3A_181 = arith.constant 32 : index
    %get3A_182 = tpu.vector_load %get3A_180[%get3A_181] {strides = array<i32>} : memref<512xi32, #tpu.memory_space<vmem>>, vector<16xi32>,
    %get3A_183 = arith.constant 2 : i32
    %get3A_184 = arith.constant 0 : i32
    %get3A_185 = tpu.memref_slice %arg7[%get3A_183, %get3A_184] : memref<3x512xi32, #tpu.memory_space<vmem>> -> memref<1x512xi32, #tpu.memory_space<vmem>>
    %get3A_186 = tpu.memref_squeeze %get3A_185 : memref<1x512xi32, #tpu.memory_space<vmem>> -> memref<512xi32, #tpu.memory_space<vmem>>
    %get3A_187 = arith.constant 32 : index
    %get3A_188 = tpu.vector_load %get3A_186[%get3A_187] {strides = array<i32>} : memref<512xi32, #tpu.memory_space<vmem>>, vector<16xi32>,
    %get3A_189 = arith.constant 0 : i32
    %get3A_190 = arith.constant 0 : i32
    %get3A_191 = tpu.memref_slice %arg7[%get3A_189, %get3A_190] : memref<3x512xi32, #tpu.memory_space<vmem>> -> memref<1x512xi32, #tpu.memory_space<vmem>>
    %get3A_192 = tpu.memref_squeeze %get3A_191 : memref<1x512xi32, #tpu.memory_space<vmem>> -> memref<512xi32, #tpu.memory_space<vmem>>
    %get3A_193 = arith.constant 32 : index
    %get3A_194 = tpu.vector_load %get3A_192[%get3A_193] {strides = array<i32>} : memref<512xi32, #tpu.memory_space<vmem>>, vector<16xi32>,
    %shift_left3A_195 = arith.constant 16 : i32
    %shift_left3A_196 = vector.broadcast %shift_left3A_195 : i32 to vector<16xi32>
    %shift_left3A_197 = arith.shli %get3A_194, %shift_left3A_196 : vector<16xi32>
    %shift_right_arithmetic3A_198 = arith.constant 3 : i32
    %shift_right_arithmetic3A_199 = vector.broadcast %shift_right_arithmetic3A_198 : i32 to vector<16xi32>
    %shift_right_arithmetic3A_200 = arith.shrsi %get3A_182, %shift_right_arithmetic3A_199 : vector<16xi32>
    %shift_left3A_201 = arith.constant 11 : i32
    %shift_left3A_202 = vector.broadcast %shift_left3A_201 : i32 to vector<16xi32>
    %shift_left3A_203 = arith.shli %shift_right_arithmetic3A_200, %shift_left3A_202 : vector<16xi32>
    %or3A_204 = arith.ori %shift_left3A_197, %shift_left3A_203 : vector<16xi32>
    %shift_right_arithmetic3A_205 = arith.constant 7 : i32
    %shift_right_arithmetic3A_206 = vector.broadcast %shift_right_arithmetic3A_205 : i32 to vector<16xi32>
    %shift_right_arithmetic3A_207 = arith.shrsi %get3A_188, %shift_right_arithmetic3A_206 : vector<16xi32>
    %shift_left3A_208 = arith.constant 10 : i32
    %shift_left3A_209 = vector.broadcast %shift_left3A_208 : i32 to vector<16xi32>
    %shift_left3A_210 = arith.shli %shift_right_arithmetic3A_207, %shift_left3A_209 : vector<16xi32>
    %or3A_211 = arith.ori %or3A_204, %shift_left3A_210 : vector<16xi32>
    %and3A_212 = arith.constant 7 : i32
    %and3A_213 = vector.broadcast %and3A_212 : i32 to vector<16xi32>
    %and3A_214 = arith.andi %get3A_182, %and3A_213 : vector<16xi32>
    %shift_left3A_215 = arith.constant 7 : i32
    %shift_left3A_216 = vector.broadcast %shift_left3A_215 : i32 to vector<16xi32>
    %shift_left3A_217 = arith.shli %and3A_214, %shift_left3A_216 : vector<16xi32>
    %or3A_218 = arith.ori %or3A_211, %shift_left3A_217 : vector<16xi32>
    %and3A_219 = arith.constant 127 : i32
    %and3A_220 = vector.broadcast %and3A_219 : i32 to vector<16xi32>
    %and3A_221 = arith.andi %get3A_188, %and3A_220 : vector<16xi32>
    %or3A_222 = arith.ori %or3A_218, %and3A_221 : vector<16xi32>
    %shift_right_arithmetic3A_223 = arith.constant 4 : i32
    %shift_right_arithmetic3A_224 = vector.broadcast %shift_right_arithmetic3A_223 : i32 to vector<16xi32>
    %shift_right_arithmetic3A_225 = arith.shrsi %or3A_222, %shift_right_arithmetic3A_224 : vector<16xi32>
    %swap3A_226 = arith.constant 1 : i32
    %swap3A_227 = arith.constant 0 : i32
    %swap3A_228 = tpu.memref_slice %arg7[%swap3A_226, %swap3A_227] : memref<3x512xi32, #tpu.memory_space<vmem>> -> memref<1x512xi32, #tpu.memory_space<vmem>>
    %swap3A_229 = tpu.memref_squeeze %swap3A_228 : memref<1x512xi32, #tpu.memory_space<vmem>> -> memref<512xi32, #tpu.memory_space<vmem>>
    %swap3A_230 = arith.constant 32 : index
    %swap3A_231 = tpu.vector_load %swap3A_229[%swap3A_230] {strides = array<i32>} : memref<512xi32, #tpu.memory_space<vmem>>, vector<16xi32>,
    tpu.vector_store %swap3A_229[%swap3A_230], %shift_right_arithmetic3A_225 {strides = array<i32>} : memref<512xi32, #tpu.memory_space<vmem>>, vector<16xi32>,
    %and3A_232 = arith.constant 15 : i32
    %and3A_233 = vector.broadcast %and3A_232 : i32 to vector<16xi32>
    %and3A_234 = arith.andi %or3A_222, %and3A_233 : vector<16xi32>
    %swap3A_235 = arith.constant 2 : i32
    %swap3A_236 = arith.constant 0 : i32
    %swap3A_237 = tpu.memref_slice %arg7[%swap3A_235, %swap3A_236] : memref<3x512xi32, #tpu.memory_space<vmem>> -> memref<1x512xi32, #tpu.memory_space<vmem>>
    %swap3A_238 = tpu.memref_squeeze %swap3A_237 : memref<1x512xi32, #tpu.memory_space<vmem>> -> memref<512xi32, #tpu.memory_space<vmem>>
    %swap3A_239 = arith.constant 32 : index
    %swap3A_240 = tpu.vector_load %swap3A_238[%swap3A_239] {strides = array<i32>} : memref<512xi32, #tpu.memory_space<vmem>>, vector<16xi32>,
    tpu.vector_store %swap3A_238[%swap3A_239], %and3A_234 {strides = array<i32>} : memref<512xi32, #tpu.memory_space<vmem>>, vector<16xi32>,
    %get3A_241 = arith.constant 1 : i32
    %get3A_242 = arith.constant 0 : i32
    %get3A_243 = tpu.memref_slice %arg7[%get3A_241, %get3A_242] : memref<3x512xi32, #tpu.memory_space<vmem>> -> memref<1x512xi32, #tpu.memory_space<vmem>>
    %get3A_244 = tpu.memref_squeeze %get3A_243 : memref<1x512xi32, #tpu.memory_space<vmem>> -> memref<512xi32, #tpu.memory_space<vmem>>
    %get3A_245 = arith.constant 48 : index
    %get3A_246 = tpu.vector_load %get3A_244[%get3A_245] {strides = array<i32>} : memref<512xi32, #tpu.memory_space<vmem>>, vector<16xi32>,
    %get3A_247 = arith.constant 2 : i32
    %get3A_248 = arith.constant 0 : i32
    %get3A_249 = tpu.memref_slice %arg7[%get3A_247, %get3A_248] : memref<3x512xi32, #tpu.memory_space<vmem>> -> memref<1x512xi32, #tpu.memory_space<vmem>>
    %get3A_250 = tpu.memref_squeeze %get3A_249 : memref<1x512xi32, #tpu.memory_space<vmem>> -> memref<512xi32, #tpu.memory_space<vmem>>
    %get3A_251 = arith.constant 48 : index
    %get3A_252 = tpu.vector_load %get3A_250[%get3A_251] {strides = array<i32>} : memref<512xi32, #tpu.memory_space<vmem>>, vector<16xi32>,
    %get3A_253 = arith.constant 0 : i32
    %get3A_254 = arith.constant 0 : i32
    %get3A_255 = tpu.memref_slice %arg7[%get3A_253, %get3A_254] : memref<3x512xi32, #tpu.memory_space<vmem>> -> memref<1x512xi32, #tpu.memory_space<vmem>>
    %get3A_256 = tpu.memref_squeeze %get3A_255 : memref<1x512xi32, #tpu.memory_space<vmem>> -> memref<512xi32, #tpu.memory_space<vmem>>
    %get3A_257 = arith.constant 48 : index
    %get3A_258 = tpu.vector_load %get3A_256[%get3A_257] {strides = array<i32>} : memref<512xi32, #tpu.memory_space<vmem>>, vector<16xi32>,
    %shift_left3A_259 = arith.constant 16 : i32
    %shift_left3A_260 = vector.broadcast %shift_left3A_259 : i32 to vector<16xi32>
    %shift_left3A_261 = arith.shli %get3A_258, %shift_left3A_260 : vector<16xi32>
    %shift_right_arithmetic3A_262 = arith.constant 3 : i32
    %shift_right_arithmetic3A_263 = vector.broadcast %shift_right_arithmetic3A_262 : i32 to vector<16xi32>
    %shift_right_arithmetic3A_264 = arith.shrsi %get3A_246, %shift_right_arithmetic3A_263 : vector<16xi32>
    %shift_left3A_265 = arith.constant 11 : i32
    %shift_left3A_266 = vector.broadcast %shift_left3A_265 : i32 to vector<16xi32>
    %shift_left3A_267 = arith.shli %shift_right_arithmetic3A_264, %shift_left3A_266 : vector<16xi32>
    %or3A_268 = arith.ori %shift_left3A_261, %shift_left3A_267 : vector<16xi32>
    %shift_right_arithmetic3A_269 = arith.constant 7 : i32
    %shift_right_arithmetic3A_270 = vector.broadcast %shift_right_arithmetic3A_269 : i32 to vector<16xi32>
    %shift_right_arithmetic3A_271 = arith.shrsi %get3A_252, %shift_right_arithmetic3A_270 : vector<16xi32>
    %shift_left3A_272 = arith.constant 10 : i32
    %shift_left3A_273 = vector.broadcast %shift_left3A_272 : i32 to vector<16xi32>
    %shift_left3A_274 = arith.shli %shift_right_arithmetic3A_271, %shift_left3A_273 : vector<16xi32>
    %or3A_275 = arith.ori %or3A_268, %shift_left3A_274 : vector<16xi32>
    %and3A_276 = arith.constant 7 : i32
    %and3A_277 = vector.broadcast %and3A_276 : i32 to vector<16xi32>
    %and3A_278 = arith.andi %get3A_246, %and3A_277 : vector<16xi32>
    %shift_left3A_279 = arith.constant 7 : i32
    %shift_left3A_280 = vector.broadcast %shift_left3A_279 : i32 to vector<16xi32>
    %shift_left3A_281 = arith.shli %and3A_278, %shift_left3A_280 : vector<16xi32>
    %or3A_282 = arith.ori %or3A_275, %shift_left3A_281 : vector<16xi32>
    %and3A_283 = arith.constant 127 : i32
    %and3A_284 = vector.broadcast %and3A_283 : i32 to vector<16xi32>
    %and3A_285 = arith.andi %get3A_252, %and3A_284 : vector<16xi32>
    %or3A_286 = arith.ori %or3A_282, %and3A_285 : vector<16xi32>
    %shift_right_arithmetic3A_287 = arith.constant 4 : i32
    %shift_right_arithmetic3A_288 = vector.broadcast %shift_right_arithmetic3A_287 : i32 to vector<16xi32>
    %shift_right_arithmetic3A_289 = arith.shrsi %or3A_286, %shift_right_arithmetic3A_288 : vector<16xi32>
    %swap3A_290 = arith.constant 1 : i32
    %swap3A_291 = arith.constant 0 : i32
    %swap3A_292 = tpu.memref_slice %arg7[%swap3A_290, %swap3A_291] : memref<3x512xi32, #tpu.memory_space<vmem>> -> memref<1x512xi32, #tpu.memory_space<vmem>>
    %swap3A_293 = tpu.memref_squeeze %swap3A_292 : memref<1x512xi32, #tpu.memory_space<vmem>> -> memref<512xi32, #tpu.memory_space<vmem>>
    %swap3A_294 = arith.constant 48 : index
    %swap3A_295 = tpu.vector_load %swap3A_293[%swap3A_294] {strides = array<i32>} : memref<512xi32, #tpu.memory_space<vmem>>, vector<16xi32>,
    tpu.vector_store %swap3A_293[%swap3A_294], %shift_right_arithmetic3A_289 {strides = array<i32>} : memref<512xi32, #tpu.memory_space<vmem>>, vector<16xi32>,
    %and3A_296 = arith.constant 15 : i32
    %and3A_297 = vector.broadcast %and3A_296 : i32 to vector<16xi32>
    %and3A_298 = arith.andi %or3A_286, %and3A_297 : vector<16xi32>
    %swap3A_299 = arith.constant 2 : i32
    %swap3A_300 = arith.constant 0 : i32
    %swap3A_301 = tpu.memref_slice %arg7[%swap3A_299, %swap3A_300] : memref<3x512xi32, #tpu.memory_space<vmem>> -> memref<1x512xi32, #tpu.memory_space<vmem>>
    %swap3A_302 = tpu.memref_squeeze %swap3A_301 : memref<1x512xi32, #tpu.memory_space<vmem>> -> memref<512xi32, #tpu.memory_space<vmem>>
    %swap3A_303 = arith.constant 48 : index
    %swap3A_304 = tpu.vector_load %swap3A_302[%swap3A_303] {strides = array<i32>} : memref<512xi32, #tpu.memory_space<vmem>>, vector<16xi32>,
    tpu.vector_store %swap3A_302[%swap3A_303], %and3A_298 {strides = array<i32>} : memref<512xi32, #tpu.memory_space<vmem>>, vector<16xi32>,
    %get3A_305 = arith.constant 1 : i32
    %get3A_306 = arith.constant 0 : i32
    %get3A_307 = tpu.memref_slice %arg7[%get3A_305, %get3A_306] : memref<3x512xi32, #tpu.memory_space<vmem>> -> memref<1x512xi32, #tpu.memory_space<vmem>>
    %get3A_308 = tpu.memref_squeeze %get3A_307 : memref<1x512xi32, #tpu.memory_space<vmem>> -> memref<512xi32, #tpu.memory_space<vmem>>
    %get3A_309 = arith.constant 64 : index
    %get3A_310 = tpu.vector_load %get3A_308[%get3A_309] {strides = array<i32>} : memref<512xi32, #tpu.memory_space<vmem>>, vector<16xi32>,
    %get3A_311 = arith.constant 2 : i32
    %get3A_312 = arith.constant 0 : i32
    %get3A_313 = tpu.memref_slice %arg7[%get3A_311, %get3A_312] : memref<3x512xi32, #tpu.memory_space<vmem>> -> memref<1x512xi32, #tpu.memory_space<vmem>>
    %get3A_314 = tpu.memref_squeeze %get3A_313 : memref<1x512xi32, #tpu.memory_space<vmem>> -> memref<512xi32, #tpu.memory_space<vmem>>
    %get3A_315 = arith.constant 64 : index
    %get3A_316 = tpu.vector_load %get3A_314[%get3A_315] {strides = array<i32>} : memref<512xi32, #tpu.memory_space<vmem>>, vector<16xi32>,
    %get3A_317 = arith.constant 0 : i32
    %get3A_318 = arith.constant 0 : i32
    %get3A_319 = tpu.memref_slice %arg7[%get3A_317, %get3A_318] : memref<3x512xi32, #tpu.memory_space<vmem>> -> memref<1x512xi32, #tpu.memory_space<vmem>>
    %get3A_320 = tpu.memref_squeeze %get3A_319 : memref<1x512xi32, #tpu.memory_space<vmem>> -> memref<512xi32, #tpu.memory_space<vmem>>
    %get3A_321 = arith.constant 64 : index
    %get3A_322 = tpu.vector_load %get3A_320[%get3A_321] {strides = array<i32>} : memref<512xi32, #tpu.memory_space<vmem>>, vector<16xi32>,
    %shift_left3A_323 = arith.constant 16 : i32
    %shift_left3A_324 = vector.broadcast %shift_left3A_323 : i32 to vector<16xi32>
    %shift_left3A_325 = arith.shli %get3A_322, %shift_left3A_324 : vector<16xi32>
    %shift_right_arithmetic3A_326 = arith.constant 3 : i32
    %shift_right_arithmetic3A_327 = vector.broadcast %shift_right_arithmetic3A_326 : i32 to vector<16xi32>
    %shift_right_arithmetic3A_328 = arith.shrsi %get3A_310, %shift_right_arithmetic3A_327 : vector<16xi32>
    %shift_left3A_329 = arith.constant 11 : i32
    %shift_left3A_330 = vector.broadcast %shift_left3A_329 : i32 to vector<16xi32>
    %shift_left3A_331 = arith.shli %shift_right_arithmetic3A_328, %shift_left3A_330 : vector<16xi32>
    %or3A_332 = arith.ori %shift_left3A_325, %shift_left3A_331 : vector<16xi32>
    %shift_right_arithmetic3A_333 = arith.constant 7 : i32
    %shift_right_arithmetic3A_334 = vector.broadcast %shift_right_arithmetic3A_333 : i32 to vector<16xi32>
    %shift_right_arithmetic3A_335 = arith.shrsi %get3A_316, %shift_right_arithmetic3A_334 : vector<16xi32>
    %shift_left3A_336 = arith.constant 10 : i32
    %shift_left3A_337 = vector.broadcast %shift_left3A_336 : i32 to vector<16xi32>
    %shift_left3A_338 = arith.shli %shift_right_arithmetic3A_335, %shift_left3A_337 : vector<16xi32>
    %or3A_339 = arith.ori %or3A_332, %shift_left3A_338 : vector<16xi32>
    %and3A_340 = arith.constant 7 : i32
    %and3A_341 = vector.broadcast %and3A_340 : i32 to vector<16xi32>
    %and3A_342 = arith.andi %get3A_310, %and3A_341 : vector<16xi32>
    %shift_left3A_343 = arith.constant 7 : i32
    %shift_left3A_344 = vector.broadcast %shift_left3A_343 : i32 to vector<16xi32>
    %shift_left3A_345 = arith.shli %and3A_342, %shift_left3A_344 : vector<16xi32>
    %or3A_346 = arith.ori %or3A_339, %shift_left3A_345 : vector<16xi32>
    %and3A_347 = arith.constant 127 : i32
    %and3A_348 = vector.broadcast %and3A_347 : i32 to vector<16xi32>
    %and3A_349 = arith.andi %get3A_316, %and3A_348 : vector<16xi32>
    %or3A_350 = arith.ori %or3A_346, %and3A_349 : vector<16xi32>
    %shift_right_arithmetic3A_351 = arith.constant 4 : i32
    %shift_right_arithmetic3A_352 = vector.broadcast %shift_right_arithmetic3A_351 : i32 to vector<16xi32>
    %shift_right_arithmetic3A_353 = arith.shrsi %or3A_350, %shift_right_arithmetic3A_352 : vector<16xi32>
    %swap3A_354 = arith.constant 1 : i32
    %swap3A_355 = arith.constant 0 : i32
    %swap3A_356 = tpu.memref_slice %arg7[%swap3A_354, %swap3A_355] : memref<3x512xi32, #tpu.memory_space<vmem>> -> memref<1x512xi32, #tpu.memory_space<vmem>>
    %swap3A_357 = tpu.memref_squeeze %swap3A_356 : memref<1x512xi32, #tpu.memory_space<vmem>> -> memref<512xi32, #tpu.memory_space<vmem>>
    %swap3A_358 = arith.constant 64 : index
    %swap3A_359 = tpu.vector_load %swap3A_357[%swap3A_358] {strides = array<i32>} : memref<512xi32, #tpu.memory_space<vmem>>, vector<16xi32>,
    tpu.vector_store %swap3A_357[%swap3A_358], %shift_right_arithmetic3A_353 {strides = array<i32>} : memref<512xi32, #tpu.memory_space<vmem>>, vector<16xi32>,
    %and3A_360 = arith.constant 15 : i32
    %and3A_361 = vector.broadcast %and3A_360 : i32 to vector<16xi32>
    %and3A_362 = arith.andi %or3A_350, %and3A_361 : vector<16xi32>
    %swap3A_363 = arith.constant 2 : i32
    %swap3A_364 = arith.constant 0 : i32
    %swap3A_365 = tpu.memref_slice %arg7[%swap3A_363, %swap3A_364] : memref<3x512xi32, #tpu.memory_space<vmem>> -> memref<1x512xi32, #tpu.memory_space<vmem>>
    %swap3A_366 = tpu.memref_squeeze %swap3A_365 : memref<1x512xi32, #tpu.memory_space<vmem>> -> memref<512xi32, #tpu.memory_space<vmem>>
    %swap3A_367 = arith.constant 64 : index
    %swap3A_368 = tpu.vector_load %swap3A_366[%swap3A_367] {strides = array<i32>} : memref<512xi32, #tpu.memory_space<vmem>>, vector<16xi32>,
    tpu.vector_store %swap3A_366[%swap3A_367], %and3A_362 {strides = array<i32>} : memref<512xi32, #tpu.memory_space<vmem>>, vector<16xi32>,
    %get3A_369 = arith.constant 1 : i32
    %get3A_370 = arith.constant 0 : i32
    %get3A_371 = tpu.memref_slice %arg7[%get3A_369, %get3A_370] : memref<3x512xi32, #tpu.memory_space<vmem>> -> memref<1x512xi32, #tpu.memory_space<vmem>>
    %get3A_372 = tpu.memref_squeeze %get3A_371 : memref<1x512xi32, #tpu.memory_space<vmem>> -> memref<512xi32, #tpu.memory_space<vmem>>
    %get3A_373 = arith.constant 80 : index
    %get3A_374 = tpu.vector_load %get3A_372[%get3A_373] {strides = array<i32>} : memref<512xi32, #tpu.memory_space<vmem>>, vector<16xi32>,
    %get3A_375 = arith.constant 2 : i32
    %get3A_376 = arith.constant 0 : i32
    %get3A_377 = tpu.memref_slice %arg7[%get3A_375, %get3A_376] : memref<3x512xi32, #tpu.memory_space<vmem>> -> memref<1x512xi32, #tpu.memory_space<vmem>>
    %get3A_378 = tpu.memref_squeeze %get3A_377 : memref<1x512xi32, #tpu.memory_space<vmem>> -> memref<512xi32, #tpu.memory_space<vmem>>
    %get3A_379 = arith.constant 80 : index
    %get3A_380 = tpu.vector_load %get3A_378[%get3A_379] {strides = array<i32>} : memref<512xi32, #tpu.memory_space<vmem>>, vector<16xi32>,
    %get3A_381 = arith.constant 0 : i32
    %get3A_382 = arith.constant 0 : i32
    %get3A_383 = tpu.memref_slice %arg7[%get3A_381, %get3A_382] : memref<3x512xi32, #tpu.memory_space<vmem>> -> memref<1x512xi32, #tpu.memory_space<vmem>>
    %get3A_384 = tpu.memref_squeeze %get3A_383 : memref<1x512xi32, #tpu.memory_space<vmem>> -> memref<512xi32, #tpu.memory_space<vmem>>
    %get3A_385 = arith.constant 80 : index
    %get3A_386 = tpu.vector_load %get3A_384[%get3A_385] {strides = array<i32>} : memref<512xi32, #tpu.memory_space<vmem>>, vector<16xi32>,
    %shift_left3A_387 = arith.constant 16 : i32
    %shift_left3A_388 = vector.broadcast %shift_left3A_387 : i32 to vector<16xi32>
    %shift_left3A_389 = arith.shli %get3A_386, %shift_left3A_388 : vector<16xi32>
    %shift_right_arithmetic3A_390 = arith.constant 3 : i32
    %shift_right_arithmetic3A_391 = vector.broadcast %shift_right_arithmetic3A_390 : i32 to vector<16xi32>
    %shift_right_arithmetic3A_392 = arith.shrsi %get3A_374, %shift_right_arithmetic3A_391 : vector<16xi32>
    %shift_left3A_393 = arith.constant 11 : i32
    %shift_left3A_394 = vector.broadcast %shift_left3A_393 : i32 to vector<16xi32>
    %shift_left3A_395 = arith.shli %shift_right_arithmetic3A_392, %shift_left3A_394 : vector<16xi32>
    %or3A_396 = arith.ori %shift_left3A_389, %shift_left3A_395 : vector<16xi32>
    %shift_right_arithmetic3A_397 = arith.constant 7 : i32
    %shift_right_arithmetic3A_398 = vector.broadcast %shift_right_arithmetic3A_397 : i32 to vector<16xi32>
    %shift_right_arithmetic3A_399 = arith.shrsi %get3A_380, %shift_right_arithmetic3A_398 : vector<16xi32>
    %shift_left3A_400 = arith.constant 10 : i32
    %shift_left3A_401 = vector.broadcast %shift_left3A_400 : i32 to vector<16xi32>
    %shift_left3A_402 = arith.shli %shift_right_arithmetic3A_399, %shift_left3A_401 : vector<16xi32>
    %or3A_403 = arith.ori %or3A_396, %shift_left3A_402 : vector<16xi32>
    %and3A_404 = arith.constant 7 : i32
    %and3A_405 = vector.broadcast %and3A_404 : i32 to vector<16xi32>
    %and3A_406 = arith.andi %get3A_374, %and3A_405 : vector<16xi32>
    %shift_left3A_407 = arith.constant 7 : i32
    %shift_left3A_408 = vector.broadcast %shift_left3A_407 : i32 to vector<16xi32>
    %shift_left3A_409 = arith.shli %and3A_406, %shift_left3A_408 : vector<16xi32>
    %or3A_410 = arith.ori %or3A_403, %shift_left3A_409 : vector<16xi32>
    %and3A_411 = arith.constant 127 : i32
    %and3A_412 = vector.broadcast %and3A_411 : i32 to vector<16xi32>
    %and3A_413 = arith.andi %get3A_380, %and3A_412 : vector<16xi32>
    %or3A_414 = arith.ori %or3A_410, %and3A_413 : vector<16xi32>
    %shift_right_arithmetic3A_415 = arith.constant 4 : i32
    %shift_right_arithmetic3A_416 = vector.broadcast %shift_right_arithmetic3A_415 : i32 to vector<16xi32>
    %shift_right_arithmetic3A_417 = arith.shrsi %or3A_414, %shift_right_arithmetic3A_416 : vector<16xi32>
    %swap3A_418 = arith.constant 1 : i32
    %swap3A_419 = arith.constant 0 : i32
    %swap3A_420 = tpu.memref_slice %arg7[%swap3A_418, %swap3A_419] : memref<3x512xi32, #tpu.memory_space<vmem>> -> memref<1x512xi32, #tpu.memory_space<vmem>>
    %swap3A_421 = tpu.memref_squeeze %swap3A_420 : memref<1x512xi32, #tpu.memory_space<vmem>> -> memref<512xi32, #tpu.memory_space<vmem>>
    %swap3A_422 = arith.constant 80 : index
    %swap3A_423 = tpu.vector_load %swap3A_421[%swap3A_422] {strides = array<i32>} : memref<512xi32, #tpu.memory_space<vmem>>, vector<16xi32>,
    tpu.vector_store %swap3A_421[%swap3A_422], %shift_right_arithmetic3A_417 {strides = array<i32>} : memref<512xi32, #tpu.memory_space<vmem>>, vector<16xi32>,
    %and3A_424 = arith.constant 15 : i32
    %and3A_425 = vector.broadcast %and3A_424 : i32 to vector<16xi32>
    %and3A_426 = arith.andi %or3A_414, %and3A_425 : vector<16xi32>
    %swap3A_427 = arith.constant 2 : i32
    %swap3A_428 = arith.constant 0 : i32
    %swap3A_429 = tpu.memref_slice %arg7[%swap3A_427, %swap3A_428] : memref<3x512xi32, #tpu.memory_space<vmem>> -> memref<1x512xi32, #tpu.memory_space<vmem>>
    %swap3A_430 = tpu.memref_squeeze %swap3A_429 : memref<1x512xi32, #tpu.memory_space<vmem>> -> memref<512xi32, #tpu.memory_space<vmem>>
    %swap3A_431 = arith.constant 80 : index
    %swap3A_432 = tpu.vector_load %swap3A_430[%swap3A_431] {strides = array<i32>} : memref<512xi32, #tpu.memory_space<vmem>>, vector<16xi32>,
    tpu.vector_store %swap3A_430[%swap3A_431], %and3A_426 {strides = array<i32>} : memref<512xi32, #tpu.memory_space<vmem>>, vector<16xi32>,
    %get3A_433 = arith.constant 1 : i32
    %get3A_434 = arith.constant 0 : i32
    %get3A_435 = tpu.memref_slice %arg7[%get3A_433, %get3A_434] : memref<3x512xi32, #tpu.memory_space<vmem>> -> memref<1x512xi32, #tpu.memory_space<vmem>>
    %get3A_436 = tpu.memref_squeeze %get3A_435 : memref<1x512xi32, #tpu.memory_space<vmem>> -> memref<512xi32, #tpu.memory_space<vmem>>
    %get3A_437 = arith.constant 96 : index
    %get3A_438 = tpu.vector_load %get3A_436[%get3A_437] {strides = array<i32>} : memref<512xi32, #tpu.memory_space<vmem>>, vector<16xi32>,
    %get3A_439 = arith.constant 2 : i32
    %get3A_440 = arith.constant 0 : i32
    %get3A_441 = tpu.memref_slice %arg7[%get3A_439, %get3A_440] : memref<3x512xi32, #tpu.memory_space<vmem>> -> memref<1x512xi32, #tpu.memory_space<vmem>>
    %get3A_442 = tpu.memref_squeeze %get3A_441 : memref<1x512xi32, #tpu.memory_space<vmem>> -> memref<512xi32, #tpu.memory_space<vmem>>
    %get3A_443 = arith.constant 96 : index
    %get3A_444 = tpu.vector_load %get3A_442[%get3A_443] {strides = array<i32>} : memref<512xi32, #tpu.memory_space<vmem>>, vector<16xi32>,
    %get3A_445 = arith.constant 0 : i32
    %get3A_446 = arith.constant 0 : i32
    %get3A_447 = tpu.memref_slice %arg7[%get3A_445, %get3A_446] : memref<3x512xi32, #tpu.memory_space<vmem>> -> memref<1x512xi32, #tpu.memory_space<vmem>>
    %get3A_448 = tpu.memref_squeeze %get3A_447 : memref<1x512xi32, #tpu.memory_space<vmem>> -> memref<512xi32, #tpu.memory_space<vmem>>
    %get3A_449 = arith.constant 96 : index
    %get3A_450 = tpu.vector_load %get3A_448[%get3A_449] {strides = array<i32>} : memref<512xi32, #tpu.memory_space<vmem>>, vector<16xi32>,
    %shift_left3A_451 = arith.constant 16 : i32
    %shift_left3A_452 = vector.broadcast %shift_left3A_451 : i32 to vector<16xi32>
    %shift_left3A_453 = arith.shli %get3A_450, %shift_left3A_452 : vector<16xi32>
    %shift_right_arithmetic3A_454 = arith.constant 3 : i32
    %shift_right_arithmetic3A_455 = vector.broadcast %shift_right_arithmetic3A_454 : i32 to vector<16xi32>
    %shift_right_arithmetic3A_456 = arith.shrsi %get3A_438, %shift_right_arithmetic3A_455 : vector<16xi32>
    %shift_left3A_457 = arith.constant 11 : i32
    %shift_left3A_458 = vector.broadcast %shift_left3A_457 : i32 to vector<16xi32>
    %shift_left3A_459 = arith.shli %shift_right_arithmetic3A_456, %shift_left3A_458 : vector<16xi32>
    %or3A_460 = arith.ori %shift_left3A_453, %shift_left3A_459 : vector<16xi32>
    %shift_right_arithmetic3A_461 = arith.constant 7 : i32
    %shift_right_arithmetic3A_462 = vector.broadcast %shift_right_arithmetic3A_461 : i32 to vector<16xi32>
    %shift_right_arithmetic3A_463 = arith.shrsi %get3A_444, %shift_right_arithmetic3A_462 : vector<16xi32>
    %shift_left3A_464 = arith.constant 10 : i32
    %shift_left3A_465 = vector.broadcast %shift_left3A_464 : i32 to vector<16xi32>
    %shift_left3A_466 = arith.shli %shift_right_arithmetic3A_463, %shift_left3A_465 : vector<16xi32>
    %or3A_467 = arith.ori %or3A_460, %shift_left3A_466 : vector<16xi32>
    %and3A_468 = arith.constant 7 : i32
    %and3A_469 = vector.broadcast %and3A_468 : i32 to vector<16xi32>
    %and3A_470 = arith.andi %get3A_438, %and3A_469 : vector<16xi32>
    %shift_left3A_471 = arith.constant 7 : i32
    %shift_left3A_472 = vector.broadcast %shift_left3A_471 : i32 to vector<16xi32>
    %shift_left3A_473 = arith.shli %and3A_470, %shift_left3A_472 : vector<16xi32>
    %or3A_474 = arith.ori %or3A_467, %shift_left3A_473 : vector<16xi32>
    %and3A_475 = arith.constant 127 : i32
    %and3A_476 = vector.broadcast %and3A_475 : i32 to vector<16xi32>
    %and3A_477 = arith.andi %get3A_444, %and3A_476 : vector<16xi32>
    %or3A_478 = arith.ori %or3A_474, %and3A_477 : vector<16xi32>
    %shift_right_arithmetic3A_479 = arith.constant 4 : i32
    %shift_right_arithmetic3A_480 = vector.broadcast %shift_right_arithmetic3A_479 : i32 to vector<16xi32>
    %shift_right_arithmetic3A_481 = arith.shrsi %or3A_478, %shift_right_arithmetic3A_480 : vector<16xi32>
    %swap3A_482 = arith.constant 1 : i32
    %swap3A_483 = arith.constant 0 : i32
    %swap3A_484 = tpu.memref_slice %arg7[%swap3A_482, %swap3A_483] : memref<3x512xi32, #tpu.memory_space<vmem>> -> memref<1x512xi32, #tpu.memory_space<vmem>>
    %swap3A_485 = tpu.memref_squeeze %swap3A_484 : memref<1x512xi32, #tpu.memory_space<vmem>> -> memref<512xi32, #tpu.memory_space<vmem>>
    %swap3A_486 = arith.constant 96 : index
    %swap3A_487 = tpu.vector_load %swap3A_485[%swap3A_486] {strides = array<i32>} : memref<512xi32, #tpu.memory_space<vmem>>, vector<16xi32>,
    tpu.vector_store %swap3A_485[%swap3A_486], %shift_right_arithmetic3A_481 {strides = array<i32>} : memref<512xi32, #tpu.memory_space<vmem>>, vector<16xi32>,
    %and3A_488 = arith.constant 15 : i32
    %and3A_489 = vector.broadcast %and3A_488 : i32 to vector<16xi32>
    %and3A_490 = arith.andi %or3A_478, %and3A_489 : vector<16xi32>
    %swap3A_491 = arith.constant 2 : i32
    %swap3A_492 = arith.constant 0 : i32
    %swap3A_493 = tpu.memref_slice %arg7[%swap3A_491, %swap3A_492] : memref<3x512xi32, #tpu.memory_space<vmem>> -> memref<1x512xi32, #tpu.memory_space<vmem>>
    %swap3A_494 = tpu.memref_squeeze %swap3A_493 : memref<1x512xi32, #tpu.memory_space<vmem>> -> memref<512xi32, #tpu.memory_space<vmem>>
    %swap3A_495 = arith.constant 96 : index
    %swap3A_496 = tpu.vector_load %swap3A_494[%swap3A_495] {strides = array<i32>} : memref<512xi32, #tpu.memory_space<vmem>>, vector<16xi32>,
    tpu.vector_store %swap3A_494[%swap3A_495], %and3A_490 {strides = array<i32>} : memref<512xi32, #tpu.memory_space<vmem>>, vector<16xi32>,
    %get3A_497 = arith.constant 1 : i32
    %get3A_498 = arith.constant 0 : i32
    %get3A_499 = tpu.memref_slice %arg7[%get3A_497, %get3A_498] : memref<3x512xi32, #tpu.memory_space<vmem>> -> memref<1x512xi32, #tpu.memory_space<vmem>>
    %get3A_500 = tpu.memref_squeeze %get3A_499 : memref<1x512xi32, #tpu.memory_space<vmem>> -> memref<512xi32, #tpu.memory_space<vmem>>
    %get3A_501 = arith.constant 112 : index
    %get3A_502 = tpu.vector_load %get3A_500[%get3A_501] {strides = array<i32>} : memref<512xi32, #tpu.memory_space<vmem>>, vector<16xi32>,
    %get3A_503 = arith.constant 2 : i32
    %get3A_504 = arith.constant 0 : i32
    %get3A_505 = tpu.memref_slice %arg7[%get3A_503, %get3A_504] : memref<3x512xi32, #tpu.memory_space<vmem>> -> memref<1x512xi32, #tpu.memory_space<vmem>>
    %get3A_506 = tpu.memref_squeeze %get3A_505 : memref<1x512xi32, #tpu.memory_space<vmem>> -> memref<512xi32, #tpu.memory_space<vmem>>
    %get3A_507 = arith.constant 112 : index
    %get3A_508 = tpu.vector_load %get3A_506[%get3A_507] {strides = array<i32>} : memref<512xi32, #tpu.memory_space<vmem>>, vector<16xi32>,
    %get3A_509 = arith.constant 0 : i32
    %get3A_510 = arith.constant 0 : i32
    %get3A_511 = tpu.memref_slice %arg7[%get3A_509, %get3A_510] : memref<3x512xi32, #tpu.memory_space<vmem>> -> memref<1x512xi32, #tpu.memory_space<vmem>>
    %get3A_512 = tpu.memref_squeeze %get3A_511 : memref<1x512xi32, #tpu.memory_space<vmem>> -> memref<512xi32, #tpu.memory_space<vmem>>
    %get3A_513 = arith.constant 112 : index
    %get3A_514 = tpu.vector_load %get3A_512[%get3A_513] {strides = array<i32>} : memref<512xi32, #tpu.memory_space<vmem>>, vector<16xi32>,
    %shift_left3A_515 = arith.constant 16 : i32
    %shift_left3A_516 = vector.broadcast %shift_left3A_515 : i32 to vector<16xi32>
    %shift_left3A_517 = arith.shli %get3A_514, %shift_left3A_516 : vector<16xi32>
    %shift_right_arithmetic3A_518 = arith.constant 3 : i32
    %shift_right_arithmetic3A_519 = vector.broadcast %shift_right_arithmetic3A_518 : i32 to vector<16xi32>
    %shift_right_arithmetic3A_520 = arith.shrsi %get3A_502, %shift_right_arithmetic3A_519 : vector<16xi32>
    %shift_left3A_521 = arith.constant 11 : i32
    %shift_left3A_522 = vector.broadcast %shift_left3A_521 : i32 to vector<16xi32>
    %shift_left3A_523 = arith.shli %shift_right_arithmetic3A_520, %shift_left3A_522 : vector<16xi32>
    %or3A_524 = arith.ori %shift_left3A_517, %shift_left3A_523 : vector<16xi32>
    %shift_right_arithmetic3A_525 = arith.constant 7 : i32
    %shift_right_arithmetic3A_526 = vector.broadcast %shift_right_arithmetic3A_525 : i32 to vector<16xi32>
    %shift_right_arithmetic3A_527 = arith.shrsi %get3A_508, %shift_right_arithmetic3A_526 : vector<16xi32>
    %shift_left3A_528 = arith.constant 10 : i32
    %shift_left3A_529 = vector.broadcast %shift_left3A_528 : i32 to vector<16xi32>
    %shift_left3A_530 = arith.shli %shift_right_arithmetic3A_527, %shift_left3A_529 : vector<16xi32>
    %or3A_531 = arith.ori %or3A_524, %shift_left3A_530 : vector<16xi32>
    %and3A_532 = arith.constant 7 : i32
    %and3A_533 = vector.broadcast %and3A_532 : i32 to vector<16xi32>
    %and3A_534 = arith.andi %get3A_502, %and3A_533 : vector<16xi32>
    %shift_left3A_535 = arith.constant 7 : i32
    %shift_left3A_536 = vector.broadcast %shift_left3A_535 : i32 to vector<16xi32>
    %shift_left3A_537 = arith.shli %and3A_534, %shift_left3A_536 : vector<16xi32>
    %or3A_538 = arith.ori %or3A_531, %shift_left3A_537 : vector<16xi32>
    %and3A_539 = arith.constant 127 : i32
    %and3A_540 = vector.broadcast %and3A_539 : i32 to vector<16xi32>
    %and3A_541 = arith.andi %get3A_508, %and3A_540 : vector<16xi32>
    %or3A_542 = arith.ori %or3A_538, %and3A_541 : vector<16xi32>
    %shift_right_arithmetic3A_543 = arith.constant 4 : i32
    %shift_right_arithmetic3A_544 = vector.broadcast %shift_right_arithmetic3A_543 : i32 to vector<16xi32>
    %shift_right_arithmetic3A_545 = arith.shrsi %or3A_542, %shift_right_arithmetic3A_544 : vector<16xi32>
    %swap3A_546 = arith.constant 1 : i32
    %swap3A_547 = arith.constant 0 : i32
    %swap3A_548 = tpu.memref_slice %arg7[%swap3A_546, %swap3A_547] : memref<3x512xi32, #tpu.memory_space<vmem>> -> memref<1x512xi32, #tpu.memory_space<vmem>>
    %swap3A_549 = tpu.memref_squeeze %swap3A_548 : memref<1x512xi32, #tpu.memory_space<vmem>> -> memref<512xi32, #tpu.memory_space<vmem>>
    %swap3A_550 = arith.constant 112 : index
    %swap3A_551 = tpu.vector_load %swap3A_549[%swap3A_550] {strides = array<i32>} : memref<512xi32, #tpu.memory_space<vmem>>, vector<16xi32>,
    tpu.vector_store %swap3A_549[%swap3A_550], %shift_right_arithmetic3A_545 {strides = array<i32>} : memref<512xi32, #tpu.memory_space<vmem>>, vector<16xi32>,
    %and3A_552 = arith.constant 15 : i32
    %and3A_553 = vector.broadcast %and3A_552 : i32 to vector<16xi32>
    %and3A_554 = arith.andi %or3A_542, %and3A_553 : vector<16xi32>
    %swap3A_555 = arith.constant 2 : i32
    %swap3A_556 = arith.constant 0 : i32
    %swap3A_557 = tpu.memref_slice %arg7[%swap3A_555, %swap3A_556] : memref<3x512xi32, #tpu.memory_space<vmem>> -> memref<1x512xi32, #tpu.memory_space<vmem>>
    %swap3A_558 = tpu.memref_squeeze %swap3A_557 : memref<1x512xi32, #tpu.memory_space<vmem>> -> memref<512xi32, #tpu.memory_space<vmem>>
    %swap3A_559 = arith.constant 112 : index
    %swap3A_560 = tpu.vector_load %swap3A_558[%swap3A_559] {strides = array<i32>} : memref<512xi32, #tpu.memory_space<vmem>>, vector<16xi32>,
    tpu.vector_store %swap3A_558[%swap3A_559], %and3A_554 {strides = array<i32>} : memref<512xi32, #tpu.memory_space<vmem>>, vector<16xi32>,
    %dma_start3A_561 = arith.constant 1 : i32
    %dma_start3A_562 = arith.constant 0 : i32
    %dma_start3A_563 = arith.constant 0 : i32
    %dma_start3A_564 = arith.constant 0 : i32
    %dma_start3A_565 = tpu.memref_slice %arg9[%dma_start3A_563, %dma_start3A_564] : memref<512x16xf32, #tpu.memory_space<vmem>> -> memref<128x16xf32, #tpu.memory_space<vmem>>
    %dma_start3A_566 = arith.constant 0 : i32
    %dma_start3A_567 = tpu.memref_slice %arg7[%dma_start3A_561, %dma_start3A_566] : memref<3x512xi32, #tpu.memory_space<vmem>> -> memref<1x512xi32, #tpu.memory_space<vmem>>
    %dma_start3A_568 = tpu.memref_squeeze %dma_start3A_567 : memref<1x512xi32, #tpu.memory_space<vmem>> -> memref<512xi32, #tpu.memory_space<vmem>>
    %dma_start3A_569 = arith.constant 0 : i32
    %dma_start3A_570 = tpu.memref_slice %dma_start3A_568[%dma_start3A_569] : memref<512xi32, #tpu.memory_space<vmem>> -> memref<128xi32, #tpu.memory_space<vmem>>
    %dma_start3A_571 = arith.constant 0 : i32
    %dma_start3A_572 = arith.constant 0 : i32
    %dma_start3A_573 = tpu.memref_slice %arg5[%dma_start3A_571, %dma_start3A_572] : memref<1048576x16xf32, #tpu.memory_space<hbm>> -> memref<1048576x16xf32, #tpu.memory_space<hbm>>
    %dma_start3A_574 = tpu.memref_slice %arg11[%dma_start3A_562] : memref<4x!tpu.dma_semaphore, #tpu.memory_space<semaphore_mem>> -> memref<1x!tpu.dma_semaphore, #tpu.memory_space<semaphore_mem>>
    %dma_start3A_575 = tpu.memref_squeeze %dma_start3A_574 : memref<1x!tpu.dma_semaphore, #tpu.memory_space<semaphore_mem>> -> memref<!tpu.dma_semaphore, #tpu.memory_space<semaphore_mem>>
    tpu.enqueue_indirect_dma source(%dma_start3A_573 : memref<1048576x16xf32, #tpu.memory_space<hbm>>) target(%dma_start3A_565 : memref<128x16xf32, #tpu.memory_space<vmem>>) offsets(%dma_start3A_570 : memref<128xi32, #tpu.memory_space<vmem>>) semaphore(%dma_start3A_575 : memref<!tpu.dma_semaphore, #tpu.memory_space<semaphore_mem>>)
    %get3A_576 = arith.constant 1 : i32
    %get3A_577 = arith.constant 0 : i32
    %get3A_578 = tpu.memref_slice %arg7[%get3A_576, %get3A_577] : memref<3x512xi32, #tpu.memory_space<vmem>> -> memref<1x512xi32, #tpu.memory_space<vmem>>
    %get3A_579 = tpu.memref_squeeze %get3A_578 : memref<1x512xi32, #tpu.memory_space<vmem>> -> memref<512xi32, #tpu.memory_space<vmem>>
    %get3A_580 = arith.constant 128 : index
    %get3A_581 = tpu.vector_load %get3A_579[%get3A_580] {strides = array<i32>} : memref<512xi32, #tpu.memory_space<vmem>>, vector<16xi32>,
    %get3A_582 = arith.constant 2 : i32
    %get3A_583 = arith.constant 0 : i32
    %get3A_584 = tpu.memref_slice %arg7[%get3A_582, %get3A_583] : memref<3x512xi32, #tpu.memory_space<vmem>> -> memref<1x512xi32, #tpu.memory_space<vmem>>
    %get3A_585 = tpu.memref_squeeze %get3A_584 : memref<1x512xi32, #tpu.memory_space<vmem>> -> memref<512xi32, #tpu.memory_space<vmem>>
    %get3A_586 = arith.constant 128 : index
    %get3A_587 = tpu.vector_load %get3A_585[%get3A_586] {strides = array<i32>} : memref<512xi32, #tpu.memory_space<vmem>>, vector<16xi32>,
    %get3A_588 = arith.constant 0 : i32
    %get3A_589 = arith.constant 0 : i32
    %get3A_590 = tpu.memref_slice %arg7[%get3A_588, %get3A_589] : memref<3x512xi32, #tpu.memory_space<vmem>> -> memref<1x512xi32, #tpu.memory_space<vmem>>
    %get3A_591 = tpu.memref_squeeze %get3A_590 : memref<1x512xi32, #tpu.memory_space<vmem>> -> memref<512xi32, #tpu.memory_space<vmem>>
    %get3A_592 = arith.constant 128 : index
    %get3A_593 = tpu.vector_load %get3A_591[%get3A_592] {strides = array<i32>} : memref<512xi32, #tpu.memory_space<vmem>>, vector<16xi32>,
    %shift_left3A_594 = arith.constant 16 : i32
    %shift_left3A_595 = vector.broadcast %shift_left3A_594 : i32 to vector<16xi32>
    %shift_left3A_596 = arith.shli %get3A_593, %shift_left3A_595 : vector<16xi32>
    %shift_right_arithmetic3A_597 = arith.constant 3 : i32
    %shift_right_arithmetic3A_598 = vector.broadcast %shift_right_arithmetic3A_597 : i32 to vector<16xi32>
    %shift_right_arithmetic3A_599 = arith.shrsi %get3A_581, %shift_right_arithmetic3A_598 : vector<16xi32>
    %shift_left3A_600 = arith.constant 11 : i32
    %shift_left3A_601 = vector.broadcast %shift_left3A_600 : i32 to vector<16xi32>
    %shift_left3A_602 = arith.shli %shift_right_arithmetic3A_599, %shift_left3A_601 : vector<16xi32>
    %or3A_603 = arith.ori %shift_left3A_596, %shift_left3A_602 : vector<16xi32>
    %shift_right_arithmetic3A_604 = arith.constant 7 : i32
    %shift_right_arithmetic3A_605 = vector.broadcast %shift_right_arithmetic3A_604 : i32 to vector<16xi32>
    %shift_right_arithmetic3A_606 = arith.shrsi %get3A_587, %shift_right_arithmetic3A_605 : vector<16xi32>
    %shift_left3A_607 = arith.constant 10 : i32
    %shift_left3A_608 = vector.broadcast %shift_left3A_607 : i32 to vector<16xi32>
    %shift_left3A_609 = arith.shli %shift_right_arithmetic3A_606, %shift_left3A_608 : vector<16xi32>
    %or3A_610 = arith.ori %or3A_603, %shift_left3A_609 : vector<16xi32>
    %and3A_611 = arith.constant 7 : i32
    %and3A_612 = vector.broadcast %and3A_611 : i32 to vector<16xi32>
    %and3A_613 = arith.andi %get3A_581, %and3A_612 : vector<16xi32>
    %shift_left3A_614 = arith.constant 7 : i32
    %shift_left3A_615 = vector.broadcast %shift_left3A_614 : i32 to vector<16xi32>
    %shift_left3A_616 = arith.shli %and3A_613, %shift_left3A_615 : vector<16xi32>
    %or3A_617 = arith.ori %or3A_610, %shift_left3A_616 : vector<16xi32>
    %and3A_618 = arith.constant 127 : i32
    %and3A_619 = vector.broadcast %and3A_618 : i32 to vector<16xi32>
    %and3A_620 = arith.andi %get3A_587, %and3A_619 : vector<16xi32>
    %or3A_621 = arith.ori %or3A_617, %and3A_620 : vector<16xi32>
    %shift_right_arithmetic3A_622 = arith.constant 4 : i32
    %shift_right_arithmetic3A_623 = vector.broadcast %shift_right_arithmetic3A_622 : i32 to vector<16xi32>
    %shift_right_arithmetic3A_624 = arith.shrsi %or3A_621, %shift_right_arithmetic3A_623 : vector<16xi32>
    %swap3A_625 = arith.constant 1 : i32
    %swap3A_626 = arith.constant 0 : i32
    %swap3A_627 = tpu.memref_slice %arg7[%swap3A_625, %swap3A_626] : memref<3x512xi32, #tpu.memory_space<vmem>> -> memref<1x512xi32, #tpu.memory_space<vmem>>
    %swap3A_628 = tpu.memref_squeeze %swap3A_627 : memref<1x512xi32, #tpu.memory_space<vmem>> -> memref<512xi32, #tpu.memory_space<vmem>>
    %swap3A_629 = arith.constant 128 : index
    %swap3A_630 = tpu.vector_load %swap3A_628[%swap3A_629] {strides = array<i32>} : memref<512xi32, #tpu.memory_space<vmem>>, vector<16xi32>,
    tpu.vector_store %swap3A_628[%swap3A_629], %shift_right_arithmetic3A_624 {strides = array<i32>} : memref<512xi32, #tpu.memory_space<vmem>>, vector<16xi32>,
    %and3A_631 = arith.constant 15 : i32
    %and3A_632 = vector.broadcast %and3A_631 : i32 to vector<16xi32>
    %and3A_633 = arith.andi %or3A_621, %and3A_632 : vector<16xi32>
    %swap3A_634 = arith.constant 2 : i32
    %swap3A_635 = arith.constant 0 : i32
    %swap3A_636 = tpu.memref_slice %arg7[%swap3A_634, %swap3A_635] : memref<3x512xi32, #tpu.memory_space<vmem>> -> memref<1x512xi32, #tpu.memory_space<vmem>>
    %swap3A_637 = tpu.memref_squeeze %swap3A_636 : memref<1x512xi32, #tpu.memory_space<vmem>> -> memref<512xi32, #tpu.memory_space<vmem>>
    %swap3A_638 = arith.constant 128 : index
    %swap3A_639 = tpu.vector_load %swap3A_637[%swap3A_638] {strides = array<i32>} : memref<512xi32, #tpu.memory_space<vmem>>, vector<16xi32>,
    tpu.vector_store %swap3A_637[%swap3A_638], %and3A_633 {strides = array<i32>} : memref<512xi32, #tpu.memory_space<vmem>>, vector<16xi32>,
    %get3A_640 = arith.constant 1 : i32
    %get3A_641 = arith.constant 0 : i32
    %get3A_642 = tpu.memref_slice %arg7[%get3A_640, %get3A_641] : memref<3x512xi32, #tpu.memory_space<vmem>> -> memref<1x512xi32, #tpu.memory_space<vmem>>
    %get3A_643 = tpu.memref_squeeze %get3A_642 : memref<1x512xi32, #tpu.memory_space<vmem>> -> memref<512xi32, #tpu.memory_space<vmem>>
    %get3A_644 = arith.constant 144 : index
    %get3A_645 = tpu.vector_load %get3A_643[%get3A_644] {strides = array<i32>} : memref<512xi32, #tpu.memory_space<vmem>>, vector<16xi32>,
    %get3A_646 = arith.constant 2 : i32
    %get3A_647 = arith.constant 0 : i32
    %get3A_648 = tpu.memref_slice %arg7[%get3A_646, %get3A_647] : memref<3x512xi32, #tpu.memory_space<vmem>> -> memref<1x512xi32, #tpu.memory_space<vmem>>
    %get3A_649 = tpu.memref_squeeze %get3A_648 : memref<1x512xi32, #tpu.memory_space<vmem>> -> memref<512xi32, #tpu.memory_space<vmem>>
    %get3A_650 = arith.constant 144 : index
    %get3A_651 = tpu.vector_load %get3A_649[%get3A_650] {strides = array<i32>} : memref<512xi32, #tpu.memory_space<vmem>>, vector<16xi32>,
    %get3A_652 = arith.constant 0 : i32
    %get3A_653 = arith.constant 0 : i32
    %get3A_654 = tpu.memref_slice %arg7[%get3A_652, %get3A_653] : memref<3x512xi32, #tpu.memory_space<vmem>> -> memref<1x512xi32, #tpu.memory_space<vmem>>
    %get3A_655 = tpu.memref_squeeze %get3A_654 : memref<1x512xi32, #tpu.memory_space<vmem>> -> memref<512xi32, #tpu.memory_space<vmem>>
    %get3A_656 = arith.constant 144 : index
    %get3A_657 = tpu.vector_load %get3A_655[%get3A_656] {strides = array<i32>} : memref<512xi32, #tpu.memory_space<vmem>>, vector<16xi32>,
    %shift_left3A_658 = arith.constant 16 : i32
    %shift_left3A_659 = vector.broadcast %shift_left3A_658 : i32 to vector<16xi32>
    %shift_left3A_660 = arith.shli %get3A_657, %shift_left3A_659 : vector<16xi32>
    %shift_right_arithmetic3A_661 = arith.constant 3 : i32
    %shift_right_arithmetic3A_662 = vector.broadcast %shift_right_arithmetic3A_661 : i32 to vector<16xi32>
    %shift_right_arithmetic3A_663 = arith.shrsi %get3A_645, %shift_right_arithmetic3A_662 : vector<16xi32>
    %shift_left3A_664 = arith.constant 11 : i32
    %shift_left3A_665 = vector.broadcast %shift_left3A_664 : i32 to vector<16xi32>
    %shift_left3A_666 = arith.shli %shift_right_arithmetic3A_663, %shift_left3A_665 : vector<16xi32>
    %or3A_667 = arith.ori %shift_left3A_660, %shift_left3A_666 : vector<16xi32>
    %shift_right_arithmetic3A_668 = arith.constant 7 : i32
    %shift_right_arithmetic3A_669 = vector.broadcast %shift_right_arithmetic3A_668 : i32 to vector<16xi32>
    %shift_right_arithmetic3A_670 = arith.shrsi %get3A_651, %shift_right_arithmetic3A_669 : vector<16xi32>
    %shift_left3A_671 = arith.constant 10 : i32
    %shift_left3A_672 = vector.broadcast %shift_left3A_671 : i32 to vector<16xi32>
    %shift_left3A_673 = arith.shli %shift_right_arithmetic3A_670, %shift_left3A_672 : vector<16xi32>
    %or3A_674 = arith.ori %or3A_667, %shift_left3A_673 : vector<16xi32>
    %and3A_675 = arith.constant 7 : i32
    %and3A_676 = vector.broadcast %and3A_675 : i32 to vector<16xi32>
    %and3A_677 = arith.andi %get3A_645, %and3A_676 : vector<16xi32>
    %shift_left3A_678 = arith.constant 7 : i32
    %shift_left3A_679 = vector.broadcast %shift_left3A_678 : i32 to vector<16xi32>
    %shift_left3A_680 = arith.shli %and3A_677, %shift_left3A_679 : vector<16xi32>
    %or3A_681 = arith.ori %or3A_674, %shift_left3A_680 : vector<16xi32>
    %and3A_682 = arith.constant 127 : i32
    %and3A_683 = vector.broadcast %and3A_682 : i32 to vector<16xi32>
    %and3A_684 = arith.andi %get3A_651, %and3A_683 : vector<16xi32>
    %or3A_685 = arith.ori %or3A_681, %and3A_684 : vector<16xi32>
    %shift_right_arithmetic3A_686 = arith.constant 4 : i32
    %shift_right_arithmetic3A_687 = vector.broadcast %shift_right_arithmetic3A_686 : i32 to vector<16xi32>
    %shift_right_arithmetic3A_688 = arith.shrsi %or3A_685, %shift_right_arithmetic3A_687 : vector<16xi32>
    %swap3A_689 = arith.constant 1 : i32
    %swap3A_690 = arith.constant 0 : i32
    %swap3A_691 = tpu.memref_slice %arg7[%swap3A_689, %swap3A_690] : memref<3x512xi32, #tpu.memory_space<vmem>> -> memref<1x512xi32, #tpu.memory_space<vmem>>
    %swap3A_692 = tpu.memref_squeeze %swap3A_691 : memref<1x512xi32, #tpu.memory_space<vmem>> -> memref<512xi32, #tpu.memory_space<vmem>>
    %swap3A_693 = arith.constant 144 : index
    %swap3A_694 = tpu.vector_load %swap3A_692[%swap3A_693] {strides = array<i32>} : memref<512xi32, #tpu.memory_space<vmem>>, vector<16xi32>,
    tpu.vector_store %swap3A_692[%swap3A_693], %shift_right_arithmetic3A_688 {strides = array<i32>} : memref<512xi32, #tpu.memory_space<vmem>>, vector<16xi32>,
    %and3A_695 = arith.constant 15 : i32
    %and3A_696 = vector.broadcast %and3A_695 : i32 to vector<16xi32>
    %and3A_697 = arith.andi %or3A_685, %and3A_696 : vector<16xi32>
    %swap3A_698 = arith.constant 2 : i32
    %swap3A_699 = arith.constant 0 : i32
    %swap3A_700 = tpu.memref_slice %arg7[%swap3A_698, %swap3A_699] : memref<3x512xi32, #tpu.memory_space<vmem>> -> memref<1x512xi32, #tpu.memory_space<vmem>>
    %swap3A_701 = tpu.memref_squeeze %swap3A_700 : memref<1x512xi32, #tpu.memory_space<vmem>> -> memref<512xi32, #tpu.memory_space<vmem>>
    %swap3A_702 = arith.constant 144 : index
    %swap3A_703 = tpu.vector_load %swap3A_701[%swap3A_702] {strides = array<i32>} : memref<512xi32, #tpu.memory_space<vmem>>, vector<16xi32>,
    tpu.vector_store %swap3A_701[%swap3A_702], %and3A_697 {strides = array<i32>} : memref<512xi32, #tpu.memory_space<vmem>>, vector<16xi32>,
    %get3A_704 = arith.constant 1 : i32
    %get3A_705 = arith.constant 0 : i32
    %get3A_706 = tpu.memref_slice %arg7[%get3A_704, %get3A_705] : memref<3x512xi32, #tpu.memory_space<vmem>> -> memref<1x512xi32, #tpu.memory_space<vmem>>
    %get3A_707 = tpu.memref_squeeze %get3A_706 : memref<1x512xi32, #tpu.memory_space<vmem>> -> memref<512xi32, #tpu.memory_space<vmem>>
    %get3A_708 = arith.constant 160 : index
    %get3A_709 = tpu.vector_load %get3A_707[%get3A_708] {strides = array<i32>} : memref<512xi32, #tpu.memory_space<vmem>>, vector<16xi32>,
    %get3A_710 = arith.constant 2 : i32
    %get3A_711 = arith.constant 0 : i32
    %get3A_712 = tpu.memref_slice %arg7[%get3A_710, %get3A_711] : memref<3x512xi32, #tpu.memory_space<vmem>> -> memref<1x512xi32, #tpu.memory_space<vmem>>
    %get3A_713 = tpu.memref_squeeze %get3A_712 : memref<1x512xi32, #tpu.memory_space<vmem>> -> memref<512xi32, #tpu.memory_space<vmem>>
    %get3A_714 = arith.constant 160 : index
    %get3A_715 = tpu.vector_load %get3A_713[%get3A_714] {strides = array<i32>} : memref<512xi32, #tpu.memory_space<vmem>>, vector<16xi32>,
    %get3A_716 = arith.constant 0 : i32
    %get3A_717 = arith.constant 0 : i32
    %get3A_718 = tpu.memref_slice %arg7[%get3A_716, %get3A_717] : memref<3x512xi32, #tpu.memory_space<vmem>> -> memref<1x512xi32, #tpu.memory_space<vmem>>
    %get3A_719 = tpu.memref_squeeze %get3A_718 : memref<1x512xi32, #tpu.memory_space<vmem>> -> memref<512xi32, #tpu.memory_space<vmem>>
    %get3A_720 = arith.constant 160 : index
    %get3A_721 = tpu.vector_load %get3A_719[%get3A_720] {strides = array<i32>} : memref<512xi32, #tpu.memory_space<vmem>>, vector<16xi32>,
    %shift_left3A_722 = arith.constant 16 : i32
    %shift_left3A_723 = vector.broadcast %shift_left3A_722 : i32 to vector<16xi32>
    %shift_left3A_724 = arith.shli %get3A_721, %shift_left3A_723 : vector<16xi32>
    %shift_right_arithmetic3A_725 = arith.constant 3 : i32
    %shift_right_arithmetic3A_726 = vector.broadcast %shift_right_arithmetic3A_725 : i32 to vector<16xi32>
    %shift_right_arithmetic3A_727 = arith.shrsi %get3A_709, %shift_right_arithmetic3A_726 : vector<16xi32>
    %shift_left3A_728 = arith.constant 11 : i32
    %shift_left3A_729 = vector.broadcast %shift_left3A_728 : i32 to vector<16xi32>
    %shift_left3A_730 = arith.shli %shift_right_arithmetic3A_727, %shift_left3A_729 : vector<16xi32>
    %or3A_731 = arith.ori %shift_left3A_724, %shift_left3A_730 : vector<16xi32>
    %shift_right_arithmetic3A_732 = arith.constant 7 : i32
    %shift_right_arithmetic3A_733 = vector.broadcast %shift_right_arithmetic3A_732 : i32 to vector<16xi32>
    %shift_right_arithmetic3A_734 = arith.shrsi %get3A_715, %shift_right_arithmetic3A_733 : vector<16xi32>
    %shift_left3A_735 = arith.constant 10 : i32
    %shift_left3A_736 = vector.broadcast %shift_left3A_735 : i32 to vector<16xi32>
    %shift_left3A_737 = arith.shli %shift_right_arithmetic3A_734, %shift_left3A_736 : vector<16xi32>
    %or3A_738 = arith.ori %or3A_731, %shift_left3A_737 : vector<16xi32>
    %and3A_739 = arith.constant 7 : i32
    %and3A_740 = vector.broadcast %and3A_739 : i32 to vector<16xi32>
    %and3A_741 = arith.andi %get3A_709, %and3A_740 : vector<16xi32>
    %shift_left3A_742 = arith.constant 7 : i32
    %shift_left3A_743 = vector.broadcast %shift_left3A_742 : i32 to vector<16xi32>
    %shift_left3A_744 = arith.shli %and3A_741, %shift_left3A_743 : vector<16xi32>
    %or3A_745 = arith.ori %or3A_738, %shift_left3A_744 : vector<16xi32>
    %and3A_746 = arith.constant 127 : i32
    %and3A_747 = vector.broadcast %and3A_746 : i32 to vector<16xi32>
    %and3A_748 = arith.andi %get3A_715, %and3A_747 : vector<16xi32>
    %or3A_749 = arith.ori %or3A_745, %and3A_748 : vector<16xi32>
    %shift_right_arithmetic3A_750 = arith.constant 4 : i32
    %shift_right_arithmetic3A_751 = vector.broadcast %shift_right_arithmetic3A_750 : i32 to vector<16xi32>
    %shift_right_arithmetic3A_752 = arith.shrsi %or3A_749, %shift_right_arithmetic3A_751 : vector<16xi32>
    %swap3A_753 = arith.constant 1 : i32
    %swap3A_754 = arith.constant 0 : i32
    %swap3A_755 = tpu.memref_slice %arg7[%swap3A_753, %swap3A_754] : memref<3x512xi32, #tpu.memory_space<vmem>> -> memref<1x512xi32, #tpu.memory_space<vmem>>
    %swap3A_756 = tpu.memref_squeeze %swap3A_755 : memref<1x512xi32, #tpu.memory_space<vmem>> -> memref<512xi32, #tpu.memory_space<vmem>>
    %swap3A_757 = arith.constant 160 : index
    %swap3A_758 = tpu.vector_load %swap3A_756[%swap3A_757] {strides = array<i32>} : memref<512xi32, #tpu.memory_space<vmem>>, vector<16xi32>,
    tpu.vector_store %swap3A_756[%swap3A_757], %shift_right_arithmetic3A_752 {strides = array<i32>} : memref<512xi32, #tpu.memory_space<vmem>>, vector<16xi32>,
    %and3A_759 = arith.constant 15 : i32
    %and3A_760 = vector.broadcast %and3A_759 : i32 to vector<16xi32>
    %and3A_761 = arith.andi %or3A_749, %and3A_760 : vector<16xi32>
    %swap3A_762 = arith.constant 2 : i32
    %swap3A_763 = arith.constant 0 : i32
    %swap3A_764 = tpu.memref_slice %arg7[%swap3A_762, %swap3A_763] : memref<3x512xi32, #tpu.memory_space<vmem>> -> memref<1x512xi32, #tpu.memory_space<vmem>>
    %swap3A_765 = tpu.memref_squeeze %swap3A_764 : memref<1x512xi32, #tpu.memory_space<vmem>> -> memref<512xi32, #tpu.memory_space<vmem>>
    %swap3A_766 = arith.constant 160 : index
    %swap3A_767 = tpu.vector_load %swap3A_765[%swap3A_766] {strides = array<i32>} : memref<512xi32, #tpu.memory_space<vmem>>, vector<16xi32>,
    tpu.vector_store %swap3A_765[%swap3A_766], %and3A_761 {strides = array<i32>} : memref<512xi32, #tpu.memory_space<vmem>>, vector<16xi32>,
    %get3A_768 = arith.constant 1 : i32
    %get3A_769 = arith.constant 0 : i32
    %get3A_770 = tpu.memref_slice %arg7[%get3A_768, %get3A_769] : memref<3x512xi32, #tpu.memory_space<vmem>> -> memref<1x512xi32, #tpu.memory_space<vmem>>
    %get3A_771 = tpu.memref_squeeze %get3A_770 : memref<1x512xi32, #tpu.memory_space<vmem>> -> memref<512xi32, #tpu.memory_space<vmem>>
    %get3A_772 = arith.constant 176 : index
    %get3A_773 = tpu.vector_load %get3A_771[%get3A_772] {strides = array<i32>} : memref<512xi32, #tpu.memory_space<vmem>>, vector<16xi32>,
    %get3A_774 = arith.constant 2 : i32
    %get3A_775 = arith.constant 0 : i32
    %get3A_776 = tpu.memref_slice %arg7[%get3A_774, %get3A_775] : memref<3x512xi32, #tpu.memory_space<vmem>> -> memref<1x512xi32, #tpu.memory_space<vmem>>
    %get3A_777 = tpu.memref_squeeze %get3A_776 : memref<1x512xi32, #tpu.memory_space<vmem>> -> memref<512xi32, #tpu.memory_space<vmem>>
    %get3A_778 = arith.constant 176 : index
    %get3A_779 = tpu.vector_load %get3A_777[%get3A_778] {strides = array<i32>} : memref<512xi32, #tpu.memory_space<vmem>>, vector<16xi32>,
    %get3A_780 = arith.constant 0 : i32
    %get3A_781 = arith.constant 0 : i32
    %get3A_782 = tpu.memref_slice %arg7[%get3A_780, %get3A_781] : memref<3x512xi32, #tpu.memory_space<vmem>> -> memref<1x512xi32, #tpu.memory_space<vmem>>
    %get3A_783 = tpu.memref_squeeze %get3A_782 : memref<1x512xi32, #tpu.memory_space<vmem>> -> memref<512xi32, #tpu.memory_space<vmem>>
    %get3A_784 = arith.constant 176 : index
    %get3A_785 = tpu.vector_load %get3A_783[%get3A_784] {strides = array<i32>} : memref<512xi32, #tpu.memory_space<vmem>>, vector<16xi32>,
    %shift_left3A_786 = arith.constant 16 : i32
    %shift_left3A_787 = vector.broadcast %shift_left3A_786 : i32 to vector<16xi32>
    %shift_left3A_788 = arith.shli %get3A_785, %shift_left3A_787 : vector<16xi32>
    %shift_right_arithmetic3A_789 = arith.constant 3 : i32
    %shift_right_arithmetic3A_790 = vector.broadcast %shift_right_arithmetic3A_789 : i32 to vector<16xi32>
    %shift_right_arithmetic3A_791 = arith.shrsi %get3A_773, %shift_right_arithmetic3A_790 : vector<16xi32>
    %shift_left3A_792 = arith.constant 11 : i32
    %shift_left3A_793 = vector.broadcast %shift_left3A_792 : i32 to vector<16xi32>
    %shift_left3A_794 = arith.shli %shift_right_arithmetic3A_791, %shift_left3A_793 : vector<16xi32>
    %or3A_795 = arith.ori %shift_left3A_788, %shift_left3A_794 : vector<16xi32>
    %shift_right_arithmetic3A_796 = arith.constant 7 : i32
    %shift_right_arithmetic3A_797 = vector.broadcast %shift_right_arithmetic3A_796 : i32 to vector<16xi32>
    %shift_right_arithmetic3A_798 = arith.shrsi %get3A_779, %shift_right_arithmetic3A_797 : vector<16xi32>
    %shift_left3A_799 = arith.constant 10 : i32
    %shift_left3A_800 = vector.broadcast %shift_left3A_799 : i32 to vector<16xi32>
    %shift_left3A_801 = arith.shli %shift_right_arithmetic3A_798, %shift_left3A_800 : vector<16xi32>
    %or3A_802 = arith.ori %or3A_795, %shift_left3A_801 : vector<16xi32>
    %and3A_803 = arith.constant 7 : i32
    %and3A_804 = vector.broadcast %and3A_803 : i32 to vector<16xi32>
    %and3A_805 = arith.andi %get3A_773, %and3A_804 : vector<16xi32>
    %shift_left3A_806 = arith.constant 7 : i32
    %shift_left3A_807 = vector.broadcast %shift_left3A_806 : i32 to vector<16xi32>
    %shift_left3A_808 = arith.shli %and3A_805, %shift_left3A_807 : vector<16xi32>
    %or3A_809 = arith.ori %or3A_802, %shift_left3A_808 : vector<16xi32>
    %and3A_810 = arith.constant 127 : i32
    %and3A_811 = vector.broadcast %and3A_810 : i32 to vector<16xi32>
    %and3A_812 = arith.andi %get3A_779, %and3A_811 : vector<16xi32>
    %or3A_813 = arith.ori %or3A_809, %and3A_812 : vector<16xi32>
    %shift_right_arithmetic3A_814 = arith.constant 4 : i32
    %shift_right_arithmetic3A_815 = vector.broadcast %shift_right_arithmetic3A_814 : i32 to vector<16xi32>
    %shift_right_arithmetic3A_816 = arith.shrsi %or3A_813, %shift_right_arithmetic3A_815 : vector<16xi32>
    %swap3A_817 = arith.constant 1 : i32
    %swap3A_818 = arith.constant 0 : i32
    %swap3A_819 = tpu.memref_slice %arg7[%swap3A_817, %swap3A_818] : memref<3x512xi32, #tpu.memory_space<vmem>> -> memref<1x512xi32, #tpu.memory_space<vmem>>
    %swap3A_820 = tpu.memref_squeeze %swap3A_819 : memref<1x512xi32, #tpu.memory_space<vmem>> -> memref<512xi32, #tpu.memory_space<vmem>>
    %swap3A_821 = arith.constant 176 : index
    %swap3A_822 = tpu.vector_load %swap3A_820[%swap3A_821] {strides = array<i32>} : memref<512xi32, #tpu.memory_space<vmem>>, vector<16xi32>,
    tpu.vector_store %swap3A_820[%swap3A_821], %shift_right_arithmetic3A_816 {strides = array<i32>} : memref<512xi32, #tpu.memory_space<vmem>>, vector<16xi32>,
    %and3A_823 = arith.constant 15 : i32
    %and3A_824 = vector.broadcast %and3A_823 : i32 to vector<16xi32>
    %and3A_825 = arith.andi %or3A_813, %and3A_824 : vector<16xi32>
    %swap3A_826 = arith.constant 2 : i32
    %swap3A_827 = arith.constant 0 : i32
    %swap3A_828 = tpu.memref_slice %arg7[%swap3A_826, %swap3A_827] : memref<3x512xi32, #tpu.memory_space<vmem>> -> memref<1x512xi32, #tpu.memory_space<vmem>>
    %swap3A_829 = tpu.memref_squeeze %swap3A_828 : memref<1x512xi32, #tpu.memory_space<vmem>> -> memref<512xi32, #tpu.memory_space<vmem>>
    %swap3A_830 = arith.constant 176 : index
    %swap3A_831 = tpu.vector_load %swap3A_829[%swap3A_830] {strides = array<i32>} : memref<512xi32, #tpu.memory_space<vmem>>, vector<16xi32>,
    tpu.vector_store %swap3A_829[%swap3A_830], %and3A_825 {strides = array<i32>} : memref<512xi32, #tpu.memory_space<vmem>>, vector<16xi32>,
    %get3A_832 = arith.constant 1 : i32
    %get3A_833 = arith.constant 0 : i32
    %get3A_834 = tpu.memref_slice %arg7[%get3A_832, %get3A_833] : memref<3x512xi32, #tpu.memory_space<vmem>> -> memref<1x512xi32, #tpu.memory_space<vmem>>
    %get3A_835 = tpu.memref_squeeze %get3A_834 : memref<1x512xi32, #tpu.memory_space<vmem>> -> memref<512xi32, #tpu.memory_space<vmem>>
    %get3A_836 = arith.constant 192 : index
    %get3A_837 = tpu.vector_load %get3A_835[%get3A_836] {strides = array<i32>} : memref<512xi32, #tpu.memory_space<vmem>>, vector<16xi32>,
    %get3A_838 = arith.constant 2 : i32
    %get3A_839 = arith.constant 0 : i32
    %get3A_840 = tpu.memref_slice %arg7[%get3A_838, %get3A_839] : memref<3x512xi32, #tpu.memory_space<vmem>> -> memref<1x512xi32, #tpu.memory_space<vmem>>
    %get3A_841 = tpu.memref_squeeze %get3A_840 : memref<1x512xi32, #tpu.memory_space<vmem>> -> memref<512xi32, #tpu.memory_space<vmem>>
    %get3A_842 = arith.constant 192 : index
    %get3A_843 = tpu.vector_load %get3A_841[%get3A_842] {strides = array<i32>} : memref<512xi32, #tpu.memory_space<vmem>>, vector<16xi32>,
    %get3A_844 = arith.constant 0 : i32
    %get3A_845 = arith.constant 0 : i32
    %get3A_846 = tpu.memref_slice %arg7[%get3A_844, %get3A_845] : memref<3x512xi32, #tpu.memory_space<vmem>> -> memref<1x512xi32, #tpu.memory_space<vmem>>
    %get3A_847 = tpu.memref_squeeze %get3A_846 : memref<1x512xi32, #tpu.memory_space<vmem>> -> memref<512xi32, #tpu.memory_space<vmem>>
    %get3A_848 = arith.constant 192 : index
    %get3A_849 = tpu.vector_load %get3A_847[%get3A_848] {strides = array<i32>} : memref<512xi32, #tpu.memory_space<vmem>>, vector<16xi32>,
    %shift_left3A_850 = arith.constant 16 : i32
    %shift_left3A_851 = vector.broadcast %shift_left3A_850 : i32 to vector<16xi32>
    %shift_left3A_852 = arith.shli %get3A_849, %shift_left3A_851 : vector<16xi32>
    %shift_right_arithmetic3A_853 = arith.constant 3 : i32
    %shift_right_arithmetic3A_854 = vector.broadcast %shift_right_arithmetic3A_853 : i32 to vector<16xi32>
    %shift_right_arithmetic3A_855 = arith.shrsi %get3A_837, %shift_right_arithmetic3A_854 : vector<16xi32>
    %shift_left3A_856 = arith.constant 11 : i32
    %shift_left3A_857 = vector.broadcast %shift_left3A_856 : i32 to vector<16xi32>
    %shift_left3A_858 = arith.shli %shift_right_arithmetic3A_855, %shift_left3A_857 : vector<16xi32>
    %or3A_859 = arith.ori %shift_left3A_852, %shift_left3A_858 : vector<16xi32>
    %shift_right_arithmetic3A_860 = arith.constant 7 : i32
    %shift_right_arithmetic3A_861 = vector.broadcast %shift_right_arithmetic3A_860 : i32 to vector<16xi32>
    %shift_right_arithmetic3A_862 = arith.shrsi %get3A_843, %shift_right_arithmetic3A_861 : vector<16xi32>
    %shift_left3A_863 = arith.constant 10 : i32
    %shift_left3A_864 = vector.broadcast %shift_left3A_863 : i32 to vector<16xi32>
    %shift_left3A_865 = arith.shli %shift_right_arithmetic3A_862, %shift_left3A_864 : vector<16xi32>
    %or3A_866 = arith.ori %or3A_859, %shift_left3A_865 : vector<16xi32>
    %and3A_867 = arith.constant 7 : i32
    %and3A_868 = vector.broadcast %and3A_867 : i32 to vector<16xi32>
    %and3A_869 = arith.andi %get3A_837, %and3A_868 : vector<16xi32>
    %shift_left3A_870 = arith.constant 7 : i32
    %shift_left3A_871 = vector.broadcast %shift_left3A_870 : i32 to vector<16xi32>
    %shift_left3A_872 = arith.shli %and3A_869, %shift_left3A_871 : vector<16xi32>
    %or3A_873 = arith.ori %or3A_866, %shift_left3A_872 : vector<16xi32>
    %and3A_874 = arith.constant 127 : i32
    %and3A_875 = vector.broadcast %and3A_874 : i32 to vector<16xi32>
    %and3A_876 = arith.andi %get3A_843, %and3A_875 : vector<16xi32>
    %or3A_877 = arith.ori %or3A_873, %and3A_876 : vector<16xi32>
    %shift_right_arithmetic3A_878 = arith.constant 4 : i32
    %shift_right_arithmetic3A_879 = vector.broadcast %shift_right_arithmetic3A_878 : i32 to vector<16xi32>
    %shift_right_arithmetic3A_880 = arith.shrsi %or3A_877, %shift_right_arithmetic3A_879 : vector<16xi32>
    %swap3A_881 = arith.constant 1 : i32
    %swap3A_882 = arith.constant 0 : i32
    %swap3A_883 = tpu.memref_slice %arg7[%swap3A_881, %swap3A_882] : memref<3x512xi32, #tpu.memory_space<vmem>> -> memref<1x512xi32, #tpu.memory_space<vmem>>
    %swap3A_884 = tpu.memref_squeeze %swap3A_883 : memref<1x512xi32, #tpu.memory_space<vmem>> -> memref<512xi32, #tpu.memory_space<vmem>>
    %swap3A_885 = arith.constant 192 : index
    %swap3A_886 = tpu.vector_load %swap3A_884[%swap3A_885] {strides = array<i32>} : memref<512xi32, #tpu.memory_space<vmem>>, vector<16xi32>,
    tpu.vector_store %swap3A_884[%swap3A_885], %shift_right_arithmetic3A_880 {strides = array<i32>} : memref<512xi32, #tpu.memory_space<vmem>>, vector<16xi32>,
    %and3A_887 = arith.constant 15 : i32
    %and3A_888 = vector.broadcast %and3A_887 : i32 to vector<16xi32>
    %and3A_889 = arith.andi %or3A_877, %and3A_888 : vector<16xi32>
    %swap3A_890 = arith.constant 2 : i32
    %swap3A_891 = arith.constant 0 : i32
    %swap3A_892 = tpu.memref_slice %arg7[%swap3A_890, %swap3A_891] : memref<3x512xi32, #tpu.memory_space<vmem>> -> memref<1x512xi32, #tpu.memory_space<vmem>>
    %swap3A_893 = tpu.memref_squeeze %swap3A_892 : memref<1x512xi32, #tpu.memory_space<vmem>> -> memref<512xi32, #tpu.memory_space<vmem>>
    %swap3A_894 = arith.constant 192 : index
    %swap3A_895 = tpu.vector_load %swap3A_893[%swap3A_894] {strides = array<i32>} : memref<512xi32, #tpu.memory_space<vmem>>, vector<16xi32>,
    tpu.vector_store %swap3A_893[%swap3A_894], %and3A_889 {strides = array<i32>} : memref<512xi32, #tpu.memory_space<vmem>>, vector<16xi32>,
    %get3A_896 = arith.constant 1 : i32
    %get3A_897 = arith.constant 0 : i32
    %get3A_898 = tpu.memref_slice %arg7[%get3A_896, %get3A_897] : memref<3x512xi32, #tpu.memory_space<vmem>> -> memref<1x512xi32, #tpu.memory_space<vmem>>
    %get3A_899 = tpu.memref_squeeze %get3A_898 : memref<1x512xi32, #tpu.memory_space<vmem>> -> memref<512xi32, #tpu.memory_space<vmem>>
    %get3A_900 = arith.constant 208 : index
    %get3A_901 = tpu.vector_load %get3A_899[%get3A_900] {strides = array<i32>} : memref<512xi32, #tpu.memory_space<vmem>>, vector<16xi32>,
    %get3A_902 = arith.constant 2 : i32
    %get3A_903 = arith.constant 0 : i32
    %get3A_904 = tpu.memref_slice %arg7[%get3A_902, %get3A_903] : memref<3x512xi32, #tpu.memory_space<vmem>> -> memref<1x512xi32, #tpu.memory_space<vmem>>
    %get3A_905 = tpu.memref_squeeze %get3A_904 : memref<1x512xi32, #tpu.memory_space<vmem>> -> memref<512xi32, #tpu.memory_space<vmem>>
    %get3A_906 = arith.constant 208 : index
    %get3A_907 = tpu.vector_load %get3A_905[%get3A_906] {strides = array<i32>} : memref<512xi32, #tpu.memory_space<vmem>>, vector<16xi32>,
    %get3A_908 = arith.constant 0 : i32
    %get3A_909 = arith.constant 0 : i32
    %get3A_910 = tpu.memref_slice %arg7[%get3A_908, %get3A_909] : memref<3x512xi32, #tpu.memory_space<vmem>> -> memref<1x512xi32, #tpu.memory_space<vmem>>
    %get3A_911 = tpu.memref_squeeze %get3A_910 : memref<1x512xi32, #tpu.memory_space<vmem>> -> memref<512xi32, #tpu.memory_space<vmem>>
    %get3A_912 = arith.constant 208 : index
    %get3A_913 = tpu.vector_load %get3A_911[%get3A_912] {strides = array<i32>} : memref<512xi32, #tpu.memory_space<vmem>>, vector<16xi32>,
    %shift_left3A_914 = arith.constant 16 : i32
    %shift_left3A_915 = vector.broadcast %shift_left3A_914 : i32 to vector<16xi32>
    %shift_left3A_916 = arith.shli %get3A_913, %shift_left3A_915 : vector<16xi32>
    %shift_right_arithmetic3A_917 = arith.constant 3 : i32
    %shift_right_arithmetic3A_918 = vector.broadcast %shift_right_arithmetic3A_917 : i32 to vector<16xi32>
    %shift_right_arithmetic3A_919 = arith.shrsi %get3A_901, %shift_right_arithmetic3A_918 : vector<16xi32>
    %shift_left3A_920 = arith.constant 11 : i32
    %shift_left3A_921 = vector.broadcast %shift_left3A_920 : i32 to vector<16xi32>
    %shift_left3A_922 = arith.shli %shift_right_arithmetic3A_919, %shift_left3A_921 : vector<16xi32>
    %or3A_923 = arith.ori %shift_left3A_916, %shift_left3A_922 : vector<16xi32>
    %shift_right_arithmetic3A_924 = arith.constant 7 : i32
    %shift_right_arithmetic3A_925 = vector.broadcast %shift_right_arithmetic3A_924 : i32 to vector<16xi32>
    %shift_right_arithmetic3A_926 = arith.shrsi %get3A_907, %shift_right_arithmetic3A_925 : vector<16xi32>
    %shift_left3A_927 = arith.constant 10 : i32
    %shift_left3A_928 = vector.broadcast %shift_left3A_927 : i32 to vector<16xi32>
    %shift_left3A_929 = arith.shli %shift_right_arithmetic3A_926, %shift_left3A_928 : vector<16xi32>
    %or3A_930 = arith.ori %or3A_923, %shift_left3A_929 : vector<16xi32>
    %and3A_931 = arith.constant 7 : i32
    %and3A_932 = vector.broadcast %and3A_931 : i32 to vector<16xi32>
    %and3A_933 = arith.andi %get3A_901, %and3A_932 : vector<16xi32>
    %shift_left3A_934 = arith.constant 7 : i32
    %shift_left3A_935 = vector.broadcast %shift_left3A_934 : i32 to vector<16xi32>
    %shift_left3A_936 = arith.shli %and3A_933, %shift_left3A_935 : vector<16xi32>
    %or3A_937 = arith.ori %or3A_930, %shift_left3A_936 : vector<16xi32>
    %and3A_938 = arith.constant 127 : i32
    %and3A_939 = vector.broadcast %and3A_938 : i32 to vector<16xi32>
    %and3A_940 = arith.andi %get3A_907, %and3A_939 : vector<16xi32>
    %or3A_941 = arith.ori %or3A_937, %and3A_940 : vector<16xi32>
    %shift_right_arithmetic3A_942 = arith.constant 4 : i32
    %shift_right_arithmetic3A_943 = vector.broadcast %shift_right_arithmetic3A_942 : i32 to vector<16xi32>
    %shift_right_arithmetic3A_944 = arith.shrsi %or3A_941, %shift_right_arithmetic3A_943 : vector<16xi32>
    %swap3A_945 = arith.constant 1 : i32
    %swap3A_946 = arith.constant 0 : i32
    %swap3A_947 = tpu.memref_slice %arg7[%swap3A_945, %swap3A_946] : memref<3x512xi32, #tpu.memory_space<vmem>> -> memref<1x512xi32, #tpu.memory_space<vmem>>
    %swap3A_948 = tpu.memref_squeeze %swap3A_947 : memref<1x512xi32, #tpu.memory_space<vmem>> -> memref<512xi32, #tpu.memory_space<vmem>>
    %swap3A_949 = arith.constant 208 : index
    %swap3A_950 = tpu.vector_load %swap3A_948[%swap3A_949] {strides = array<i32>} : memref<512xi32, #tpu.memory_space<vmem>>, vector<16xi32>,
    tpu.vector_store %swap3A_948[%swap3A_949], %shift_right_arithmetic3A_944 {strides = array<i32>} : memref<512xi32, #tpu.memory_space<vmem>>, vector<16xi32>,
    %and3A_951 = arith.constant 15 : i32
    %and3A_952 = vector.broadcast %and3A_951 : i32 to vector<16xi32>
    %and3A_953 = arith.andi %or3A_941, %and3A_952 : vector<16xi32>
    %swap3A_954 = arith.constant 2 : i32
    %swap3A_955 = arith.constant 0 : i32
    %swap3A_956 = tpu.memref_slice %arg7[%swap3A_954, %swap3A_955] : memref<3x512xi32, #tpu.memory_space<vmem>> -> memref<1x512xi32, #tpu.memory_space<vmem>>
    %swap3A_957 = tpu.memref_squeeze %swap3A_956 : memref<1x512xi32, #tpu.memory_space<vmem>> -> memref<512xi32, #tpu.memory_space<vmem>>
    %swap3A_958 = arith.constant 208 : index
    %swap3A_959 = tpu.vector_load %swap3A_957[%swap3A_958] {strides = array<i32>} : memref<512xi32, #tpu.memory_space<vmem>>, vector<16xi32>,
    tpu.vector_store %swap3A_957[%swap3A_958], %and3A_953 {strides = array<i32>} : memref<512xi32, #tpu.memory_space<vmem>>, vector<16xi32>,
    %get3A_960 = arith.constant 1 : i32
    %get3A_961 = arith.constant 0 : i32
    %get3A_962 = tpu.memref_slice %arg7[%get3A_960, %get3A_961] : memref<3x512xi32, #tpu.memory_space<vmem>> -> memref<1x512xi32, #tpu.memory_space<vmem>>
    %get3A_963 = tpu.memref_squeeze %get3A_962 : memref<1x512xi32, #tpu.memory_space<vmem>> -> memref<512xi32, #tpu.memory_space<vmem>>
    %get3A_964 = arith.constant 224 : index
    %get3A_965 = tpu.vector_load %get3A_963[%get3A_964] {strides = array<i32>} : memref<512xi32, #tpu.memory_space<vmem>>, vector<16xi32>,
    %get3A_966 = arith.constant 2 : i32
    %get3A_967 = arith.constant 0 : i32
    %get3A_968 = tpu.memref_slice %arg7[%get3A_966, %get3A_967] : memref<3x512xi32, #tpu.memory_space<vmem>> -> memref<1x512xi32, #tpu.memory_space<vmem>>
    %get3A_969 = tpu.memref_squeeze %get3A_968 : memref<1x512xi32, #tpu.memory_space<vmem>> -> memref<512xi32, #tpu.memory_space<vmem>>
    %get3A_970 = arith.constant 224 : index
    %get3A_971 = tpu.vector_load %get3A_969[%get3A_970] {strides = array<i32>} : memref<512xi32, #tpu.memory_space<vmem>>, vector<16xi32>,
    %get3A_972 = arith.constant 0 : i32
    %get3A_973 = arith.constant 0 : i32
    %get3A_974 = tpu.memref_slice %arg7[%get3A_972, %get3A_973] : memref<3x512xi32, #tpu.memory_space<vmem>> -> memref<1x512xi32, #tpu.memory_space<vmem>>
    %get3A_975 = tpu.memref_squeeze %get3A_974 : memref<1x512xi32, #tpu.memory_space<vmem>> -> memref<512xi32, #tpu.memory_space<vmem>>
    %get3A_976 = arith.constant 224 : index
    %get3A_977 = tpu.vector_load %get3A_975[%get3A_976] {strides = array<i32>} : memref<512xi32, #tpu.memory_space<vmem>>, vector<16xi32>,
    %shift_left3A_978 = arith.constant 16 : i32
    %shift_left3A_979 = vector.broadcast %shift_left3A_978 : i32 to vector<16xi32>
    %shift_left3A_980 = arith.shli %get3A_977, %shift_left3A_979 : vector<16xi32>
    %shift_right_arithmetic3A_981 = arith.constant 3 : i32
    %shift_right_arithmetic3A_982 = vector.broadcast %shift_right_arithmetic3A_981 : i32 to vector<16xi32>
    %shift_right_arithmetic3A_983 = arith.shrsi %get3A_965, %shift_right_arithmetic3A_982 : vector<16xi32>
    %shift_left3A_984 = arith.constant 11 : i32
    %shift_left3A_985 = vector.broadcast %shift_left3A_984 : i32 to vector<16xi32>
    %shift_left3A_986 = arith.shli %shift_right_arithmetic3A_983, %shift_left3A_985 : vector<16xi32>
    %or3A_987 = arith.ori %shift_left3A_980, %shift_left3A_986 : vector<16xi32>
    %shift_right_arithmetic3A_988 = arith.constant 7 : i32
    %shift_right_arithmetic3A_989 = vector.broadcast %shift_right_arithmetic3A_988 : i32 to vector<16xi32>
    %shift_right_arithmetic3A_990 = arith.shrsi %get3A_971, %shift_right_arithmetic3A_989 : vector<16xi32>
    %shift_left3A_991 = arith.constant 10 : i32
    %shift_left3A_992 = vector.broadcast %shift_left3A_991 : i32 to vector<16xi32>
    %shift_left3A_993 = arith.shli %shift_right_arithmetic3A_990, %shift_left3A_992 : vector<16xi32>
    %or3A_994 = arith.ori %or3A_987, %shift_left3A_993 : vector<16xi32>
    %and3A_995 = arith.constant 7 : i32
    %and3A_996 = vector.broadcast %and3A_995 : i32 to vector<16xi32>
    %and3A_997 = arith.andi %get3A_965, %and3A_996 : vector<16xi32>
    %shift_left3A_998 = arith.constant 7 : i32
    %shift_left3A_999 = vector.broadcast %shift_left3A_998 : i32 to vector<16xi32>
    %shift_left3A_1000 = arith.shli %and3A_997, %shift_left3A_999 : vector<16xi32>
    %or3A_1001 = arith.ori %or3A_994, %shift_left3A_1000 : vector<16xi32>
    %and3A_1002 = arith.constant 127 : i32
    %and3A_1003 = vector.broadcast %and3A_1002 : i32 to vector<16xi32>
    %and3A_1004 = arith.andi %get3A_971, %and3A_1003 : vector<16xi32>
    %or3A_1005 = arith.ori %or3A_1001, %and3A_1004 : vector<16xi32>
    %shift_right_arithmetic3A_1006 = arith.constant 4 : i32
    %shift_right_arithmetic3A_1007 = vector.broadcast %shift_right_arithmetic3A_1006 : i32 to vector<16xi32>
    %shift_right_arithmetic3A_1008 = arith.shrsi %or3A_1005, %shift_right_arithmetic3A_1007 : vector<16xi32>
    %swap3A_1009 = arith.constant 1 : i32
    %swap3A_1010 = arith.constant 0 : i32
    %swap3A_1011 = tpu.memref_slice %arg7[%swap3A_1009, %swap3A_1010] : memref<3x512xi32, #tpu.memory_space<vmem>> -> memref<1x512xi32, #tpu.memory_space<vmem>>
    %swap3A_1012 = tpu.memref_squeeze %swap3A_1011 : memref<1x512xi32, #tpu.memory_space<vmem>> -> memref<512xi32, #tpu.memory_space<vmem>>
    %swap3A_1013 = arith.constant 224 : index
    %swap3A_1014 = tpu.vector_load %swap3A_1012[%swap3A_1013] {strides = array<i32>} : memref<512xi32, #tpu.memory_space<vmem>>, vector<16xi32>,
    tpu.vector_store %swap3A_1012[%swap3A_1013], %shift_right_arithmetic3A_1008 {strides = array<i32>} : memref<512xi32, #tpu.memory_space<vmem>>, vector<16xi32>,
    %and3A_1015 = arith.constant 15 : i32
    %and3A_1016 = vector.broadcast %and3A_1015 : i32 to vector<16xi32>
    %and3A_1017 = arith.andi %or3A_1005, %and3A_1016 : vector<16xi32>
    %swap3A_1018 = arith.constant 2 : i32
    %swap3A_1019 = arith.constant 0 : i32
    %swap3A_1020 = tpu.memref_slice %arg7[%swap3A_1018, %swap3A_1019] : memref<3x512xi32, #tpu.memory_space<vmem>> -> memref<1x512xi32, #tpu.memory_space<vmem>>
    %swap3A_1021 = tpu.memref_squeeze %swap3A_1020 : memref<1x512xi32, #tpu.memory_space<vmem>> -> memref<512xi32, #tpu.memory_space<vmem>>
    %swap3A_1022 = arith.constant 224 : index
    %swap3A_1023 = tpu.vector_load %swap3A_1021[%swap3A_1022] {strides = array<i32>} : memref<512xi32, #tpu.memory_space<vmem>>, vector<16xi32>,
    tpu.vector_store %swap3A_1021[%swap3A_1022], %and3A_1017 {strides = array<i32>} : memref<512xi32, #tpu.memory_space<vmem>>, vector<16xi32>,
    %get3A_1024 = arith.constant 1 : i32
    %get3A_1025 = arith.constant 0 : i32
    %get3A_1026 = tpu.memref_slice %arg7[%get3A_1024, %get3A_1025] : memref<3x512xi32, #tpu.memory_space<vmem>> -> memref<1x512xi32, #tpu.memory_space<vmem>>
    %get3A_1027 = tpu.memref_squeeze %get3A_1026 : memref<1x512xi32, #tpu.memory_space<vmem>> -> memref<512xi32, #tpu.memory_space<vmem>>
    %get3A_1028 = arith.constant 240 : index
    %get3A_1029 = tpu.vector_load %get3A_1027[%get3A_1028] {strides = array<i32>} : memref<512xi32, #tpu.memory_space<vmem>>, vector<16xi32>,
    %get3A_1030 = arith.constant 2 : i32
    %get3A_1031 = arith.constant 0 : i32
    %get3A_1032 = tpu.memref_slice %arg7[%get3A_1030, %get3A_1031] : memref<3x512xi32, #tpu.memory_space<vmem>> -> memref<1x512xi32, #tpu.memory_space<vmem>>
    %get3A_1033 = tpu.memref_squeeze %get3A_1032 : memref<1x512xi32, #tpu.memory_space<vmem>> -> memref<512xi32, #tpu.memory_space<vmem>>
    %get3A_1034 = arith.constant 240 : index
    %get3A_1035 = tpu.vector_load %get3A_1033[%get3A_1034] {strides = array<i32>} : memref<512xi32, #tpu.memory_space<vmem>>, vector<16xi32>,
    %get3A_1036 = arith.constant 0 : i32
    %get3A_1037 = arith.constant 0 : i32
    %get3A_1038 = tpu.memref_slice %arg7[%get3A_1036, %get3A_1037] : memref<3x512xi32, #tpu.memory_space<vmem>> -> memref<1x512xi32, #tpu.memory_space<vmem>>
    %get3A_1039 = tpu.memref_squeeze %get3A_1038 : memref<1x512xi32, #tpu.memory_space<vmem>> -> memref<512xi32, #tpu.memory_space<vmem>>
    %get3A_1040 = arith.constant 240 : index
    %get3A_1041 = tpu.vector_load %get3A_1039[%get3A_1040] {strides = array<i32>} : memref<512xi32, #tpu.memory_space<vmem>>, vector<16xi32>,
    %shift_left3A_1042 = arith.constant 16 : i32
    %shift_left3A_1043 = vector.broadcast %shift_left3A_1042 : i32 to vector<16xi32>
    %shift_left3A_1044 = arith.shli %get3A_1041, %shift_left3A_1043 : vector<16xi32>
    %shift_right_arithmetic3A_1045 = arith.constant 3 : i32
    %shift_right_arithmetic3A_1046 = vector.broadcast %shift_right_arithmetic3A_1045 : i32 to vector<16xi32>
    %shift_right_arithmetic3A_1047 = arith.shrsi %get3A_1029, %shift_right_arithmetic3A_1046 : vector<16xi32>
    %shift_left3A_1048 = arith.constant 11 : i32
    %shift_left3A_1049 = vector.broadcast %shift_left3A_1048 : i32 to vector<16xi32>
    %shift_left3A_1050 = arith.shli %shift_right_arithmetic3A_1047, %shift_left3A_1049 : vector<16xi32>
    %or3A_1051 = arith.ori %shift_left3A_1044, %shift_left3A_1050 : vector<16xi32>
    %shift_right_arithmetic3A_1052 = arith.constant 7 : i32
    %shift_right_arithmetic3A_1053 = vector.broadcast %shift_right_arithmetic3A_1052 : i32 to vector<16xi32>
    %shift_right_arithmetic3A_1054 = arith.shrsi %get3A_1035, %shift_right_arithmetic3A_1053 : vector<16xi32>
    %shift_left3A_1055 = arith.constant 10 : i32
    %shift_left3A_1056 = vector.broadcast %shift_left3A_1055 : i32 to vector<16xi32>
    %shift_left3A_1057 = arith.shli %shift_right_arithmetic3A_1054, %shift_left3A_1056 : vector<16xi32>
    %or3A_1058 = arith.ori %or3A_1051, %shift_left3A_1057 : vector<16xi32>
    %and3A_1059 = arith.constant 7 : i32
    %and3A_1060 = vector.broadcast %and3A_1059 : i32 to vector<16xi32>
    %and3A_1061 = arith.andi %get3A_1029, %and3A_1060 : vector<16xi32>
    %shift_left3A_1062 = arith.constant 7 : i32
    %shift_left3A_1063 = vector.broadcast %shift_left3A_1062 : i32 to vector<16xi32>
    %shift_left3A_1064 = arith.shli %and3A_1061, %shift_left3A_1063 : vector<16xi32>
    %or3A_1065 = arith.ori %or3A_1058, %shift_left3A_1064 : vector<16xi32>
    %and3A_1066 = arith.constant 127 : i32
    %and3A_1067 = vector.broadcast %and3A_1066 : i32 to vector<16xi32>
    %and3A_1068 = arith.andi %get3A_1035, %and3A_1067 : vector<16xi32>
    %or3A_1069 = arith.ori %or3A_1065, %and3A_1068 : vector<16xi32>
    %shift_right_arithmetic3A_1070 = arith.constant 4 : i32
    %shift_right_arithmetic3A_1071 = vector.broadcast %shift_right_arithmetic3A_1070 : i32 to vector<16xi32>
    %shift_right_arithmetic3A_1072 = arith.shrsi %or3A_1069, %shift_right_arithmetic3A_1071 : vector<16xi32>
    %swap3A_1073 = arith.constant 1 : i32
    %swap3A_1074 = arith.constant 0 : i32
    %swap3A_1075 = tpu.memref_slice %arg7[%swap3A_1073, %swap3A_1074] : memref<3x512xi32, #tpu.memory_space<vmem>> -> memref<1x512xi32, #tpu.memory_space<vmem>>
    %swap3A_1076 = tpu.memref_squeeze %swap3A_1075 : memref<1x512xi32, #tpu.memory_space<vmem>> -> memref<512xi32, #tpu.memory_space<vmem>>
    %swap3A_1077 = arith.constant 240 : index
    %swap3A_1078 = tpu.vector_load %swap3A_1076[%swap3A_1077] {strides = array<i32>} : memref<512xi32, #tpu.memory_space<vmem>>, vector<16xi32>,
    tpu.vector_store %swap3A_1076[%swap3A_1077], %shift_right_arithmetic3A_1072 {strides = array<i32>} : memref<512xi32, #tpu.memory_space<vmem>>, vector<16xi32>,
    %and3A_1079 = arith.constant 15 : i32
    %and3A_1080 = vector.broadcast %and3A_1079 : i32 to vector<16xi32>
    %and3A_1081 = arith.andi %or3A_1069, %and3A_1080 : vector<16xi32>
    %swap3A_1082 = arith.constant 2 : i32
    %swap3A_1083 = arith.constant 0 : i32
    %swap3A_1084 = tpu.memref_slice %arg7[%swap3A_1082, %swap3A_1083] : memref<3x512xi32, #tpu.memory_space<vmem>> -> memref<1x512xi32, #tpu.memory_space<vmem>>
    %swap3A_1085 = tpu.memref_squeeze %swap3A_1084 : memref<1x512xi32, #tpu.memory_space<vmem>> -> memref<512xi32, #tpu.memory_space<vmem>>
    %swap3A_1086 = arith.constant 240 : index
    %swap3A_1087 = tpu.vector_load %swap3A_1085[%swap3A_1086] {strides = array<i32>} : memref<512xi32, #tpu.memory_space<vmem>>, vector<16xi32>,
    tpu.vector_store %swap3A_1085[%swap3A_1086], %and3A_1081 {strides = array<i32>} : memref<512xi32, #tpu.memory_space<vmem>>, vector<16xi32>,
    %dma_start3A_1088 = arith.constant 1 : i32
    %dma_start3A_1089 = arith.constant 1 : i32
    %dma_start3A_1090 = arith.constant 128 : i32
    %dma_start3A_1091 = arith.constant 0 : i32
    %dma_start3A_1092 = tpu.memref_slice %arg9[%dma_start3A_1090, %dma_start3A_1091] : memref<512x16xf32, #tpu.memory_space<vmem>> -> memref<128x16xf32, #tpu.memory_space<vmem>>
    %dma_start3A_1093 = arith.constant 0 : i32
    %dma_start3A_1094 = tpu.memref_slice %arg7[%dma_start3A_1088, %dma_start3A_1093] : memref<3x512xi32, #tpu.memory_space<vmem>> -> memref<1x512xi32, #tpu.memory_space<vmem>>
    %dma_start3A_1095 = tpu.memref_squeeze %dma_start3A_1094 : memref<1x512xi32, #tpu.memory_space<vmem>> -> memref<512xi32, #tpu.memory_space<vmem>>
    %dma_start3A_1096 = arith.constant 128 : i32
    %dma_start3A_1097 = tpu.memref_slice %dma_start3A_1095[%dma_start3A_1096] : memref<512xi32, #tpu.memory_space<vmem>> -> memref<128xi32, #tpu.memory_space<vmem>>
    %dma_start3A_1098 = arith.constant 0 : i32
    %dma_start3A_1099 = arith.constant 0 : i32
    %dma_start3A_1100 = tpu.memref_slice %arg5[%dma_start3A_1098, %dma_start3A_1099] : memref<1048576x16xf32, #tpu.memory_space<hbm>> -> memref<1048576x16xf32, #tpu.memory_space<hbm>>
    %dma_start3A_1101 = tpu.memref_slice %arg11[%dma_start3A_1089] : memref<4x!tpu.dma_semaphore, #tpu.memory_space<semaphore_mem>> -> memref<1x!tpu.dma_semaphore, #tpu.memory_space<semaphore_mem>>
    %dma_start3A_1102 = tpu.memref_squeeze %dma_start3A_1101 : memref<1x!tpu.dma_semaphore, #tpu.memory_space<semaphore_mem>> -> memref<!tpu.dma_semaphore, #tpu.memory_space<semaphore_mem>>
    tpu.enqueue_indirect_dma source(%dma_start3A_1100 : memref<1048576x16xf32, #tpu.memory_space<hbm>>) target(%dma_start3A_1092 : memref<128x16xf32, #tpu.memory_space<vmem>>) offsets(%dma_start3A_1097 : memref<128xi32, #tpu.memory_space<vmem>>) semaphore(%dma_start3A_1102 : memref<!tpu.dma_semaphore, #tpu.memory_space<semaphore_mem>>)
    %get3A_1103 = arith.constant 1 : i32
    %get3A_1104 = arith.constant 0 : i32
    %get3A_1105 = tpu.memref_slice %arg7[%get3A_1103, %get3A_1104] : memref<3x512xi32, #tpu.memory_space<vmem>> -> memref<1x512xi32, #tpu.memory_space<vmem>>
    %get3A_1106 = tpu.memref_squeeze %get3A_1105 : memref<1x512xi32, #tpu.memory_space<vmem>> -> memref<512xi32, #tpu.memory_space<vmem>>
    %get3A_1107 = arith.constant 256 : index
    %get3A_1108 = tpu.vector_load %get3A_1106[%get3A_1107] {strides = array<i32>} : memref<512xi32, #tpu.memory_space<vmem>>, vector<16xi32>,
    %get3A_1109 = arith.constant 2 : i32
    %get3A_1110 = arith.constant 0 : i32
    %get3A_1111 = tpu.memref_slice %arg7[%get3A_1109, %get3A_1110] : memref<3x512xi32, #tpu.memory_space<vmem>> -> memref<1x512xi32, #tpu.memory_space<vmem>>
    %get3A_1112 = tpu.memref_squeeze %get3A_1111 : memref<1x512xi32, #tpu.memory_space<vmem>> -> memref<512xi32, #tpu.memory_space<vmem>>
    %get3A_1113 = arith.constant 256 : index
    %get3A_1114 = tpu.vector_load %get3A_1112[%get3A_1113] {strides = array<i32>} : memref<512xi32, #tpu.memory_space<vmem>>, vector<16xi32>,
    %get3A_1115 = arith.constant 0 : i32
    %get3A_1116 = arith.constant 0 : i32
    %get3A_1117 = tpu.memref_slice %arg7[%get3A_1115, %get3A_1116] : memref<3x512xi32, #tpu.memory_space<vmem>> -> memref<1x512xi32, #tpu.memory_space<vmem>>
    %get3A_1118 = tpu.memref_squeeze %get3A_1117 : memref<1x512xi32, #tpu.memory_space<vmem>> -> memref<512xi32, #tpu.memory_space<vmem>>
    %get3A_1119 = arith.constant 256 : index
    %get3A_1120 = tpu.vector_load %get3A_1118[%get3A_1119] {strides = array<i32>} : memref<512xi32, #tpu.memory_space<vmem>>, vector<16xi32>,
    %shift_left3A_1121 = arith.constant 16 : i32
    %shift_left3A_1122 = vector.broadcast %shift_left3A_1121 : i32 to vector<16xi32>
    %shift_left3A_1123 = arith.shli %get3A_1120, %shift_left3A_1122 : vector<16xi32>
    %shift_right_arithmetic3A_1124 = arith.constant 3 : i32
    %shift_right_arithmetic3A_1125 = vector.broadcast %shift_right_arithmetic3A_1124 : i32 to vector<16xi32>
    %shift_right_arithmetic3A_1126 = arith.shrsi %get3A_1108, %shift_right_arithmetic3A_1125 : vector<16xi32>
    %shift_left3A_1127 = arith.constant 11 : i32
    %shift_left3A_1128 = vector.broadcast %shift_left3A_1127 : i32 to vector<16xi32>
    %shift_left3A_1129 = arith.shli %shift_right_arithmetic3A_1126, %shift_left3A_1128 : vector<16xi32>
    %or3A_1130 = arith.ori %shift_left3A_1123, %shift_left3A_1129 : vector<16xi32>
    %shift_right_arithmetic3A_1131 = arith.constant 7 : i32
    %shift_right_arithmetic3A_1132 = vector.broadcast %shift_right_arithmetic3A_1131 : i32 to vector<16xi32>
    %shift_right_arithmetic3A_1133 = arith.shrsi %get3A_1114, %shift_right_arithmetic3A_1132 : vector<16xi32>
    %shift_left3A_1134 = arith.constant 10 : i32
    %shift_left3A_1135 = vector.broadcast %shift_left3A_1134 : i32 to vector<16xi32>
    %shift_left3A_1136 = arith.shli %shift_right_arithmetic3A_1133, %shift_left3A_1135 : vector<16xi32>
    %or3A_1137 = arith.ori %or3A_1130, %shift_left3A_1136 : vector<16xi32>
    %and3A_1138 = arith.constant 7 : i32
    %and3A_1139 = vector.broadcast %and3A_1138 : i32 to vector<16xi32>
    %and3A_1140 = arith.andi %get3A_1108, %and3A_1139 : vector<16xi32>
    %shift_left3A_1141 = arith.constant 7 : i32
    %shift_left3A_1142 = vector.broadcast %shift_left3A_1141 : i32 to vector<16xi32>
    %shift_left3A_1143 = arith.shli %and3A_1140, %shift_left3A_1142 : vector<16xi32>
    %or3A_1144 = arith.ori %or3A_1137, %shift_left3A_1143 : vector<16xi32>
    %and3A_1145 = arith.constant 127 : i32
    %and3A_1146 = vector.broadcast %and3A_1145 : i32 to vector<16xi32>
    %and3A_1147 = arith.andi %get3A_1114, %and3A_1146 : vector<16xi32>
    %or3A_1148 = arith.ori %or3A_1144, %and3A_1147 : vector<16xi32>
    %shift_right_arithmetic3A_1149 = arith.constant 4 : i32
    %shift_right_arithmetic3A_1150 = vector.broadcast %shift_right_arithmetic3A_1149 : i32 to vector<16xi32>
    %shift_right_arithmetic3A_1151 = arith.shrsi %or3A_1148, %shift_right_arithmetic3A_1150 : vector<16xi32>
    %swap3A_1152 = arith.constant 1 : i32
    %swap3A_1153 = arith.constant 0 : i32
    %swap3A_1154 = tpu.memref_slice %arg7[%swap3A_1152, %swap3A_1153] : memref<3x512xi32, #tpu.memory_space<vmem>> -> memref<1x512xi32, #tpu.memory_space<vmem>>
    %swap3A_1155 = tpu.memref_squeeze %swap3A_1154 : memref<1x512xi32, #tpu.memory_space<vmem>> -> memref<512xi32, #tpu.memory_space<vmem>>
    %swap3A_1156 = arith.constant 256 : index
    %swap3A_1157 = tpu.vector_load %swap3A_1155[%swap3A_1156] {strides = array<i32>} : memref<512xi32, #tpu.memory_space<vmem>>, vector<16xi32>,
    tpu.vector_store %swap3A_1155[%swap3A_1156], %shift_right_arithmetic3A_1151 {strides = array<i32>} : memref<512xi32, #tpu.memory_space<vmem>>, vector<16xi32>,
    %and3A_1158 = arith.constant 15 : i32
    %and3A_1159 = vector.broadcast %and3A_1158 : i32 to vector<16xi32>
    %and3A_1160 = arith.andi %or3A_1148, %and3A_1159 : vector<16xi32>
    %swap3A_1161 = arith.constant 2 : i32
    %swap3A_1162 = arith.constant 0 : i32
    %swap3A_1163 = tpu.memref_slice %arg7[%swap3A_1161, %swap3A_1162] : memref<3x512xi32, #tpu.memory_space<vmem>> -> memref<1x512xi32, #tpu.memory_space<vmem>>
    %swap3A_1164 = tpu.memref_squeeze %swap3A_1163 : memref<1x512xi32, #tpu.memory_space<vmem>> -> memref<512xi32, #tpu.memory_space<vmem>>
    %swap3A_1165 = arith.constant 256 : index
    %swap3A_1166 = tpu.vector_load %swap3A_1164[%swap3A_1165] {strides = array<i32>} : memref<512xi32, #tpu.memory_space<vmem>>, vector<16xi32>,
    tpu.vector_store %swap3A_1164[%swap3A_1165], %and3A_1160 {strides = array<i32>} : memref<512xi32, #tpu.memory_space<vmem>>, vector<16xi32>,
    %get3A_1167 = arith.constant 1 : i32
    %get3A_1168 = arith.constant 0 : i32
    %get3A_1169 = tpu.memref_slice %arg7[%get3A_1167, %get3A_1168] : memref<3x512xi32, #tpu.memory_space<vmem>> -> memref<1x512xi32, #tpu.memory_space<vmem>>
    %get3A_1170 = tpu.memref_squeeze %get3A_1169 : memref<1x512xi32, #tpu.memory_space<vmem>> -> memref<512xi32, #tpu.memory_space<vmem>>
    %get3A_1171 = arith.constant 272 : index
    %get3A_1172 = tpu.vector_load %get3A_1170[%get3A_1171] {strides = array<i32>} : memref<512xi32, #tpu.memory_space<vmem>>, vector<16xi32>,
    %get3A_1173 = arith.constant 2 : i32
    %get3A_1174 = arith.constant 0 : i32
    %get3A_1175 = tpu.memref_slice %arg7[%get3A_1173, %get3A_1174] : memref<3x512xi32, #tpu.memory_space<vmem>> -> memref<1x512xi32, #tpu.memory_space<vmem>>
    %get3A_1176 = tpu.memref_squeeze %get3A_1175 : memref<1x512xi32, #tpu.memory_space<vmem>> -> memref<512xi32, #tpu.memory_space<vmem>>
    %get3A_1177 = arith.constant 272 : index
    %get3A_1178 = tpu.vector_load %get3A_1176[%get3A_1177] {strides = array<i32>} : memref<512xi32, #tpu.memory_space<vmem>>, vector<16xi32>,
    %get3A_1179 = arith.constant 0 : i32
    %get3A_1180 = arith.constant 0 : i32
    %get3A_1181 = tpu.memref_slice %arg7[%get3A_1179, %get3A_1180] : memref<3x512xi32, #tpu.memory_space<vmem>> -> memref<1x512xi32, #tpu.memory_space<vmem>>
    %get3A_1182 = tpu.memref_squeeze %get3A_1181 : memref<1x512xi32, #tpu.memory_space<vmem>> -> memref<512xi32, #tpu.memory_space<vmem>>
    %get3A_1183 = arith.constant 272 : index
    %get3A_1184 = tpu.vector_load %get3A_1182[%get3A_1183] {strides = array<i32>} : memref<512xi32, #tpu.memory_space<vmem>>, vector<16xi32>,
    %shift_left3A_1185 = arith.constant 16 : i32
    %shift_left3A_1186 = vector.broadcast %shift_left3A_1185 : i32 to vector<16xi32>
    %shift_left3A_1187 = arith.shli %get3A_1184, %shift_left3A_1186 : vector<16xi32>
    %shift_right_arithmetic3A_1188 = arith.constant 3 : i32
    %shift_right_arithmetic3A_1189 = vector.broadcast %shift_right_arithmetic3A_1188 : i32 to vector<16xi32>
    %shift_right_arithmetic3A_1190 = arith.shrsi %get3A_1172, %shift_right_arithmetic3A_1189 : vector<16xi32>
    %shift_left3A_1191 = arith.constant 11 : i32
    %shift_left3A_1192 = vector.broadcast %shift_left3A_1191 : i32 to vector<16xi32>
    %shift_left3A_1193 = arith.shli %shift_right_arithmetic3A_1190, %shift_left3A_1192 : vector<16xi32>
    %or3A_1194 = arith.ori %shift_left3A_1187, %shift_left3A_1193 : vector<16xi32>
    %shift_right_arithmetic3A_1195 = arith.constant 7 : i32
    %shift_right_arithmetic3A_1196 = vector.broadcast %shift_right_arithmetic3A_1195 : i32 to vector<16xi32>
    %shift_right_arithmetic3A_1197 = arith.shrsi %get3A_1178, %shift_right_arithmetic3A_1196 : vector<16xi32>
    %shift_left3A_1198 = arith.constant 10 : i32
    %shift_left3A_1199 = vector.broadcast %shift_left3A_1198 : i32 to vector<16xi32>
    %shift_left3A_1200 = arith.shli %shift_right_arithmetic3A_1197, %shift_left3A_1199 : vector<16xi32>
    %or3A_1201 = arith.ori %or3A_1194, %shift_left3A_1200 : vector<16xi32>
    %and3A_1202 = arith.constant 7 : i32
    %and3A_1203 = vector.broadcast %and3A_1202 : i32 to vector<16xi32>
    %and3A_1204 = arith.andi %get3A_1172, %and3A_1203 : vector<16xi32>
    %shift_left3A_1205 = arith.constant 7 : i32
    %shift_left3A_1206 = vector.broadcast %shift_left3A_1205 : i32 to vector<16xi32>
    %shift_left3A_1207 = arith.shli %and3A_1204, %shift_left3A_1206 : vector<16xi32>
    %or3A_1208 = arith.ori %or3A_1201, %shift_left3A_1207 : vector<16xi32>
    %and3A_1209 = arith.constant 127 : i32
    %and3A_1210 = vector.broadcast %and3A_1209 : i32 to vector<16xi32>
    %and3A_1211 = arith.andi %get3A_1178, %and3A_1210 : vector<16xi32>
    %or3A_1212 = arith.ori %or3A_1208, %and3A_1211 : vector<16xi32>
    %shift_right_arithmetic3A_1213 = arith.constant 4 : i32
    %shift_right_arithmetic3A_1214 = vector.broadcast %shift_right_arithmetic3A_1213 : i32 to vector<16xi32>
    %shift_right_arithmetic3A_1215 = arith.shrsi %or3A_1212, %shift_right_arithmetic3A_1214 : vector<16xi32>
    %swap3A_1216 = arith.constant 1 : i32
    %swap3A_1217 = arith.constant 0 : i32
    %swap3A_1218 = tpu.memref_slice %arg7[%swap3A_1216, %swap3A_1217] : memref<3x512xi32, #tpu.memory_space<vmem>> -> memref<1x512xi32, #tpu.memory_space<vmem>>
    %swap3A_1219 = tpu.memref_squeeze %swap3A_1218 : memref<1x512xi32, #tpu.memory_space<vmem>> -> memref<512xi32, #tpu.memory_space<vmem>>
    %swap3A_1220 = arith.constant 272 : index
    %swap3A_1221 = tpu.vector_load %swap3A_1219[%swap3A_1220] {strides = array<i32>} : memref<512xi32, #tpu.memory_space<vmem>>, vector<16xi32>,
    tpu.vector_store %swap3A_1219[%swap3A_1220], %shift_right_arithmetic3A_1215 {strides = array<i32>} : memref<512xi32, #tpu.memory_space<vmem>>, vector<16xi32>,
    %and3A_1222 = arith.constant 15 : i32
    %and3A_1223 = vector.broadcast %and3A_1222 : i32 to vector<16xi32>
    %and3A_1224 = arith.andi %or3A_1212, %and3A_1223 : vector<16xi32>
    %swap3A_1225 = arith.constant 2 : i32
    %swap3A_1226 = arith.constant 0 : i32
    %swap3A_1227 = tpu.memref_slice %arg7[%swap3A_1225, %swap3A_1226] : memref<3x512xi32, #tpu.memory_space<vmem>> -> memref<1x512xi32, #tpu.memory_space<vmem>>
    %swap3A_1228 = tpu.memref_squeeze %swap3A_1227 : memref<1x512xi32, #tpu.memory_space<vmem>> -> memref<512xi32, #tpu.memory_space<vmem>>
    %swap3A_1229 = arith.constant 272 : index
    %swap3A_1230 = tpu.vector_load %swap3A_1228[%swap3A_1229] {strides = array<i32>} : memref<512xi32, #tpu.memory_space<vmem>>, vector<16xi32>,
    tpu.vector_store %swap3A_1228[%swap3A_1229], %and3A_1224 {strides = array<i32>} : memref<512xi32, #tpu.memory_space<vmem>>, vector<16xi32>,
    %get3A_1231 = arith.constant 1 : i32
    %get3A_1232 = arith.constant 0 : i32
    %get3A_1233 = tpu.memref_slice %arg7[%get3A_1231, %get3A_1232] : memref<3x512xi32, #tpu.memory_space<vmem>> -> memref<1x512xi32, #tpu.memory_space<vmem>>
    %get3A_1234 = tpu.memref_squeeze %get3A_1233 : memref<1x512xi32, #tpu.memory_space<vmem>> -> memref<512xi32, #tpu.memory_space<vmem>>
    %get3A_1235 = arith.constant 288 : index
    %get3A_1236 = tpu.vector_load %get3A_1234[%get3A_1235] {strides = array<i32>} : memref<512xi32, #tpu.memory_space<vmem>>, vector<16xi32>,
    %get3A_1237 = arith.constant 2 : i32
    %get3A_1238 = arith.constant 0 : i32
    %get3A_1239 = tpu.memref_slice %arg7[%get3A_1237, %get3A_1238] : memref<3x512xi32, #tpu.memory_space<vmem>> -> memref<1x512xi32, #tpu.memory_space<vmem>>
    %get3A_1240 = tpu.memref_squeeze %get3A_1239 : memref<1x512xi32, #tpu.memory_space<vmem>> -> memref<512xi32, #tpu.memory_space<vmem>>
    %get3A_1241 = arith.constant 288 : index
    %get3A_1242 = tpu.vector_load %get3A_1240[%get3A_1241] {strides = array<i32>} : memref<512xi32, #tpu.memory_space<vmem>>, vector<16xi32>,
    %get3A_1243 = arith.constant 0 : i32
    %get3A_1244 = arith.constant 0 : i32
    %get3A_1245 = tpu.memref_slice %arg7[%get3A_1243, %get3A_1244] : memref<3x512xi32, #tpu.memory_space<vmem>> -> memref<1x512xi32, #tpu.memory_space<vmem>>
    %get3A_1246 = tpu.memref_squeeze %get3A_1245 : memref<1x512xi32, #tpu.memory_space<vmem>> -> memref<512xi32, #tpu.memory_space<vmem>>
    %get3A_1247 = arith.constant 288 : index
    %get3A_1248 = tpu.vector_load %get3A_1246[%get3A_1247] {strides = array<i32>} : memref<512xi32, #tpu.memory_space<vmem>>, vector<16xi32>,
    %shift_left3A_1249 = arith.constant 16 : i32
    %shift_left3A_1250 = vector.broadcast %shift_left3A_1249 : i32 to vector<16xi32>
    %shift_left3A_1251 = arith.shli %get3A_1248, %shift_left3A_1250 : vector<16xi32>
    %shift_right_arithmetic3A_1252 = arith.constant 3 : i32
    %shift_right_arithmetic3A_1253 = vector.broadcast %shift_right_arithmetic3A_1252 : i32 to vector<16xi32>
    %shift_right_arithmetic3A_1254 = arith.shrsi %get3A_1236, %shift_right_arithmetic3A_1253 : vector<16xi32>
    %shift_left3A_1255 = arith.constant 11 : i32
    %shift_left3A_1256 = vector.broadcast %shift_left3A_1255 : i32 to vector<16xi32>
    %shift_left3A_1257 = arith.shli %shift_right_arithmetic3A_1254, %shift_left3A_1256 : vector<16xi32>
    %or3A_1258 = arith.ori %shift_left3A_1251, %shift_left3A_1257 : vector<16xi32>
    %shift_right_arithmetic3A_1259 = arith.constant 7 : i32
    %shift_right_arithmetic3A_1260 = vector.broadcast %shift_right_arithmetic3A_1259 : i32 to vector<16xi32>
    %shift_right_arithmetic3A_1261 = arith.shrsi %get3A_1242, %shift_right_arithmetic3A_1260 : vector<16xi32>
    %shift_left3A_1262 = arith.constant 10 : i32
    %shift_left3A_1263 = vector.broadcast %shift_left3A_1262 : i32 to vector<16xi32>
    %shift_left3A_1264 = arith.shli %shift_right_arithmetic3A_1261, %shift_left3A_1263 : vector<16xi32>
    %or3A_1265 = arith.ori %or3A_1258, %shift_left3A_1264 : vector<16xi32>
    %and3A_1266 = arith.constant 7 : i32
    %and3A_1267 = vector.broadcast %and3A_1266 : i32 to vector<16xi32>
    %and3A_1268 = arith.andi %get3A_1236, %and3A_1267 : vector<16xi32>
    %shift_left3A_1269 = arith.constant 7 : i32
    %shift_left3A_1270 = vector.broadcast %shift_left3A_1269 : i32 to vector<16xi32>
    %shift_left3A_1271 = arith.shli %and3A_1268, %shift_left3A_1270 : vector<16xi32>
    %or3A_1272 = arith.ori %or3A_1265, %shift_left3A_1271 : vector<16xi32>
    %and3A_1273 = arith.constant 127 : i32
    %and3A_1274 = vector.broadcast %and3A_1273 : i32 to vector<16xi32>
    %and3A_1275 = arith.andi %get3A_1242, %and3A_1274 : vector<16xi32>
    %or3A_1276 = arith.ori %or3A_1272, %and3A_1275 : vector<16xi32>
    %shift_right_arithmetic3A_1277 = arith.constant 4 : i32
    %shift_right_arithmetic3A_1278 = vector.broadcast %shift_right_arithmetic3A_1277 : i32 to vector<16xi32>
    %shift_right_arithmetic3A_1279 = arith.shrsi %or3A_1276, %shift_right_arithmetic3A_1278 : vector<16xi32>
    %swap3A_1280 = arith.constant 1 : i32
    %swap3A_1281 = arith.constant 0 : i32
    %swap3A_1282 = tpu.memref_slice %arg7[%swap3A_1280, %swap3A_1281] : memref<3x512xi32, #tpu.memory_space<vmem>> -> memref<1x512xi32, #tpu.memory_space<vmem>>
    %swap3A_1283 = tpu.memref_squeeze %swap3A_1282 : memref<1x512xi32, #tpu.memory_space<vmem>> -> memref<512xi32, #tpu.memory_space<vmem>>
    %swap3A_1284 = arith.constant 288 : index
    %swap3A_1285 = tpu.vector_load %swap3A_1283[%swap3A_1284] {strides = array<i32>} : memref<512xi32, #tpu.memory_space<vmem>>, vector<16xi32>,
    tpu.vector_store %swap3A_1283[%swap3A_1284], %shift_right_arithmetic3A_1279 {strides = array<i32>} : memref<512xi32, #tpu.memory_space<vmem>>, vector<16xi32>,
    %and3A_1286 = arith.constant 15 : i32
    %and3A_1287 = vector.broadcast %and3A_1286 : i32 to vector<16xi32>
    %and3A_1288 = arith.andi %or3A_1276, %and3A_1287 : vector<16xi32>
    %swap3A_1289 = arith.constant 2 : i32
    %swap3A_1290 = arith.constant 0 : i32
    %swap3A_1291 = tpu.memref_slice %arg7[%swap3A_1289, %swap3A_1290] : memref<3x512xi32, #tpu.memory_space<vmem>> -> memref<1x512xi32, #tpu.memory_space<vmem>>
    %swap3A_1292 = tpu.memref_squeeze %swap3A_1291 : memref<1x512xi32, #tpu.memory_space<vmem>> -> memref<512xi32, #tpu.memory_space<vmem>>
    %swap3A_1293 = arith.constant 288 : index
    %swap3A_1294 = tpu.vector_load %swap3A_1292[%swap3A_1293] {strides = array<i32>} : memref<512xi32, #tpu.memory_space<vmem>>, vector<16xi32>,
    tpu.vector_store %swap3A_1292[%swap3A_1293], %and3A_1288 {strides = array<i32>} : memref<512xi32, #tpu.memory_space<vmem>>, vector<16xi32>,
    %get3A_1295 = arith.constant 1 : i32
    %get3A_1296 = arith.constant 0 : i32
    %get3A_1297 = tpu.memref_slice %arg7[%get3A_1295, %get3A_1296] : memref<3x512xi32, #tpu.memory_space<vmem>> -> memref<1x512xi32, #tpu.memory_space<vmem>>
    %get3A_1298 = tpu.memref_squeeze %get3A_1297 : memref<1x512xi32, #tpu.memory_space<vmem>> -> memref<512xi32, #tpu.memory_space<vmem>>
    %get3A_1299 = arith.constant 304 : index
    %get3A_1300 = tpu.vector_load %get3A_1298[%get3A_1299] {strides = array<i32>} : memref<512xi32, #tpu.memory_space<vmem>>, vector<16xi32>,
    %get3A_1301 = arith.constant 2 : i32
    %get3A_1302 = arith.constant 0 : i32
    %get3A_1303 = tpu.memref_slice %arg7[%get3A_1301, %get3A_1302] : memref<3x512xi32, #tpu.memory_space<vmem>> -> memref<1x512xi32, #tpu.memory_space<vmem>>
    %get3A_1304 = tpu.memref_squeeze %get3A_1303 : memref<1x512xi32, #tpu.memory_space<vmem>> -> memref<512xi32, #tpu.memory_space<vmem>>
    %get3A_1305 = arith.constant 304 : index
    %get3A_1306 = tpu.vector_load %get3A_1304[%get3A_1305] {strides = array<i32>} : memref<512xi32, #tpu.memory_space<vmem>>, vector<16xi32>,
    %get3A_1307 = arith.constant 0 : i32
    %get3A_1308 = arith.constant 0 : i32
    %get3A_1309 = tpu.memref_slice %arg7[%get3A_1307, %get3A_1308] : memref<3x512xi32, #tpu.memory_space<vmem>> -> memref<1x512xi32, #tpu.memory_space<vmem>>
    %get3A_1310 = tpu.memref_squeeze %get3A_1309 : memref<1x512xi32, #tpu.memory_space<vmem>> -> memref<512xi32, #tpu.memory_space<vmem>>
    %get3A_1311 = arith.constant 304 : index
    %get3A_1312 = tpu.vector_load %get3A_1310[%get3A_1311] {strides = array<i32>} : memref<512xi32, #tpu.memory_space<vmem>>, vector<16xi32>,
    %shift_left3A_1313 = arith.constant 16 : i32
    %shift_left3A_1314 = vector.broadcast %shift_left3A_1313 : i32 to vector<16xi32>
    %shift_left3A_1315 = arith.shli %get3A_1312, %shift_left3A_1314 : vector<16xi32>
    %shift_right_arithmetic3A_1316 = arith.constant 3 : i32
    %shift_right_arithmetic3A_1317 = vector.broadcast %shift_right_arithmetic3A_1316 : i32 to vector<16xi32>
    %shift_right_arithmetic3A_1318 = arith.shrsi %get3A_1300, %shift_right_arithmetic3A_1317 : vector<16xi32>
    %shift_left3A_1319 = arith.constant 11 : i32
    %shift_left3A_1320 = vector.broadcast %shift_left3A_1319 : i32 to vector<16xi32>
    %shift_left3A_1321 = arith.shli %shift_right_arithmetic3A_1318, %shift_left3A_1320 : vector<16xi32>
    %or3A_1322 = arith.ori %shift_left3A_1315, %shift_left3A_1321 : vector<16xi32>
    %shift_right_arithmetic3A_1323 = arith.constant 7 : i32
    %shift_right_arithmetic3A_1324 = vector.broadcast %shift_right_arithmetic3A_1323 : i32 to vector<16xi32>
    %shift_right_arithmetic3A_1325 = arith.shrsi %get3A_1306, %shift_right_arithmetic3A_1324 : vector<16xi32>
    %shift_left3A_1326 = arith.constant 10 : i32
    %shift_left3A_1327 = vector.broadcast %shift_left3A_1326 : i32 to vector<16xi32>
    %shift_left3A_1328 = arith.shli %shift_right_arithmetic3A_1325, %shift_left3A_1327 : vector<16xi32>
    %or3A_1329 = arith.ori %or3A_1322, %shift_left3A_1328 : vector<16xi32>
    %and3A_1330 = arith.constant 7 : i32
    %and3A_1331 = vector.broadcast %and3A_1330 : i32 to vector<16xi32>
    %and3A_1332 = arith.andi %get3A_1300, %and3A_1331 : vector<16xi32>
    %shift_left3A_1333 = arith.constant 7 : i32
    %shift_left3A_1334 = vector.broadcast %shift_left3A_1333 : i32 to vector<16xi32>
    %shift_left3A_1335 = arith.shli %and3A_1332, %shift_left3A_1334 : vector<16xi32>
    %or3A_1336 = arith.ori %or3A_1329, %shift_left3A_1335 : vector<16xi32>
    %and3A_1337 = arith.constant 127 : i32
    %and3A_1338 = vector.broadcast %and3A_1337 : i32 to vector<16xi32>
    %and3A_1339 = arith.andi %get3A_1306, %and3A_1338 : vector<16xi32>
    %or3A_1340 = arith.ori %or3A_1336, %and3A_1339 : vector<16xi32>
    %shift_right_arithmetic3A_1341 = arith.constant 4 : i32
    %shift_right_arithmetic3A_1342 = vector.broadcast %shift_right_arithmetic3A_1341 : i32 to vector<16xi32>
    %shift_right_arithmetic3A_1343 = arith.shrsi %or3A_1340, %shift_right_arithmetic3A_1342 : vector<16xi32>
    %swap3A_1344 = arith.constant 1 : i32
    %swap3A_1345 = arith.constant 0 : i32
    %swap3A_1346 = tpu.memref_slice %arg7[%swap3A_1344, %swap3A_1345] : memref<3x512xi32, #tpu.memory_space<vmem>> -> memref<1x512xi32, #tpu.memory_space<vmem>>
    %swap3A_1347 = tpu.memref_squeeze %swap3A_1346 : memref<1x512xi32, #tpu.memory_space<vmem>> -> memref<512xi32, #tpu.memory_space<vmem>>
    %swap3A_1348 = arith.constant 304 : index
    %swap3A_1349 = tpu.vector_load %swap3A_1347[%swap3A_1348] {strides = array<i32>} : memref<512xi32, #tpu.memory_space<vmem>>, vector<16xi32>,
    tpu.vector_store %swap3A_1347[%swap3A_1348], %shift_right_arithmetic3A_1343 {strides = array<i32>} : memref<512xi32, #tpu.memory_space<vmem>>, vector<16xi32>,
    %and3A_1350 = arith.constant 15 : i32
    %and3A_1351 = vector.broadcast %and3A_1350 : i32 to vector<16xi32>
    %and3A_1352 = arith.andi %or3A_1340, %and3A_1351 : vector<16xi32>
    %swap3A_1353 = arith.constant 2 : i32
    %swap3A_1354 = arith.constant 0 : i32
    %swap3A_1355 = tpu.memref_slice %arg7[%swap3A_1353, %swap3A_1354] : memref<3x512xi32, #tpu.memory_space<vmem>> -> memref<1x512xi32, #tpu.memory_space<vmem>>
    %swap3A_1356 = tpu.memref_squeeze %swap3A_1355 : memref<1x512xi32, #tpu.memory_space<vmem>> -> memref<512xi32, #tpu.memory_space<vmem>>
    %swap3A_1357 = arith.constant 304 : index
    %swap3A_1358 = tpu.vector_load %swap3A_1356[%swap3A_1357] {strides = array<i32>} : memref<512xi32, #tpu.memory_space<vmem>>, vector<16xi32>,
    tpu.vector_store %swap3A_1356[%swap3A_1357], %and3A_1352 {strides = array<i32>} : memref<512xi32, #tpu.memory_space<vmem>>, vector<16xi32>,
    %get3A_1359 = arith.constant 1 : i32
    %get3A_1360 = arith.constant 0 : i32
    %get3A_1361 = tpu.memref_slice %arg7[%get3A_1359, %get3A_1360] : memref<3x512xi32, #tpu.memory_space<vmem>> -> memref<1x512xi32, #tpu.memory_space<vmem>>
    %get3A_1362 = tpu.memref_squeeze %get3A_1361 : memref<1x512xi32, #tpu.memory_space<vmem>> -> memref<512xi32, #tpu.memory_space<vmem>>
    %get3A_1363 = arith.constant 320 : index
    %get3A_1364 = tpu.vector_load %get3A_1362[%get3A_1363] {strides = array<i32>} : memref<512xi32, #tpu.memory_space<vmem>>, vector<16xi32>,
    %get3A_1365 = arith.constant 2 : i32
    %get3A_1366 = arith.constant 0 : i32
    %get3A_1367 = tpu.memref_slice %arg7[%get3A_1365, %get3A_1366] : memref<3x512xi32, #tpu.memory_space<vmem>> -> memref<1x512xi32, #tpu.memory_space<vmem>>
    %get3A_1368 = tpu.memref_squeeze %get3A_1367 : memref<1x512xi32, #tpu.memory_space<vmem>> -> memref<512xi32, #tpu.memory_space<vmem>>
    %get3A_1369 = arith.constant 320 : index
    %get3A_1370 = tpu.vector_load %get3A_1368[%get3A_1369] {strides = array<i32>} : memref<512xi32, #tpu.memory_space<vmem>>, vector<16xi32>,
    %get3A_1371 = arith.constant 0 : i32
    %get3A_1372 = arith.constant 0 : i32
    %get3A_1373 = tpu.memref_slice %arg7[%get3A_1371, %get3A_1372] : memref<3x512xi32, #tpu.memory_space<vmem>> -> memref<1x512xi32, #tpu.memory_space<vmem>>
    %get3A_1374 = tpu.memref_squeeze %get3A_1373 : memref<1x512xi32, #tpu.memory_space<vmem>> -> memref<512xi32, #tpu.memory_space<vmem>>
    %get3A_1375 = arith.constant 320 : index
    %get3A_1376 = tpu.vector_load %get3A_1374[%get3A_1375] {strides = array<i32>} : memref<512xi32, #tpu.memory_space<vmem>>, vector<16xi32>,
    %shift_left3A_1377 = arith.constant 16 : i32
    %shift_left3A_1378 = vector.broadcast %shift_left3A_1377 : i32 to vector<16xi32>
    %shift_left3A_1379 = arith.shli %get3A_1376, %shift_left3A_1378 : vector<16xi32>
    %shift_right_arithmetic3A_1380 = arith.constant 3 : i32
    %shift_right_arithmetic3A_1381 = vector.broadcast %shift_right_arithmetic3A_1380 : i32 to vector<16xi32>
    %shift_right_arithmetic3A_1382 = arith.shrsi %get3A_1364, %shift_right_arithmetic3A_1381 : vector<16xi32>
    %shift_left3A_1383 = arith.constant 11 : i32
    %shift_left3A_1384 = vector.broadcast %shift_left3A_1383 : i32 to vector<16xi32>
    %shift_left3A_1385 = arith.shli %shift_right_arithmetic3A_1382, %shift_left3A_1384 : vector<16xi32>
    %or3A_1386 = arith.ori %shift_left3A_1379, %shift_left3A_1385 : vector<16xi32>
    %shift_right_arithmetic3A_1387 = arith.constant 7 : i32
    %shift_right_arithmetic3A_1388 = vector.broadcast %shift_right_arithmetic3A_1387 : i32 to vector<16xi32>
    %shift_right_arithmetic3A_1389 = arith.shrsi %get3A_1370, %shift_right_arithmetic3A_1388 : vector<16xi32>
    %shift_left3A_1390 = arith.constant 10 : i32
    %shift_left3A_1391 = vector.broadcast %shift_left3A_1390 : i32 to vector<16xi32>
    %shift_left3A_1392 = arith.shli %shift_right_arithmetic3A_1389, %shift_left3A_1391 : vector<16xi32>
    %or3A_1393 = arith.ori %or3A_1386, %shift_left3A_1392 : vector<16xi32>
    %and3A_1394 = arith.constant 7 : i32
    %and3A_1395 = vector.broadcast %and3A_1394 : i32 to vector<16xi32>
    %and3A_1396 = arith.andi %get3A_1364, %and3A_1395 : vector<16xi32>
    %shift_left3A_1397 = arith.constant 7 : i32
    %shift_left3A_1398 = vector.broadcast %shift_left3A_1397 : i32 to vector<16xi32>
    %shift_left3A_1399 = arith.shli %and3A_1396, %shift_left3A_1398 : vector<16xi32>
    %or3A_1400 = arith.ori %or3A_1393, %shift_left3A_1399 : vector<16xi32>
    %and3A_1401 = arith.constant 127 : i32
    %and3A_1402 = vector.broadcast %and3A_1401 : i32 to vector<16xi32>
    %and3A_1403 = arith.andi %get3A_1370, %and3A_1402 : vector<16xi32>
    %or3A_1404 = arith.ori %or3A_1400, %and3A_1403 : vector<16xi32>
    %shift_right_arithmetic3A_1405 = arith.constant 4 : i32
    %shift_right_arithmetic3A_1406 = vector.broadcast %shift_right_arithmetic3A_1405 : i32 to vector<16xi32>
    %shift_right_arithmetic3A_1407 = arith.shrsi %or3A_1404, %shift_right_arithmetic3A_1406 : vector<16xi32>
    %swap3A_1408 = arith.constant 1 : i32
    %swap3A_1409 = arith.constant 0 : i32
    %swap3A_1410 = tpu.memref_slice %arg7[%swap3A_1408, %swap3A_1409] : memref<3x512xi32, #tpu.memory_space<vmem>> -> memref<1x512xi32, #tpu.memory_space<vmem>>
    %swap3A_1411 = tpu.memref_squeeze %swap3A_1410 : memref<1x512xi32, #tpu.memory_space<vmem>> -> memref<512xi32, #tpu.memory_space<vmem>>
    %swap3A_1412 = arith.constant 320 : index
    %swap3A_1413 = tpu.vector_load %swap3A_1411[%swap3A_1412] {strides = array<i32>} : memref<512xi32, #tpu.memory_space<vmem>>, vector<16xi32>,
    tpu.vector_store %swap3A_1411[%swap3A_1412], %shift_right_arithmetic3A_1407 {strides = array<i32>} : memref<512xi32, #tpu.memory_space<vmem>>, vector<16xi32>,
    %and3A_1414 = arith.constant 15 : i32
    %and3A_1415 = vector.broadcast %and3A_1414 : i32 to vector<16xi32>
    %and3A_1416 = arith.andi %or3A_1404, %and3A_1415 : vector<16xi32>
    %swap3A_1417 = arith.constant 2 : i32
    %swap3A_1418 = arith.constant 0 : i32
    %swap3A_1419 = tpu.memref_slice %arg7[%swap3A_1417, %swap3A_1418] : memref<3x512xi32, #tpu.memory_space<vmem>> -> memref<1x512xi32, #tpu.memory_space<vmem>>
    %swap3A_1420 = tpu.memref_squeeze %swap3A_1419 : memref<1x512xi32, #tpu.memory_space<vmem>> -> memref<512xi32, #tpu.memory_space<vmem>>
    %swap3A_1421 = arith.constant 320 : index
    %swap3A_1422 = tpu.vector_load %swap3A_1420[%swap3A_1421] {strides = array<i32>} : memref<512xi32, #tpu.memory_space<vmem>>, vector<16xi32>,
    tpu.vector_store %swap3A_1420[%swap3A_1421], %and3A_1416 {strides = array<i32>} : memref<512xi32, #tpu.memory_space<vmem>>, vector<16xi32>,
    %get3A_1423 = arith.constant 1 : i32
    %get3A_1424 = arith.constant 0 : i32
    %get3A_1425 = tpu.memref_slice %arg7[%get3A_1423, %get3A_1424] : memref<3x512xi32, #tpu.memory_space<vmem>> -> memref<1x512xi32, #tpu.memory_space<vmem>>
    %get3A_1426 = tpu.memref_squeeze %get3A_1425 : memref<1x512xi32, #tpu.memory_space<vmem>> -> memref<512xi32, #tpu.memory_space<vmem>>
    %get3A_1427 = arith.constant 336 : index
    %get3A_1428 = tpu.vector_load %get3A_1426[%get3A_1427] {strides = array<i32>} : memref<512xi32, #tpu.memory_space<vmem>>, vector<16xi32>,
    %get3A_1429 = arith.constant 2 : i32
    %get3A_1430 = arith.constant 0 : i32
    %get3A_1431 = tpu.memref_slice %arg7[%get3A_1429, %get3A_1430] : memref<3x512xi32, #tpu.memory_space<vmem>> -> memref<1x512xi32, #tpu.memory_space<vmem>>
    %get3A_1432 = tpu.memref_squeeze %get3A_1431 : memref<1x512xi32, #tpu.memory_space<vmem>> -> memref<512xi32, #tpu.memory_space<vmem>>
    %get3A_1433 = arith.constant 336 : index
    %get3A_1434 = tpu.vector_load %get3A_1432[%get3A_1433] {strides = array<i32>} : memref<512xi32, #tpu.memory_space<vmem>>, vector<16xi32>,
    %get3A_1435 = arith.constant 0 : i32
    %get3A_1436 = arith.constant 0 : i32
    %get3A_1437 = tpu.memref_slice %arg7[%get3A_1435, %get3A_1436] : memref<3x512xi32, #tpu.memory_space<vmem>> -> memref<1x512xi32, #tpu.memory_space<vmem>>
    %get3A_1438 = tpu.memref_squeeze %get3A_1437 : memref<1x512xi32, #tpu.memory_space<vmem>> -> memref<512xi32, #tpu.memory_space<vmem>>
    %get3A_1439 = arith.constant 336 : index
    %get3A_1440 = tpu.vector_load %get3A_1438[%get3A_1439] {strides = array<i32>} : memref<512xi32, #tpu.memory_space<vmem>>, vector<16xi32>,
    %shift_left3A_1441 = arith.constant 16 : i32
    %shift_left3A_1442 = vector.broadcast %shift_left3A_1441 : i32 to vector<16xi32>
    %shift_left3A_1443 = arith.shli %get3A_1440, %shift_left3A_1442 : vector<16xi32>
    %shift_right_arithmetic3A_1444 = arith.constant 3 : i32
    %shift_right_arithmetic3A_1445 = vector.broadcast %shift_right_arithmetic3A_1444 : i32 to vector<16xi32>
    %shift_right_arithmetic3A_1446 = arith.shrsi %get3A_1428, %shift_right_arithmetic3A_1445 : vector<16xi32>
    %shift_left3A_1447 = arith.constant 11 : i32
    %shift_left3A_1448 = vector.broadcast %shift_left3A_1447 : i32 to vector<16xi32>
    %shift_left3A_1449 = arith.shli %shift_right_arithmetic3A_1446, %shift_left3A_1448 : vector<16xi32>
    %or3A_1450 = arith.ori %shift_left3A_1443, %shift_left3A_1449 : vector<16xi32>
    %shift_right_arithmetic3A_1451 = arith.constant 7 : i32
    %shift_right_arithmetic3A_1452 = vector.broadcast %shift_right_arithmetic3A_1451 : i32 to vector<16xi32>
    %shift_right_arithmetic3A_1453 = arith.shrsi %get3A_1434, %shift_right_arithmetic3A_1452 : vector<16xi32>
    %shift_left3A_1454 = arith.constant 10 : i32
    %shift_left3A_1455 = vector.broadcast %shift_left3A_1454 : i32 to vector<16xi32>
    %shift_left3A_1456 = arith.shli %shift_right_arithmetic3A_1453, %shift_left3A_1455 : vector<16xi32>
    %or3A_1457 = arith.ori %or3A_1450, %shift_left3A_1456 : vector<16xi32>
    %and3A_1458 = arith.constant 7 : i32
    %and3A_1459 = vector.broadcast %and3A_1458 : i32 to vector<16xi32>
    %and3A_1460 = arith.andi %get3A_1428, %and3A_1459 : vector<16xi32>
    %shift_left3A_1461 = arith.constant 7 : i32
    %shift_left3A_1462 = vector.broadcast %shift_left3A_1461 : i32 to vector<16xi32>
    %shift_left3A_1463 = arith.shli %and3A_1460, %shift_left3A_1462 : vector<16xi32>
    %or3A_1464 = arith.ori %or3A_1457, %shift_left3A_1463 : vector<16xi32>
    %and3A_1465 = arith.constant 127 : i32
    %and3A_1466 = vector.broadcast %and3A_1465 : i32 to vector<16xi32>
    %and3A_1467 = arith.andi %get3A_1434, %and3A_1466 : vector<16xi32>
    %or3A_1468 = arith.ori %or3A_1464, %and3A_1467 : vector<16xi32>
    %shift_right_arithmetic3A_1469 = arith.constant 4 : i32
    %shift_right_arithmetic3A_1470 = vector.broadcast %shift_right_arithmetic3A_1469 : i32 to vector<16xi32>
    %shift_right_arithmetic3A_1471 = arith.shrsi %or3A_1468, %shift_right_arithmetic3A_1470 : vector<16xi32>
    %swap3A_1472 = arith.constant 1 : i32
    %swap3A_1473 = arith.constant 0 : i32
    %swap3A_1474 = tpu.memref_slice %arg7[%swap3A_1472, %swap3A_1473] : memref<3x512xi32, #tpu.memory_space<vmem>> -> memref<1x512xi32, #tpu.memory_space<vmem>>
    %swap3A_1475 = tpu.memref_squeeze %swap3A_1474 : memref<1x512xi32, #tpu.memory_space<vmem>> -> memref<512xi32, #tpu.memory_space<vmem>>
    %swap3A_1476 = arith.constant 336 : index
    %swap3A_1477 = tpu.vector_load %swap3A_1475[%swap3A_1476] {strides = array<i32>} : memref<512xi32, #tpu.memory_space<vmem>>, vector<16xi32>,
    tpu.vector_store %swap3A_1475[%swap3A_1476], %shift_right_arithmetic3A_1471 {strides = array<i32>} : memref<512xi32, #tpu.memory_space<vmem>>, vector<16xi32>,
    %and3A_1478 = arith.constant 15 : i32
    %and3A_1479 = vector.broadcast %and3A_1478 : i32 to vector<16xi32>
    %and3A_1480 = arith.andi %or3A_1468, %and3A_1479 : vector<16xi32>
    %swap3A_1481 = arith.constant 2 : i32
    %swap3A_1482 = arith.constant 0 : i32
    %swap3A_1483 = tpu.memref_slice %arg7[%swap3A_1481, %swap3A_1482] : memref<3x512xi32, #tpu.memory_space<vmem>> -> memref<1x512xi32, #tpu.memory_space<vmem>>
    %swap3A_1484 = tpu.memref_squeeze %swap3A_1483 : memref<1x512xi32, #tpu.memory_space<vmem>> -> memref<512xi32, #tpu.memory_space<vmem>>
    %swap3A_1485 = arith.constant 336 : index
    %swap3A_1486 = tpu.vector_load %swap3A_1484[%swap3A_1485] {strides = array<i32>} : memref<512xi32, #tpu.memory_space<vmem>>, vector<16xi32>,
    tpu.vector_store %swap3A_1484[%swap3A_1485], %and3A_1480 {strides = array<i32>} : memref<512xi32, #tpu.memory_space<vmem>>, vector<16xi32>,
    %get3A_1487 = arith.constant 1 : i32
    %get3A_1488 = arith.constant 0 : i32
    %get3A_1489 = tpu.memref_slice %arg7[%get3A_1487, %get3A_1488] : memref<3x512xi32, #tpu.memory_space<vmem>> -> memref<1x512xi32, #tpu.memory_space<vmem>>
    %get3A_1490 = tpu.memref_squeeze %get3A_1489 : memref<1x512xi32, #tpu.memory_space<vmem>> -> memref<512xi32, #tpu.memory_space<vmem>>
    %get3A_1491 = arith.constant 352 : index
    %get3A_1492 = tpu.vector_load %get3A_1490[%get3A_1491] {strides = array<i32>} : memref<512xi32, #tpu.memory_space<vmem>>, vector<16xi32>,
    %get3A_1493 = arith.constant 2 : i32
    %get3A_1494 = arith.constant 0 : i32
    %get3A_1495 = tpu.memref_slice %arg7[%get3A_1493, %get3A_1494] : memref<3x512xi32, #tpu.memory_space<vmem>> -> memref<1x512xi32, #tpu.memory_space<vmem>>
    %get3A_1496 = tpu.memref_squeeze %get3A_1495 : memref<1x512xi32, #tpu.memory_space<vmem>> -> memref<512xi32, #tpu.memory_space<vmem>>
    %get3A_1497 = arith.constant 352 : index
    %get3A_1498 = tpu.vector_load %get3A_1496[%get3A_1497] {strides = array<i32>} : memref<512xi32, #tpu.memory_space<vmem>>, vector<16xi32>,
    %get3A_1499 = arith.constant 0 : i32
    %get3A_1500 = arith.constant 0 : i32
    %get3A_1501 = tpu.memref_slice %arg7[%get3A_1499, %get3A_1500] : memref<3x512xi32, #tpu.memory_space<vmem>> -> memref<1x512xi32, #tpu.memory_space<vmem>>
    %get3A_1502 = tpu.memref_squeeze %get3A_1501 : memref<1x512xi32, #tpu.memory_space<vmem>> -> memref<512xi32, #tpu.memory_space<vmem>>
    %get3A_1503 = arith.constant 352 : index
    %get3A_1504 = tpu.vector_load %get3A_1502[%get3A_1503] {strides = array<i32>} : memref<512xi32, #tpu.memory_space<vmem>>, vector<16xi32>,
    %shift_left3A_1505 = arith.constant 16 : i32
    %shift_left3A_1506 = vector.broadcast %shift_left3A_1505 : i32 to vector<16xi32>
    %shift_left3A_1507 = arith.shli %get3A_1504, %shift_left3A_1506 : vector<16xi32>
    %shift_right_arithmetic3A_1508 = arith.constant 3 : i32
    %shift_right_arithmetic3A_1509 = vector.broadcast %shift_right_arithmetic3A_1508 : i32 to vector<16xi32>
    %shift_right_arithmetic3A_1510 = arith.shrsi %get3A_1492, %shift_right_arithmetic3A_1509 : vector<16xi32>
    %shift_left3A_1511 = arith.constant 11 : i32
    %shift_left3A_1512 = vector.broadcast %shift_left3A_1511 : i32 to vector<16xi32>
    %shift_left3A_1513 = arith.shli %shift_right_arithmetic3A_1510, %shift_left3A_1512 : vector<16xi32>
    %or3A_1514 = arith.ori %shift_left3A_1507, %shift_left3A_1513 : vector<16xi32>
    %shift_right_arithmetic3A_1515 = arith.constant 7 : i32
    %shift_right_arithmetic3A_1516 = vector.broadcast %shift_right_arithmetic3A_1515 : i32 to vector<16xi32>
    %shift_right_arithmetic3A_1517 = arith.shrsi %get3A_1498, %shift_right_arithmetic3A_1516 : vector<16xi32>
    %shift_left3A_1518 = arith.constant 10 : i32
    %shift_left3A_1519 = vector.broadcast %shift_left3A_1518 : i32 to vector<16xi32>
    %shift_left3A_1520 = arith.shli %shift_right_arithmetic3A_1517, %shift_left3A_1519 : vector<16xi32>
    %or3A_1521 = arith.ori %or3A_1514, %shift_left3A_1520 : vector<16xi32>
    %and3A_1522 = arith.constant 7 : i32
    %and3A_1523 = vector.broadcast %and3A_1522 : i32 to vector<16xi32>
    %and3A_1524 = arith.andi %get3A_1492, %and3A_1523 : vector<16xi32>
    %shift_left3A_1525 = arith.constant 7 : i32
    %shift_left3A_1526 = vector.broadcast %shift_left3A_1525 : i32 to vector<16xi32>
    %shift_left3A_1527 = arith.shli %and3A_1524, %shift_left3A_1526 : vector<16xi32>
    %or3A_1528 = arith.ori %or3A_1521, %shift_left3A_1527 : vector<16xi32>
    %and3A_1529 = arith.constant 127 : i32
    %and3A_1530 = vector.broadcast %and3A_1529 : i32 to vector<16xi32>
    %and3A_1531 = arith.andi %get3A_1498, %and3A_1530 : vector<16xi32>
    %or3A_1532 = arith.ori %or3A_1528, %and3A_1531 : vector<16xi32>
    %shift_right_arithmetic3A_1533 = arith.constant 4 : i32
    %shift_right_arithmetic3A_1534 = vector.broadcast %shift_right_arithmetic3A_1533 : i32 to vector<16xi32>
    %shift_right_arithmetic3A_1535 = arith.shrsi %or3A_1532, %shift_right_arithmetic3A_1534 : vector<16xi32>
    %swap3A_1536 = arith.constant 1 : i32
    %swap3A_1537 = arith.constant 0 : i32
    %swap3A_1538 = tpu.memref_slice %arg7[%swap3A_1536, %swap3A_1537] : memref<3x512xi32, #tpu.memory_space<vmem>> -> memref<1x512xi32, #tpu.memory_space<vmem>>
    %swap3A_1539 = tpu.memref_squeeze %swap3A_1538 : memref<1x512xi32, #tpu.memory_space<vmem>> -> memref<512xi32, #tpu.memory_space<vmem>>
    %swap3A_1540 = arith.constant 352 : index
    %swap3A_1541 = tpu.vector_load %swap3A_1539[%swap3A_1540] {strides = array<i32>} : memref<512xi32, #tpu.memory_space<vmem>>, vector<16xi32>,
    tpu.vector_store %swap3A_1539[%swap3A_1540], %shift_right_arithmetic3A_1535 {strides = array<i32>} : memref<512xi32, #tpu.memory_space<vmem>>, vector<16xi32>,
    %and3A_1542 = arith.constant 15 : i32
    %and3A_1543 = vector.broadcast %and3A_1542 : i32 to vector<16xi32>
    %and3A_1544 = arith.andi %or3A_1532, %and3A_1543 : vector<16xi32>
    %swap3A_1545 = arith.constant 2 : i32
    %swap3A_1546 = arith.constant 0 : i32
    %swap3A_1547 = tpu.memref_slice %arg7[%swap3A_1545, %swap3A_1546] : memref<3x512xi32, #tpu.memory_space<vmem>> -> memref<1x512xi32, #tpu.memory_space<vmem>>
    %swap3A_1548 = tpu.memref_squeeze %swap3A_1547 : memref<1x512xi32, #tpu.memory_space<vmem>> -> memref<512xi32, #tpu.memory_space<vmem>>
    %swap3A_1549 = arith.constant 352 : index
    %swap3A_1550 = tpu.vector_load %swap3A_1548[%swap3A_1549] {strides = array<i32>} : memref<512xi32, #tpu.memory_space<vmem>>, vector<16xi32>,
    tpu.vector_store %swap3A_1548[%swap3A_1549], %and3A_1544 {strides = array<i32>} : memref<512xi32, #tpu.memory_space<vmem>>, vector<16xi32>,
    %get3A_1551 = arith.constant 1 : i32
    %get3A_1552 = arith.constant 0 : i32
    %get3A_1553 = tpu.memref_slice %arg7[%get3A_1551, %get3A_1552] : memref<3x512xi32, #tpu.memory_space<vmem>> -> memref<1x512xi32, #tpu.memory_space<vmem>>
    %get3A_1554 = tpu.memref_squeeze %get3A_1553 : memref<1x512xi32, #tpu.memory_space<vmem>> -> memref<512xi32, #tpu.memory_space<vmem>>
    %get3A_1555 = arith.constant 368 : index
    %get3A_1556 = tpu.vector_load %get3A_1554[%get3A_1555] {strides = array<i32>} : memref<512xi32, #tpu.memory_space<vmem>>, vector<16xi32>,
    %get3A_1557 = arith.constant 2 : i32
    %get3A_1558 = arith.constant 0 : i32
    %get3A_1559 = tpu.memref_slice %arg7[%get3A_1557, %get3A_1558] : memref<3x512xi32, #tpu.memory_space<vmem>> -> memref<1x512xi32, #tpu.memory_space<vmem>>
    %get3A_1560 = tpu.memref_squeeze %get3A_1559 : memref<1x512xi32, #tpu.memory_space<vmem>> -> memref<512xi32, #tpu.memory_space<vmem>>
    %get3A_1561 = arith.constant 368 : index
    %get3A_1562 = tpu.vector_load %get3A_1560[%get3A_1561] {strides = array<i32>} : memref<512xi32, #tpu.memory_space<vmem>>, vector<16xi32>,
    %get3A_1563 = arith.constant 0 : i32
    %get3A_1564 = arith.constant 0 : i32
    %get3A_1565 = tpu.memref_slice %arg7[%get3A_1563, %get3A_1564] : memref<3x512xi32, #tpu.memory_space<vmem>> -> memref<1x512xi32, #tpu.memory_space<vmem>>
    %get3A_1566 = tpu.memref_squeeze %get3A_1565 : memref<1x512xi32, #tpu.memory_space<vmem>> -> memref<512xi32, #tpu.memory_space<vmem>>
    %get3A_1567 = arith.constant 368 : index
    %get3A_1568 = tpu.vector_load %get3A_1566[%get3A_1567] {strides = array<i32>} : memref<512xi32, #tpu.memory_space<vmem>>, vector<16xi32>,
    %shift_left3A_1569 = arith.constant 16 : i32
    %shift_left3A_1570 = vector.broadcast %shift_left3A_1569 : i32 to vector<16xi32>
    %shift_left3A_1571 = arith.shli %get3A_1568, %shift_left3A_1570 : vector<16xi32>
    %shift_right_arithmetic3A_1572 = arith.constant 3 : i32
    %shift_right_arithmetic3A_1573 = vector.broadcast %shift_right_arithmetic3A_1572 : i32 to vector<16xi32>
    %shift_right_arithmetic3A_1574 = arith.shrsi %get3A_1556, %shift_right_arithmetic3A_1573 : vector<16xi32>
    %shift_left3A_1575 = arith.constant 11 : i32
    %shift_left3A_1576 = vector.broadcast %shift_left3A_1575 : i32 to vector<16xi32>
    %shift_left3A_1577 = arith.shli %shift_right_arithmetic3A_1574, %shift_left3A_1576 : vector<16xi32>
    %or3A_1578 = arith.ori %shift_left3A_1571, %shift_left3A_1577 : vector<16xi32>
    %shift_right_arithmetic3A_1579 = arith.constant 7 : i32
    %shift_right_arithmetic3A_1580 = vector.broadcast %shift_right_arithmetic3A_1579 : i32 to vector<16xi32>
    %shift_right_arithmetic3A_1581 = arith.shrsi %get3A_1562, %shift_right_arithmetic3A_1580 : vector<16xi32>
    %shift_left3A_1582 = arith.constant 10 : i32
    %shift_left3A_1583 = vector.broadcast %shift_left3A_1582 : i32 to vector<16xi32>
    %shift_left3A_1584 = arith.shli %shift_right_arithmetic3A_1581, %shift_left3A_1583 : vector<16xi32>
    %or3A_1585 = arith.ori %or3A_1578, %shift_left3A_1584 : vector<16xi32>
    %and3A_1586 = arith.constant 7 : i32
    %and3A_1587 = vector.broadcast %and3A_1586 : i32 to vector<16xi32>
    %and3A_1588 = arith.andi %get3A_1556, %and3A_1587 : vector<16xi32>
    %shift_left3A_1589 = arith.constant 7 : i32
    %shift_left3A_1590 = vector.broadcast %shift_left3A_1589 : i32 to vector<16xi32>
    %shift_left3A_1591 = arith.shli %and3A_1588, %shift_left3A_1590 : vector<16xi32>
    %or3A_1592 = arith.ori %or3A_1585, %shift_left3A_1591 : vector<16xi32>
    %and3A_1593 = arith.constant 127 : i32
    %and3A_1594 = vector.broadcast %and3A_1593 : i32 to vector<16xi32>
    %and3A_1595 = arith.andi %get3A_1562, %and3A_1594 : vector<16xi32>
    %or3A_1596 = arith.ori %or3A_1592, %and3A_1595 : vector<16xi32>
    %shift_right_arithmetic3A_1597 = arith.constant 4 : i32
    %shift_right_arithmetic3A_1598 = vector.broadcast %shift_right_arithmetic3A_1597 : i32 to vector<16xi32>
    %shift_right_arithmetic3A_1599 = arith.shrsi %or3A_1596, %shift_right_arithmetic3A_1598 : vector<16xi32>
    %swap3A_1600 = arith.constant 1 : i32
    %swap3A_1601 = arith.constant 0 : i32
    %swap3A_1602 = tpu.memref_slice %arg7[%swap3A_1600, %swap3A_1601] : memref<3x512xi32, #tpu.memory_space<vmem>> -> memref<1x512xi32, #tpu.memory_space<vmem>>
    %swap3A_1603 = tpu.memref_squeeze %swap3A_1602 : memref<1x512xi32, #tpu.memory_space<vmem>> -> memref<512xi32, #tpu.memory_space<vmem>>
    %swap3A_1604 = arith.constant 368 : index
    %swap3A_1605 = tpu.vector_load %swap3A_1603[%swap3A_1604] {strides = array<i32>} : memref<512xi32, #tpu.memory_space<vmem>>, vector<16xi32>,
    tpu.vector_store %swap3A_1603[%swap3A_1604], %shift_right_arithmetic3A_1599 {strides = array<i32>} : memref<512xi32, #tpu.memory_space<vmem>>, vector<16xi32>,
    %and3A_1606 = arith.constant 15 : i32
    %and3A_1607 = vector.broadcast %and3A_1606 : i32 to vector<16xi32>
    %and3A_1608 = arith.andi %or3A_1596, %and3A_1607 : vector<16xi32>
    %swap3A_1609 = arith.constant 2 : i32
    %swap3A_1610 = arith.constant 0 : i32
    %swap3A_1611 = tpu.memref_slice %arg7[%swap3A_1609, %swap3A_1610] : memref<3x512xi32, #tpu.memory_space<vmem>> -> memref<1x512xi32, #tpu.memory_space<vmem>>
    %swap3A_1612 = tpu.memref_squeeze %swap3A_1611 : memref<1x512xi32, #tpu.memory_space<vmem>> -> memref<512xi32, #tpu.memory_space<vmem>>
    %swap3A_1613 = arith.constant 368 : index
    %swap3A_1614 = tpu.vector_load %swap3A_1612[%swap3A_1613] {strides = array<i32>} : memref<512xi32, #tpu.memory_space<vmem>>, vector<16xi32>,
    tpu.vector_store %swap3A_1612[%swap3A_1613], %and3A_1608 {strides = array<i32>} : memref<512xi32, #tpu.memory_space<vmem>>, vector<16xi32>,
    %dma_start3A_1615 = arith.constant 1 : i32
    %dma_start3A_1616 = arith.constant 2 : i32
    %dma_start3A_1617 = arith.constant 256 : i32
    %dma_start3A_1618 = arith.constant 0 : i32
    %dma_start3A_1619 = tpu.memref_slice %arg9[%dma_start3A_1617, %dma_start3A_1618] : memref<512x16xf32, #tpu.memory_space<vmem>> -> memref<128x16xf32, #tpu.memory_space<vmem>>
    %dma_start3A_1620 = arith.constant 0 : i32
    %dma_start3A_1621 = tpu.memref_slice %arg7[%dma_start3A_1615, %dma_start3A_1620] : memref<3x512xi32, #tpu.memory_space<vmem>> -> memref<1x512xi32, #tpu.memory_space<vmem>>
    %dma_start3A_1622 = tpu.memref_squeeze %dma_start3A_1621 : memref<1x512xi32, #tpu.memory_space<vmem>> -> memref<512xi32, #tpu.memory_space<vmem>>
    %dma_start3A_1623 = arith.constant 256 : i32
    %dma_start3A_1624 = tpu.memref_slice %dma_start3A_1622[%dma_start3A_1623] : memref<512xi32, #tpu.memory_space<vmem>> -> memref<128xi32, #tpu.memory_space<vmem>>
    %dma_start3A_1625 = arith.constant 0 : i32
    %dma_start3A_1626 = arith.constant 0 : i32
    %dma_start3A_1627 = tpu.memref_slice %arg5[%dma_start3A_1625, %dma_start3A_1626] : memref<1048576x16xf32, #tpu.memory_space<hbm>> -> memref<1048576x16xf32, #tpu.memory_space<hbm>>
    %dma_start3A_1628 = tpu.memref_slice %arg11[%dma_start3A_1616] : memref<4x!tpu.dma_semaphore, #tpu.memory_space<semaphore_mem>> -> memref<1x!tpu.dma_semaphore, #tpu.memory_space<semaphore_mem>>
    %dma_start3A_1629 = tpu.memref_squeeze %dma_start3A_1628 : memref<1x!tpu.dma_semaphore, #tpu.memory_space<semaphore_mem>> -> memref<!tpu.dma_semaphore, #tpu.memory_space<semaphore_mem>>
    tpu.enqueue_indirect_dma source(%dma_start3A_1627 : memref<1048576x16xf32, #tpu.memory_space<hbm>>) target(%dma_start3A_1619 : memref<128x16xf32, #tpu.memory_space<vmem>>) offsets(%dma_start3A_1624 : memref<128xi32, #tpu.memory_space<vmem>>) semaphore(%dma_start3A_1629 : memref<!tpu.dma_semaphore, #tpu.memory_space<semaphore_mem>>)
    %get3A_1630 = arith.constant 1 : i32
    %get3A_1631 = arith.constant 0 : i32
    %get3A_1632 = tpu.memref_slice %arg7[%get3A_1630, %get3A_1631] : memref<3x512xi32, #tpu.memory_space<vmem>> -> memref<1x512xi32, #tpu.memory_space<vmem>>
    %get3A_1633 = tpu.memref_squeeze %get3A_1632 : memref<1x512xi32, #tpu.memory_space<vmem>> -> memref<512xi32, #tpu.memory_space<vmem>>
    %get3A_1634 = arith.constant 384 : index
    %get3A_1635 = tpu.vector_load %get3A_1633[%get3A_1634] {strides = array<i32>} : memref<512xi32, #tpu.memory_space<vmem>>, vector<16xi32>,
    %get3A_1636 = arith.constant 2 : i32
    %get3A_1637 = arith.constant 0 : i32
    %get3A_1638 = tpu.memref_slice %arg7[%get3A_1636, %get3A_1637] : memref<3x512xi32, #tpu.memory_space<vmem>> -> memref<1x512xi32, #tpu.memory_space<vmem>>
    %get3A_1639 = tpu.memref_squeeze %get3A_1638 : memref<1x512xi32, #tpu.memory_space<vmem>> -> memref<512xi32, #tpu.memory_space<vmem>>
    %get3A_1640 = arith.constant 384 : index
    %get3A_1641 = tpu.vector_load %get3A_1639[%get3A_1640] {strides = array<i32>} : memref<512xi32, #tpu.memory_space<vmem>>, vector<16xi32>,
    %get3A_1642 = arith.constant 0 : i32
    %get3A_1643 = arith.constant 0 : i32
    %get3A_1644 = tpu.memref_slice %arg7[%get3A_1642, %get3A_1643] : memref<3x512xi32, #tpu.memory_space<vmem>> -> memref<1x512xi32, #tpu.memory_space<vmem>>
    %get3A_1645 = tpu.memref_squeeze %get3A_1644 : memref<1x512xi32, #tpu.memory_space<vmem>> -> memref<512xi32, #tpu.memory_space<vmem>>
    %get3A_1646 = arith.constant 384 : index
    %get3A_1647 = tpu.vector_load %get3A_1645[%get3A_1646] {strides = array<i32>} : memref<512xi32, #tpu.memory_space<vmem>>, vector<16xi32>,
    %shift_left3A_1648 = arith.constant 16 : i32
    %shift_left3A_1649 = vector.broadcast %shift_left3A_1648 : i32 to vector<16xi32>
    %shift_left3A_1650 = arith.shli %get3A_1647, %shift_left3A_1649 : vector<16xi32>
    %shift_right_arithmetic3A_1651 = arith.constant 3 : i32
    %shift_right_arithmetic3A_1652 = vector.broadcast %shift_right_arithmetic3A_1651 : i32 to vector<16xi32>
    %shift_right_arithmetic3A_1653 = arith.shrsi %get3A_1635, %shift_right_arithmetic3A_1652 : vector<16xi32>
    %shift_left3A_1654 = arith.constant 11 : i32
    %shift_left3A_1655 = vector.broadcast %shift_left3A_1654 : i32 to vector<16xi32>
    %shift_left3A_1656 = arith.shli %shift_right_arithmetic3A_1653, %shift_left3A_1655 : vector<16xi32>
    %or3A_1657 = arith.ori %shift_left3A_1650, %shift_left3A_1656 : vector<16xi32>
    %shift_right_arithmetic3A_1658 = arith.constant 7 : i32
    %shift_right_arithmetic3A_1659 = vector.broadcast %shift_right_arithmetic3A_1658 : i32 to vector<16xi32>
    %shift_right_arithmetic3A_1660 = arith.shrsi %get3A_1641, %shift_right_arithmetic3A_1659 : vector<16xi32>
    %shift_left3A_1661 = arith.constant 10 : i32
    %shift_left3A_1662 = vector.broadcast %shift_left3A_1661 : i32 to vector<16xi32>
    %shift_left3A_1663 = arith.shli %shift_right_arithmetic3A_1660, %shift_left3A_1662 : vector<16xi32>
    %or3A_1664 = arith.ori %or3A_1657, %shift_left3A_1663 : vector<16xi32>
    %and3A_1665 = arith.constant 7 : i32
    %and3A_1666 = vector.broadcast %and3A_1665 : i32 to vector<16xi32>
    %and3A_1667 = arith.andi %get3A_1635, %and3A_1666 : vector<16xi32>
    %shift_left3A_1668 = arith.constant 7 : i32
    %shift_left3A_1669 = vector.broadcast %shift_left3A_1668 : i32 to vector<16xi32>
    %shift_left3A_1670 = arith.shli %and3A_1667, %shift_left3A_1669 : vector<16xi32>
    %or3A_1671 = arith.ori %or3A_1664, %shift_left3A_1670 : vector<16xi32>
    %and3A_1672 = arith.constant 127 : i32
    %and3A_1673 = vector.broadcast %and3A_1672 : i32 to vector<16xi32>
    %and3A_1674 = arith.andi %get3A_1641, %and3A_1673 : vector<16xi32>
    %or3A_1675 = arith.ori %or3A_1671, %and3A_1674 : vector<16xi32>
    %shift_right_arithmetic3A_1676 = arith.constant 4 : i32
    %shift_right_arithmetic3A_1677 = vector.broadcast %shift_right_arithmetic3A_1676 : i32 to vector<16xi32>
    %shift_right_arithmetic3A_1678 = arith.shrsi %or3A_1675, %shift_right_arithmetic3A_1677 : vector<16xi32>
    %swap3A_1679 = arith.constant 1 : i32
    %swap3A_1680 = arith.constant 0 : i32
    %swap3A_1681 = tpu.memref_slice %arg7[%swap3A_1679, %swap3A_1680] : memref<3x512xi32, #tpu.memory_space<vmem>> -> memref<1x512xi32, #tpu.memory_space<vmem>>
    %swap3A_1682 = tpu.memref_squeeze %swap3A_1681 : memref<1x512xi32, #tpu.memory_space<vmem>> -> memref<512xi32, #tpu.memory_space<vmem>>
    %swap3A_1683 = arith.constant 384 : index
    %swap3A_1684 = tpu.vector_load %swap3A_1682[%swap3A_1683] {strides = array<i32>} : memref<512xi32, #tpu.memory_space<vmem>>, vector<16xi32>,
    tpu.vector_store %swap3A_1682[%swap3A_1683], %shift_right_arithmetic3A_1678 {strides = array<i32>} : memref<512xi32, #tpu.memory_space<vmem>>, vector<16xi32>,
    %and3A_1685 = arith.constant 15 : i32
    %and3A_1686 = vector.broadcast %and3A_1685 : i32 to vector<16xi32>
    %and3A_1687 = arith.andi %or3A_1675, %and3A_1686 : vector<16xi32>
    %swap3A_1688 = arith.constant 2 : i32
    %swap3A_1689 = arith.constant 0 : i32
    %swap3A_1690 = tpu.memref_slice %arg7[%swap3A_1688, %swap3A_1689] : memref<3x512xi32, #tpu.memory_space<vmem>> -> memref<1x512xi32, #tpu.memory_space<vmem>>
    %swap3A_1691 = tpu.memref_squeeze %swap3A_1690 : memref<1x512xi32, #tpu.memory_space<vmem>> -> memref<512xi32, #tpu.memory_space<vmem>>
    %swap3A_1692 = arith.constant 384 : index
    %swap3A_1693 = tpu.vector_load %swap3A_1691[%swap3A_1692] {strides = array<i32>} : memref<512xi32, #tpu.memory_space<vmem>>, vector<16xi32>,
    tpu.vector_store %swap3A_1691[%swap3A_1692], %and3A_1687 {strides = array<i32>} : memref<512xi32, #tpu.memory_space<vmem>>, vector<16xi32>,
    %get3A_1694 = arith.constant 1 : i32
    %get3A_1695 = arith.constant 0 : i32
    %get3A_1696 = tpu.memref_slice %arg7[%get3A_1694, %get3A_1695] : memref<3x512xi32, #tpu.memory_space<vmem>> -> memref<1x512xi32, #tpu.memory_space<vmem>>
    %get3A_1697 = tpu.memref_squeeze %get3A_1696 : memref<1x512xi32, #tpu.memory_space<vmem>> -> memref<512xi32, #tpu.memory_space<vmem>>
    %get3A_1698 = arith.constant 400 : index
    %get3A_1699 = tpu.vector_load %get3A_1697[%get3A_1698] {strides = array<i32>} : memref<512xi32, #tpu.memory_space<vmem>>, vector<16xi32>,
    %get3A_1700 = arith.constant 2 : i32
    %get3A_1701 = arith.constant 0 : i32
    %get3A_1702 = tpu.memref_slice %arg7[%get3A_1700, %get3A_1701] : memref<3x512xi32, #tpu.memory_space<vmem>> -> memref<1x512xi32, #tpu.memory_space<vmem>>
    %get3A_1703 = tpu.memref_squeeze %get3A_1702 : memref<1x512xi32, #tpu.memory_space<vmem>> -> memref<512xi32, #tpu.memory_space<vmem>>
    %get3A_1704 = arith.constant 400 : index
    %get3A_1705 = tpu.vector_load %get3A_1703[%get3A_1704] {strides = array<i32>} : memref<512xi32, #tpu.memory_space<vmem>>, vector<16xi32>,
    %get3A_1706 = arith.constant 0 : i32
    %get3A_1707 = arith.constant 0 : i32
    %get3A_1708 = tpu.memref_slice %arg7[%get3A_1706, %get3A_1707] : memref<3x512xi32, #tpu.memory_space<vmem>> -> memref<1x512xi32, #tpu.memory_space<vmem>>
    %get3A_1709 = tpu.memref_squeeze %get3A_1708 : memref<1x512xi32, #tpu.memory_space<vmem>> -> memref<512xi32, #tpu.memory_space<vmem>>
    %get3A_1710 = arith.constant 400 : index
    %get3A_1711 = tpu.vector_load %get3A_1709[%get3A_1710] {strides = array<i32>} : memref<512xi32, #tpu.memory_space<vmem>>, vector<16xi32>,
    %shift_left3A_1712 = arith.constant 16 : i32
    %shift_left3A_1713 = vector.broadcast %shift_left3A_1712 : i32 to vector<16xi32>
    %shift_left3A_1714 = arith.shli %get3A_1711, %shift_left3A_1713 : vector<16xi32>
    %shift_right_arithmetic3A_1715 = arith.constant 3 : i32
    %shift_right_arithmetic3A_1716 = vector.broadcast %shift_right_arithmetic3A_1715 : i32 to vector<16xi32>
    %shift_right_arithmetic3A_1717 = arith.shrsi %get3A_1699, %shift_right_arithmetic3A_1716 : vector<16xi32>
    %shift_left3A_1718 = arith.constant 11 : i32
    %shift_left3A_1719 = vector.broadcast %shift_left3A_1718 : i32 to vector<16xi32>
    %shift_left3A_1720 = arith.shli %shift_right_arithmetic3A_1717, %shift_left3A_1719 : vector<16xi32>
    %or3A_1721 = arith.ori %shift_left3A_1714, %shift_left3A_1720 : vector<16xi32>
    %shift_right_arithmetic3A_1722 = arith.constant 7 : i32
    %shift_right_arithmetic3A_1723 = vector.broadcast %shift_right_arithmetic3A_1722 : i32 to vector<16xi32>
    %shift_right_arithmetic3A_1724 = arith.shrsi %get3A_1705, %shift_right_arithmetic3A_1723 : vector<16xi32>
    %shift_left3A_1725 = arith.constant 10 : i32
    %shift_left3A_1726 = vector.broadcast %shift_left3A_1725 : i32 to vector<16xi32>
    %shift_left3A_1727 = arith.shli %shift_right_arithmetic3A_1724, %shift_left3A_1726 : vector<16xi32>
    %or3A_1728 = arith.ori %or3A_1721, %shift_left3A_1727 : vector<16xi32>
    %and3A_1729 = arith.constant 7 : i32
    %and3A_1730 = vector.broadcast %and3A_1729 : i32 to vector<16xi32>
    %and3A_1731 = arith.andi %get3A_1699, %and3A_1730 : vector<16xi32>
    %shift_left3A_1732 = arith.constant 7 : i32
    %shift_left3A_1733 = vector.broadcast %shift_left3A_1732 : i32 to vector<16xi32>
    %shift_left3A_1734 = arith.shli %and3A_1731, %shift_left3A_1733 : vector<16xi32>
    %or3A_1735 = arith.ori %or3A_1728, %shift_left3A_1734 : vector<16xi32>
    %and3A_1736 = arith.constant 127 : i32
    %and3A_1737 = vector.broadcast %and3A_1736 : i32 to vector<16xi32>
    %and3A_1738 = arith.andi %get3A_1705, %and3A_1737 : vector<16xi32>
    %or3A_1739 = arith.ori %or3A_1735, %and3A_1738 : vector<16xi32>
    %shift_right_arithmetic3A_1740 = arith.constant 4 : i32
    %shift_right_arithmetic3A_1741 = vector.broadcast %shift_right_arithmetic3A_1740 : i32 to vector<16xi32>
    %shift_right_arithmetic3A_1742 = arith.shrsi %or3A_1739, %shift_right_arithmetic3A_1741 : vector<16xi32>
    %swap3A_1743 = arith.constant 1 : i32
    %swap3A_1744 = arith.constant 0 : i32
    %swap3A_1745 = tpu.memref_slice %arg7[%swap3A_1743, %swap3A_1744] : memref<3x512xi32, #tpu.memory_space<vmem>> -> memref<1x512xi32, #tpu.memory_space<vmem>>
    %swap3A_1746 = tpu.memref_squeeze %swap3A_1745 : memref<1x512xi32, #tpu.memory_space<vmem>> -> memref<512xi32, #tpu.memory_space<vmem>>
    %swap3A_1747 = arith.constant 400 : index
    %swap3A_1748 = tpu.vector_load %swap3A_1746[%swap3A_1747] {strides = array<i32>} : memref<512xi32, #tpu.memory_space<vmem>>, vector<16xi32>,
    tpu.vector_store %swap3A_1746[%swap3A_1747], %shift_right_arithmetic3A_1742 {strides = array<i32>} : memref<512xi32, #tpu.memory_space<vmem>>, vector<16xi32>,
    %and3A_1749 = arith.constant 15 : i32
    %and3A_1750 = vector.broadcast %and3A_1749 : i32 to vector<16xi32>
    %and3A_1751 = arith.andi %or3A_1739, %and3A_1750 : vector<16xi32>
    %swap3A_1752 = arith.constant 2 : i32
    %swap3A_1753 = arith.constant 0 : i32
    %swap3A_1754 = tpu.memref_slice %arg7[%swap3A_1752, %swap3A_1753] : memref<3x512xi32, #tpu.memory_space<vmem>> -> memref<1x512xi32, #tpu.memory_space<vmem>>
    %swap3A_1755 = tpu.memref_squeeze %swap3A_1754 : memref<1x512xi32, #tpu.memory_space<vmem>> -> memref<512xi32, #tpu.memory_space<vmem>>
    %swap3A_1756 = arith.constant 400 : index
    %swap3A_1757 = tpu.vector_load %swap3A_1755[%swap3A_1756] {strides = array<i32>} : memref<512xi32, #tpu.memory_space<vmem>>, vector<16xi32>,
    tpu.vector_store %swap3A_1755[%swap3A_1756], %and3A_1751 {strides = array<i32>} : memref<512xi32, #tpu.memory_space<vmem>>, vector<16xi32>,
    %get3A_1758 = arith.constant 1 : i32
    %get3A_1759 = arith.constant 0 : i32
    %get3A_1760 = tpu.memref_slice %arg7[%get3A_1758, %get3A_1759] : memref<3x512xi32, #tpu.memory_space<vmem>> -> memref<1x512xi32, #tpu.memory_space<vmem>>
    %get3A_1761 = tpu.memref_squeeze %get3A_1760 : memref<1x512xi32, #tpu.memory_space<vmem>> -> memref<512xi32, #tpu.memory_space<vmem>>
    %get3A_1762 = arith.constant 416 : index
    %get3A_1763 = tpu.vector_load %get3A_1761[%get3A_1762] {strides = array<i32>} : memref<512xi32, #tpu.memory_space<vmem>>, vector<16xi32>,
    %get3A_1764 = arith.constant 2 : i32
    %get3A_1765 = arith.constant 0 : i32
    %get3A_1766 = tpu.memref_slice %arg7[%get3A_1764, %get3A_1765] : memref<3x512xi32, #tpu.memory_space<vmem>> -> memref<1x512xi32, #tpu.memory_space<vmem>>
    %get3A_1767 = tpu.memref_squeeze %get3A_1766 : memref<1x512xi32, #tpu.memory_space<vmem>> -> memref<512xi32, #tpu.memory_space<vmem>>
    %get3A_1768 = arith.constant 416 : index
    %get3A_1769 = tpu.vector_load %get3A_1767[%get3A_1768] {strides = array<i32>} : memref<512xi32, #tpu.memory_space<vmem>>, vector<16xi32>,
    %get3A_1770 = arith.constant 0 : i32
    %get3A_1771 = arith.constant 0 : i32
    %get3A_1772 = tpu.memref_slice %arg7[%get3A_1770, %get3A_1771] : memref<3x512xi32, #tpu.memory_space<vmem>> -> memref<1x512xi32, #tpu.memory_space<vmem>>
    %get3A_1773 = tpu.memref_squeeze %get3A_1772 : memref<1x512xi32, #tpu.memory_space<vmem>> -> memref<512xi32, #tpu.memory_space<vmem>>
    %get3A_1774 = arith.constant 416 : index
    %get3A_1775 = tpu.vector_load %get3A_1773[%get3A_1774] {strides = array<i32>} : memref<512xi32, #tpu.memory_space<vmem>>, vector<16xi32>,
    %shift_left3A_1776 = arith.constant 16 : i32
    %shift_left3A_1777 = vector.broadcast %shift_left3A_1776 : i32 to vector<16xi32>
    %shift_left3A_1778 = arith.shli %get3A_1775, %shift_left3A_1777 : vector<16xi32>
    %shift_right_arithmetic3A_1779 = arith.constant 3 : i32
    %shift_right_arithmetic3A_1780 = vector.broadcast %shift_right_arithmetic3A_1779 : i32 to vector<16xi32>
    %shift_right_arithmetic3A_1781 = arith.shrsi %get3A_1763, %shift_right_arithmetic3A_1780 : vector<16xi32>
    %shift_left3A_1782 = arith.constant 11 : i32
    %shift_left3A_1783 = vector.broadcast %shift_left3A_1782 : i32 to vector<16xi32>
    %shift_left3A_1784 = arith.shli %shift_right_arithmetic3A_1781, %shift_left3A_1783 : vector<16xi32>
    %or3A_1785 = arith.ori %shift_left3A_1778, %shift_left3A_1784 : vector<16xi32>
    %shift_right_arithmetic3A_1786 = arith.constant 7 : i32
    %shift_right_arithmetic3A_1787 = vector.broadcast %shift_right_arithmetic3A_1786 : i32 to vector<16xi32>
    %shift_right_arithmetic3A_1788 = arith.shrsi %get3A_1769, %shift_right_arithmetic3A_1787 : vector<16xi32>
    %shift_left3A_1789 = arith.constant 10 : i32
    %shift_left3A_1790 = vector.broadcast %shift_left3A_1789 : i32 to vector<16xi32>
    %shift_left3A_1791 = arith.shli %shift_right_arithmetic3A_1788, %shift_left3A_1790 : vector<16xi32>
    %or3A_1792 = arith.ori %or3A_1785, %shift_left3A_1791 : vector<16xi32>
    %and3A_1793 = arith.constant 7 : i32
    %and3A_1794 = vector.broadcast %and3A_1793 : i32 to vector<16xi32>
    %and3A_1795 = arith.andi %get3A_1763, %and3A_1794 : vector<16xi32>
    %shift_left3A_1796 = arith.constant 7 : i32
    %shift_left3A_1797 = vector.broadcast %shift_left3A_1796 : i32 to vector<16xi32>
    %shift_left3A_1798 = arith.shli %and3A_1795, %shift_left3A_1797 : vector<16xi32>
    %or3A_1799 = arith.ori %or3A_1792, %shift_left3A_1798 : vector<16xi32>
    %and3A_1800 = arith.constant 127 : i32
    %and3A_1801 = vector.broadcast %and3A_1800 : i32 to vector<16xi32>
    %and3A_1802 = arith.andi %get3A_1769, %and3A_1801 : vector<16xi32>
    %or3A_1803 = arith.ori %or3A_1799, %and3A_1802 : vector<16xi32>
    %shift_right_arithmetic3A_1804 = arith.constant 4 : i32
    %shift_right_arithmetic3A_1805 = vector.broadcast %shift_right_arithmetic3A_1804 : i32 to vector<16xi32>
    %shift_right_arithmetic3A_1806 = arith.shrsi %or3A_1803, %shift_right_arithmetic3A_1805 : vector<16xi32>
    %swap3A_1807 = arith.constant 1 : i32
    %swap3A_1808 = arith.constant 0 : i32
    %swap3A_1809 = tpu.memref_slice %arg7[%swap3A_1807, %swap3A_1808] : memref<3x512xi32, #tpu.memory_space<vmem>> -> memref<1x512xi32, #tpu.memory_space<vmem>>
    %swap3A_1810 = tpu.memref_squeeze %swap3A_1809 : memref<1x512xi32, #tpu.memory_space<vmem>> -> memref<512xi32, #tpu.memory_space<vmem>>
    %swap3A_1811 = arith.constant 416 : index
    %swap3A_1812 = tpu.vector_load %swap3A_1810[%swap3A_1811] {strides = array<i32>} : memref<512xi32, #tpu.memory_space<vmem>>, vector<16xi32>,
    tpu.vector_store %swap3A_1810[%swap3A_1811], %shift_right_arithmetic3A_1806 {strides = array<i32>} : memref<512xi32, #tpu.memory_space<vmem>>, vector<16xi32>,
    %and3A_1813 = arith.constant 15 : i32
    %and3A_1814 = vector.broadcast %and3A_1813 : i32 to vector<16xi32>
    %and3A_1815 = arith.andi %or3A_1803, %and3A_1814 : vector<16xi32>
    %swap3A_1816 = arith.constant 2 : i32
    %swap3A_1817 = arith.constant 0 : i32
    %swap3A_1818 = tpu.memref_slice %arg7[%swap3A_1816, %swap3A_1817] : memref<3x512xi32, #tpu.memory_space<vmem>> -> memref<1x512xi32, #tpu.memory_space<vmem>>
    %swap3A_1819 = tpu.memref_squeeze %swap3A_1818 : memref<1x512xi32, #tpu.memory_space<vmem>> -> memref<512xi32, #tpu.memory_space<vmem>>
    %swap3A_1820 = arith.constant 416 : index
    %swap3A_1821 = tpu.vector_load %swap3A_1819[%swap3A_1820] {strides = array<i32>} : memref<512xi32, #tpu.memory_space<vmem>>, vector<16xi32>,
    tpu.vector_store %swap3A_1819[%swap3A_1820], %and3A_1815 {strides = array<i32>} : memref<512xi32, #tpu.memory_space<vmem>>, vector<16xi32>,
    %get3A_1822 = arith.constant 1 : i32
    %get3A_1823 = arith.constant 0 : i32
    %get3A_1824 = tpu.memref_slice %arg7[%get3A_1822, %get3A_1823] : memref<3x512xi32, #tpu.memory_space<vmem>> -> memref<1x512xi32, #tpu.memory_space<vmem>>
    %get3A_1825 = tpu.memref_squeeze %get3A_1824 : memref<1x512xi32, #tpu.memory_space<vmem>> -> memref<512xi32, #tpu.memory_space<vmem>>
    %get3A_1826 = arith.constant 432 : index
    %get3A_1827 = tpu.vector_load %get3A_1825[%get3A_1826] {strides = array<i32>} : memref<512xi32, #tpu.memory_space<vmem>>, vector<16xi32>,
    %get3A_1828 = arith.constant 2 : i32
    %get3A_1829 = arith.constant 0 : i32
    %get3A_1830 = tpu.memref_slice %arg7[%get3A_1828, %get3A_1829] : memref<3x512xi32, #tpu.memory_space<vmem>> -> memref<1x512xi32, #tpu.memory_space<vmem>>
    %get3A_1831 = tpu.memref_squeeze %get3A_1830 : memref<1x512xi32, #tpu.memory_space<vmem>> -> memref<512xi32, #tpu.memory_space<vmem>>
    %get3A_1832 = arith.constant 432 : index
    %get3A_1833 = tpu.vector_load %get3A_1831[%get3A_1832] {strides = array<i32>} : memref<512xi32, #tpu.memory_space<vmem>>, vector<16xi32>,
    %get3A_1834 = arith.constant 0 : i32
    %get3A_1835 = arith.constant 0 : i32
    %get3A_1836 = tpu.memref_slice %arg7[%get3A_1834, %get3A_1835] : memref<3x512xi32, #tpu.memory_space<vmem>> -> memref<1x512xi32, #tpu.memory_space<vmem>>
    %get3A_1837 = tpu.memref_squeeze %get3A_1836 : memref<1x512xi32, #tpu.memory_space<vmem>> -> memref<512xi32, #tpu.memory_space<vmem>>
    %get3A_1838 = arith.constant 432 : index
    %get3A_1839 = tpu.vector_load %get3A_1837[%get3A_1838] {strides = array<i32>} : memref<512xi32, #tpu.memory_space<vmem>>, vector<16xi32>,
    %shift_left3A_1840 = arith.constant 16 : i32
    %shift_left3A_1841 = vector.broadcast %shift_left3A_1840 : i32 to vector<16xi32>
    %shift_left3A_1842 = arith.shli %get3A_1839, %shift_left3A_1841 : vector<16xi32>
    %shift_right_arithmetic3A_1843 = arith.constant 3 : i32
    %shift_right_arithmetic3A_1844 = vector.broadcast %shift_right_arithmetic3A_1843 : i32 to vector<16xi32>
    %shift_right_arithmetic3A_1845 = arith.shrsi %get3A_1827, %shift_right_arithmetic3A_1844 : vector<16xi32>
    %shift_left3A_1846 = arith.constant 11 : i32
    %shift_left3A_1847 = vector.broadcast %shift_left3A_1846 : i32 to vector<16xi32>
    %shift_left3A_1848 = arith.shli %shift_right_arithmetic3A_1845, %shift_left3A_1847 : vector<16xi32>
    %or3A_1849 = arith.ori %shift_left3A_1842, %shift_left3A_1848 : vector<16xi32>
    %shift_right_arithmetic3A_1850 = arith.constant 7 : i32
    %shift_right_arithmetic3A_1851 = vector.broadcast %shift_right_arithmetic3A_1850 : i32 to vector<16xi32>
    %shift_right_arithmetic3A_1852 = arith.shrsi %get3A_1833, %shift_right_arithmetic3A_1851 : vector<16xi32>
    %shift_left3A_1853 = arith.constant 10 : i32
    %shift_left3A_1854 = vector.broadcast %shift_left3A_1853 : i32 to vector<16xi32>
    %shift_left3A_1855 = arith.shli %shift_right_arithmetic3A_1852, %shift_left3A_1854 : vector<16xi32>
    %or3A_1856 = arith.ori %or3A_1849, %shift_left3A_1855 : vector<16xi32>
    %and3A_1857 = arith.constant 7 : i32
    %and3A_1858 = vector.broadcast %and3A_1857 : i32 to vector<16xi32>
    %and3A_1859 = arith.andi %get3A_1827, %and3A_1858 : vector<16xi32>
    %shift_left3A_1860 = arith.constant 7 : i32
    %shift_left3A_1861 = vector.broadcast %shift_left3A_1860 : i32 to vector<16xi32>
    %shift_left3A_1862 = arith.shli %and3A_1859, %shift_left3A_1861 : vector<16xi32>
    %or3A_1863 = arith.ori %or3A_1856, %shift_left3A_1862 : vector<16xi32>
    %and3A_1864 = arith.constant 127 : i32
    %and3A_1865 = vector.broadcast %and3A_1864 : i32 to vector<16xi32>
    %and3A_1866 = arith.andi %get3A_1833, %and3A_1865 : vector<16xi32>
    %or3A_1867 = arith.ori %or3A_1863, %and3A_1866 : vector<16xi32>
    %shift_right_arithmetic3A_1868 = arith.constant 4 : i32
    %shift_right_arithmetic3A_1869 = vector.broadcast %shift_right_arithmetic3A_1868 : i32 to vector<16xi32>
    %shift_right_arithmetic3A_1870 = arith.shrsi %or3A_1867, %shift_right_arithmetic3A_1869 : vector<16xi32>
    %swap3A_1871 = arith.constant 1 : i32
    %swap3A_1872 = arith.constant 0 : i32
    %swap3A_1873 = tpu.memref_slice %arg7[%swap3A_1871, %swap3A_1872] : memref<3x512xi32, #tpu.memory_space<vmem>> -> memref<1x512xi32, #tpu.memory_space<vmem>>
    %swap3A_1874 = tpu.memref_squeeze %swap3A_1873 : memref<1x512xi32, #tpu.memory_space<vmem>> -> memref<512xi32, #tpu.memory_space<vmem>>
    %swap3A_1875 = arith.constant 432 : index
    %swap3A_1876 = tpu.vector_load %swap3A_1874[%swap3A_1875] {strides = array<i32>} : memref<512xi32, #tpu.memory_space<vmem>>, vector<16xi32>,
    tpu.vector_store %swap3A_1874[%swap3A_1875], %shift_right_arithmetic3A_1870 {strides = array<i32>} : memref<512xi32, #tpu.memory_space<vmem>>, vector<16xi32>,
    %and3A_1877 = arith.constant 15 : i32
    %and3A_1878 = vector.broadcast %and3A_1877 : i32 to vector<16xi32>
    %and3A_1879 = arith.andi %or3A_1867, %and3A_1878 : vector<16xi32>
    %swap3A_1880 = arith.constant 2 : i32
    %swap3A_1881 = arith.constant 0 : i32
    %swap3A_1882 = tpu.memref_slice %arg7[%swap3A_1880, %swap3A_1881] : memref<3x512xi32, #tpu.memory_space<vmem>> -> memref<1x512xi32, #tpu.memory_space<vmem>>
    %swap3A_1883 = tpu.memref_squeeze %swap3A_1882 : memref<1x512xi32, #tpu.memory_space<vmem>> -> memref<512xi32, #tpu.memory_space<vmem>>
    %swap3A_1884 = arith.constant 432 : index
    %swap3A_1885 = tpu.vector_load %swap3A_1883[%swap3A_1884] {strides = array<i32>} : memref<512xi32, #tpu.memory_space<vmem>>, vector<16xi32>,
    tpu.vector_store %swap3A_1883[%swap3A_1884], %and3A_1879 {strides = array<i32>} : memref<512xi32, #tpu.memory_space<vmem>>, vector<16xi32>,
    %get3A_1886 = arith.constant 1 : i32
    %get3A_1887 = arith.constant 0 : i32
    %get3A_1888 = tpu.memref_slice %arg7[%get3A_1886, %get3A_1887] : memref<3x512xi32, #tpu.memory_space<vmem>> -> memref<1x512xi32, #tpu.memory_space<vmem>>
    %get3A_1889 = tpu.memref_squeeze %get3A_1888 : memref<1x512xi32, #tpu.memory_space<vmem>> -> memref<512xi32, #tpu.memory_space<vmem>>
    %get3A_1890 = arith.constant 448 : index
    %get3A_1891 = tpu.vector_load %get3A_1889[%get3A_1890] {strides = array<i32>} : memref<512xi32, #tpu.memory_space<vmem>>, vector<16xi32>,
    %get3A_1892 = arith.constant 2 : i32
    %get3A_1893 = arith.constant 0 : i32
    %get3A_1894 = tpu.memref_slice %arg7[%get3A_1892, %get3A_1893] : memref<3x512xi32, #tpu.memory_space<vmem>> -> memref<1x512xi32, #tpu.memory_space<vmem>>
    %get3A_1895 = tpu.memref_squeeze %get3A_1894 : memref<1x512xi32, #tpu.memory_space<vmem>> -> memref<512xi32, #tpu.memory_space<vmem>>
    %get3A_1896 = arith.constant 448 : index
    %get3A_1897 = tpu.vector_load %get3A_1895[%get3A_1896] {strides = array<i32>} : memref<512xi32, #tpu.memory_space<vmem>>, vector<16xi32>,
    %get3A_1898 = arith.constant 0 : i32
    %get3A_1899 = arith.constant 0 : i32
    %get3A_1900 = tpu.memref_slice %arg7[%get3A_1898, %get3A_1899] : memref<3x512xi32, #tpu.memory_space<vmem>> -> memref<1x512xi32, #tpu.memory_space<vmem>>
    %get3A_1901 = tpu.memref_squeeze %get3A_1900 : memref<1x512xi32, #tpu.memory_space<vmem>> -> memref<512xi32, #tpu.memory_space<vmem>>
    %get3A_1902 = arith.constant 448 : index
    %get3A_1903 = tpu.vector_load %get3A_1901[%get3A_1902] {strides = array<i32>} : memref<512xi32, #tpu.memory_space<vmem>>, vector<16xi32>,
    %shift_left3A_1904 = arith.constant 16 : i32
    %shift_left3A_1905 = vector.broadcast %shift_left3A_1904 : i32 to vector<16xi32>
    %shift_left3A_1906 = arith.shli %get3A_1903, %shift_left3A_1905 : vector<16xi32>
    %shift_right_arithmetic3A_1907 = arith.constant 3 : i32
    %shift_right_arithmetic3A_1908 = vector.broadcast %shift_right_arithmetic3A_1907 : i32 to vector<16xi32>
    %shift_right_arithmetic3A_1909 = arith.shrsi %get3A_1891, %shift_right_arithmetic3A_1908 : vector<16xi32>
    %shift_left3A_1910 = arith.constant 11 : i32
    %shift_left3A_1911 = vector.broadcast %shift_left3A_1910 : i32 to vector<16xi32>
    %shift_left3A_1912 = arith.shli %shift_right_arithmetic3A_1909, %shift_left3A_1911 : vector<16xi32>
    %or3A_1913 = arith.ori %shift_left3A_1906, %shift_left3A_1912 : vector<16xi32>
    %shift_right_arithmetic3A_1914 = arith.constant 7 : i32
    %shift_right_arithmetic3A_1915 = vector.broadcast %shift_right_arithmetic3A_1914 : i32 to vector<16xi32>
    %shift_right_arithmetic3A_1916 = arith.shrsi %get3A_1897, %shift_right_arithmetic3A_1915 : vector<16xi32>
    %shift_left3A_1917 = arith.constant 10 : i32
    %shift_left3A_1918 = vector.broadcast %shift_left3A_1917 : i32 to vector<16xi32>
    %shift_left3A_1919 = arith.shli %shift_right_arithmetic3A_1916, %shift_left3A_1918 : vector<16xi32>
    %or3A_1920 = arith.ori %or3A_1913, %shift_left3A_1919 : vector<16xi32>
    %and3A_1921 = arith.constant 7 : i32
    %and3A_1922 = vector.broadcast %and3A_1921 : i32 to vector<16xi32>
    %and3A_1923 = arith.andi %get3A_1891, %and3A_1922 : vector<16xi32>
    %shift_left3A_1924 = arith.constant 7 : i32
    %shift_left3A_1925 = vector.broadcast %shift_left3A_1924 : i32 to vector<16xi32>
    %shift_left3A_1926 = arith.shli %and3A_1923, %shift_left3A_1925 : vector<16xi32>
    %or3A_1927 = arith.ori %or3A_1920, %shift_left3A_1926 : vector<16xi32>
    %and3A_1928 = arith.constant 127 : i32
    %and3A_1929 = vector.broadcast %and3A_1928 : i32 to vector<16xi32>
    %and3A_1930 = arith.andi %get3A_1897, %and3A_1929 : vector<16xi32>
    %or3A_1931 = arith.ori %or3A_1927, %and3A_1930 : vector<16xi32>
    %shift_right_arithmetic3A_1932 = arith.constant 4 : i32
    %shift_right_arithmetic3A_1933 = vector.broadcast %shift_right_arithmetic3A_1932 : i32 to vector<16xi32>
    %shift_right_arithmetic3A_1934 = arith.shrsi %or3A_1931, %shift_right_arithmetic3A_1933 : vector<16xi32>
    %swap3A_1935 = arith.constant 1 : i32
    %swap3A_1936 = arith.constant 0 : i32
    %swap3A_1937 = tpu.memref_slice %arg7[%swap3A_1935, %swap3A_1936] : memref<3x512xi32, #tpu.memory_space<vmem>> -> memref<1x512xi32, #tpu.memory_space<vmem>>
    %swap3A_1938 = tpu.memref_squeeze %swap3A_1937 : memref<1x512xi32, #tpu.memory_space<vmem>> -> memref<512xi32, #tpu.memory_space<vmem>>
    %swap3A_1939 = arith.constant 448 : index
    %swap3A_1940 = tpu.vector_load %swap3A_1938[%swap3A_1939] {strides = array<i32>} : memref<512xi32, #tpu.memory_space<vmem>>, vector<16xi32>,
    tpu.vector_store %swap3A_1938[%swap3A_1939], %shift_right_arithmetic3A_1934 {strides = array<i32>} : memref<512xi32, #tpu.memory_space<vmem>>, vector<16xi32>,
    %and3A_1941 = arith.constant 15 : i32
    %and3A_1942 = vector.broadcast %and3A_1941 : i32 to vector<16xi32>
    %and3A_1943 = arith.andi %or3A_1931, %and3A_1942 : vector<16xi32>
    %swap3A_1944 = arith.constant 2 : i32
    %swap3A_1945 = arith.constant 0 : i32
    %swap3A_1946 = tpu.memref_slice %arg7[%swap3A_1944, %swap3A_1945] : memref<3x512xi32, #tpu.memory_space<vmem>> -> memref<1x512xi32, #tpu.memory_space<vmem>>
    %swap3A_1947 = tpu.memref_squeeze %swap3A_1946 : memref<1x512xi32, #tpu.memory_space<vmem>> -> memref<512xi32, #tpu.memory_space<vmem>>
    %swap3A_1948 = arith.constant 448 : index
    %swap3A_1949 = tpu.vector_load %swap3A_1947[%swap3A_1948] {strides = array<i32>} : memref<512xi32, #tpu.memory_space<vmem>>, vector<16xi32>,
    tpu.vector_store %swap3A_1947[%swap3A_1948], %and3A_1943 {strides = array<i32>} : memref<512xi32, #tpu.memory_space<vmem>>, vector<16xi32>,
    %get3A_1950 = arith.constant 1 : i32
    %get3A_1951 = arith.constant 0 : i32
    %get3A_1952 = tpu.memref_slice %arg7[%get3A_1950, %get3A_1951] : memref<3x512xi32, #tpu.memory_space<vmem>> -> memref<1x512xi32, #tpu.memory_space<vmem>>
    %get3A_1953 = tpu.memref_squeeze %get3A_1952 : memref<1x512xi32, #tpu.memory_space<vmem>> -> memref<512xi32, #tpu.memory_space<vmem>>
    %get3A_1954 = arith.constant 464 : index
    %get3A_1955 = tpu.vector_load %get3A_1953[%get3A_1954] {strides = array<i32>} : memref<512xi32, #tpu.memory_space<vmem>>, vector<16xi32>,
    %get3A_1956 = arith.constant 2 : i32
    %get3A_1957 = arith.constant 0 : i32
    %get3A_1958 = tpu.memref_slice %arg7[%get3A_1956, %get3A_1957] : memref<3x512xi32, #tpu.memory_space<vmem>> -> memref<1x512xi32, #tpu.memory_space<vmem>>
    %get3A_1959 = tpu.memref_squeeze %get3A_1958 : memref<1x512xi32, #tpu.memory_space<vmem>> -> memref<512xi32, #tpu.memory_space<vmem>>
    %get3A_1960 = arith.constant 464 : index
    %get3A_1961 = tpu.vector_load %get3A_1959[%get3A_1960] {strides = array<i32>} : memref<512xi32, #tpu.memory_space<vmem>>, vector<16xi32>,
    %get3A_1962 = arith.constant 0 : i32
    %get3A_1963 = arith.constant 0 : i32
    %get3A_1964 = tpu.memref_slice %arg7[%get3A_1962, %get3A_1963] : memref<3x512xi32, #tpu.memory_space<vmem>> -> memref<1x512xi32, #tpu.memory_space<vmem>>
    %get3A_1965 = tpu.memref_squeeze %get3A_1964 : memref<1x512xi32, #tpu.memory_space<vmem>> -> memref<512xi32, #tpu.memory_space<vmem>>
    %get3A_1966 = arith.constant 464 : index
    %get3A_1967 = tpu.vector_load %get3A_1965[%get3A_1966] {strides = array<i32>} : memref<512xi32, #tpu.memory_space<vmem>>, vector<16xi32>,
    %shift_left3A_1968 = arith.constant 16 : i32
    %shift_left3A_1969 = vector.broadcast %shift_left3A_1968 : i32 to vector<16xi32>
    %shift_left3A_1970 = arith.shli %get3A_1967, %shift_left3A_1969 : vector<16xi32>
    %shift_right_arithmetic3A_1971 = arith.constant 3 : i32
    %shift_right_arithmetic3A_1972 = vector.broadcast %shift_right_arithmetic3A_1971 : i32 to vector<16xi32>
    %shift_right_arithmetic3A_1973 = arith.shrsi %get3A_1955, %shift_right_arithmetic3A_1972 : vector<16xi32>
    %shift_left3A_1974 = arith.constant 11 : i32
    %shift_left3A_1975 = vector.broadcast %shift_left3A_1974 : i32 to vector<16xi32>
    %shift_left3A_1976 = arith.shli %shift_right_arithmetic3A_1973, %shift_left3A_1975 : vector<16xi32>
    %or3A_1977 = arith.ori %shift_left3A_1970, %shift_left3A_1976 : vector<16xi32>
    %shift_right_arithmetic3A_1978 = arith.constant 7 : i32
    %shift_right_arithmetic3A_1979 = vector.broadcast %shift_right_arithmetic3A_1978 : i32 to vector<16xi32>
    %shift_right_arithmetic3A_1980 = arith.shrsi %get3A_1961, %shift_right_arithmetic3A_1979 : vector<16xi32>
    %shift_left3A_1981 = arith.constant 10 : i32
    %shift_left3A_1982 = vector.broadcast %shift_left3A_1981 : i32 to vector<16xi32>
    %shift_left3A_1983 = arith.shli %shift_right_arithmetic3A_1980, %shift_left3A_1982 : vector<16xi32>
    %or3A_1984 = arith.ori %or3A_1977, %shift_left3A_1983 : vector<16xi32>
    %and3A_1985 = arith.constant 7 : i32
    %and3A_1986 = vector.broadcast %and3A_1985 : i32 to vector<16xi32>
    %and3A_1987 = arith.andi %get3A_1955, %and3A_1986 : vector<16xi32>
    %shift_left3A_1988 = arith.constant 7 : i32
    %shift_left3A_1989 = vector.broadcast %shift_left3A_1988 : i32 to vector<16xi32>
    %shift_left3A_1990 = arith.shli %and3A_1987, %shift_left3A_1989 : vector<16xi32>
    %or3A_1991 = arith.ori %or3A_1984, %shift_left3A_1990 : vector<16xi32>
    %and3A_1992 = arith.constant 127 : i32
    %and3A_1993 = vector.broadcast %and3A_1992 : i32 to vector<16xi32>
    %and3A_1994 = arith.andi %get3A_1961, %and3A_1993 : vector<16xi32>
    %or3A_1995 = arith.ori %or3A_1991, %and3A_1994 : vector<16xi32>
    %shift_right_arithmetic3A_1996 = arith.constant 4 : i32
    %shift_right_arithmetic3A_1997 = vector.broadcast %shift_right_arithmetic3A_1996 : i32 to vector<16xi32>
    %shift_right_arithmetic3A_1998 = arith.shrsi %or3A_1995, %shift_right_arithmetic3A_1997 : vector<16xi32>
    %swap3A_1999 = arith.constant 1 : i32
    %swap3A_2000 = arith.constant 0 : i32
    %swap3A_2001 = tpu.memref_slice %arg7[%swap3A_1999, %swap3A_2000] : memref<3x512xi32, #tpu.memory_space<vmem>> -> memref<1x512xi32, #tpu.memory_space<vmem>>
    %swap3A_2002 = tpu.memref_squeeze %swap3A_2001 : memref<1x512xi32, #tpu.memory_space<vmem>> -> memref<512xi32, #tpu.memory_space<vmem>>
    %swap3A_2003 = arith.constant 464 : index
    %swap3A_2004 = tpu.vector_load %swap3A_2002[%swap3A_2003] {strides = array<i32>} : memref<512xi32, #tpu.memory_space<vmem>>, vector<16xi32>,
    tpu.vector_store %swap3A_2002[%swap3A_2003], %shift_right_arithmetic3A_1998 {strides = array<i32>} : memref<512xi32, #tpu.memory_space<vmem>>, vector<16xi32>,
    %and3A_2005 = arith.constant 15 : i32
    %and3A_2006 = vector.broadcast %and3A_2005 : i32 to vector<16xi32>
    %and3A_2007 = arith.andi %or3A_1995, %and3A_2006 : vector<16xi32>
    %swap3A_2008 = arith.constant 2 : i32
    %swap3A_2009 = arith.constant 0 : i32
    %swap3A_2010 = tpu.memref_slice %arg7[%swap3A_2008, %swap3A_2009] : memref<3x512xi32, #tpu.memory_space<vmem>> -> memref<1x512xi32, #tpu.memory_space<vmem>>
    %swap3A_2011 = tpu.memref_squeeze %swap3A_2010 : memref<1x512xi32, #tpu.memory_space<vmem>> -> memref<512xi32, #tpu.memory_space<vmem>>
    %swap3A_2012 = arith.constant 464 : index
    %swap3A_2013 = tpu.vector_load %swap3A_2011[%swap3A_2012] {strides = array<i32>} : memref<512xi32, #tpu.memory_space<vmem>>, vector<16xi32>,
    tpu.vector_store %swap3A_2011[%swap3A_2012], %and3A_2007 {strides = array<i32>} : memref<512xi32, #tpu.memory_space<vmem>>, vector<16xi32>,
    %get3A_2014 = arith.constant 1 : i32
    %get3A_2015 = arith.constant 0 : i32
    %get3A_2016 = tpu.memref_slice %arg7[%get3A_2014, %get3A_2015] : memref<3x512xi32, #tpu.memory_space<vmem>> -> memref<1x512xi32, #tpu.memory_space<vmem>>
    %get3A_2017 = tpu.memref_squeeze %get3A_2016 : memref<1x512xi32, #tpu.memory_space<vmem>> -> memref<512xi32, #tpu.memory_space<vmem>>
    %get3A_2018 = arith.constant 480 : index
    %get3A_2019 = tpu.vector_load %get3A_2017[%get3A_2018] {strides = array<i32>} : memref<512xi32, #tpu.memory_space<vmem>>, vector<16xi32>,
    %get3A_2020 = arith.constant 2 : i32
    %get3A_2021 = arith.constant 0 : i32
    %get3A_2022 = tpu.memref_slice %arg7[%get3A_2020, %get3A_2021] : memref<3x512xi32, #tpu.memory_space<vmem>> -> memref<1x512xi32, #tpu.memory_space<vmem>>
    %get3A_2023 = tpu.memref_squeeze %get3A_2022 : memref<1x512xi32, #tpu.memory_space<vmem>> -> memref<512xi32, #tpu.memory_space<vmem>>
    %get3A_2024 = arith.constant 480 : index
    %get3A_2025 = tpu.vector_load %get3A_2023[%get3A_2024] {strides = array<i32>} : memref<512xi32, #tpu.memory_space<vmem>>, vector<16xi32>,
    %get3A_2026 = arith.constant 0 : i32
    %get3A_2027 = arith.constant 0 : i32
    %get3A_2028 = tpu.memref_slice %arg7[%get3A_2026, %get3A_2027] : memref<3x512xi32, #tpu.memory_space<vmem>> -> memref<1x512xi32, #tpu.memory_space<vmem>>
    %get3A_2029 = tpu.memref_squeeze %get3A_2028 : memref<1x512xi32, #tpu.memory_space<vmem>> -> memref<512xi32, #tpu.memory_space<vmem>>
    %get3A_2030 = arith.constant 480 : index
    %get3A_2031 = tpu.vector_load %get3A_2029[%get3A_2030] {strides = array<i32>} : memref<512xi32, #tpu.memory_space<vmem>>, vector<16xi32>,
    %shift_left3A_2032 = arith.constant 16 : i32
    %shift_left3A_2033 = vector.broadcast %shift_left3A_2032 : i32 to vector<16xi32>
    %shift_left3A_2034 = arith.shli %get3A_2031, %shift_left3A_2033 : vector<16xi32>
    %shift_right_arithmetic3A_2035 = arith.constant 3 : i32
    %shift_right_arithmetic3A_2036 = vector.broadcast %shift_right_arithmetic3A_2035 : i32 to vector<16xi32>
    %shift_right_arithmetic3A_2037 = arith.shrsi %get3A_2019, %shift_right_arithmetic3A_2036 : vector<16xi32>
    %shift_left3A_2038 = arith.constant 11 : i32
    %shift_left3A_2039 = vector.broadcast %shift_left3A_2038 : i32 to vector<16xi32>
    %shift_left3A_2040 = arith.shli %shift_right_arithmetic3A_2037, %shift_left3A_2039 : vector<16xi32>
    %or3A_2041 = arith.ori %shift_left3A_2034, %shift_left3A_2040 : vector<16xi32>
    %shift_right_arithmetic3A_2042 = arith.constant 7 : i32
    %shift_right_arithmetic3A_2043 = vector.broadcast %shift_right_arithmetic3A_2042 : i32 to vector<16xi32>
    %shift_right_arithmetic3A_2044 = arith.shrsi %get3A_2025, %shift_right_arithmetic3A_2043 : vector<16xi32>
    %shift_left3A_2045 = arith.constant 10 : i32
    %shift_left3A_2046 = vector.broadcast %shift_left3A_2045 : i32 to vector<16xi32>
    %shift_left3A_2047 = arith.shli %shift_right_arithmetic3A_2044, %shift_left3A_2046 : vector<16xi32>
    %or3A_2048 = arith.ori %or3A_2041, %shift_left3A_2047 : vector<16xi32>
    %and3A_2049 = arith.constant 7 : i32
    %and3A_2050 = vector.broadcast %and3A_2049 : i32 to vector<16xi32>
    %and3A_2051 = arith.andi %get3A_2019, %and3A_2050 : vector<16xi32>
    %shift_left3A_2052 = arith.constant 7 : i32
    %shift_left3A_2053 = vector.broadcast %shift_left3A_2052 : i32 to vector<16xi32>
    %shift_left3A_2054 = arith.shli %and3A_2051, %shift_left3A_2053 : vector<16xi32>
    %or3A_2055 = arith.ori %or3A_2048, %shift_left3A_2054 : vector<16xi32>
    %and3A_2056 = arith.constant 127 : i32
    %and3A_2057 = vector.broadcast %and3A_2056 : i32 to vector<16xi32>
    %and3A_2058 = arith.andi %get3A_2025, %and3A_2057 : vector<16xi32>
    %or3A_2059 = arith.ori %or3A_2055, %and3A_2058 : vector<16xi32>
    %shift_right_arithmetic3A_2060 = arith.constant 4 : i32
    %shift_right_arithmetic3A_2061 = vector.broadcast %shift_right_arithmetic3A_2060 : i32 to vector<16xi32>
    %shift_right_arithmetic3A_2062 = arith.shrsi %or3A_2059, %shift_right_arithmetic3A_2061 : vector<16xi32>
    %swap3A_2063 = arith.constant 1 : i32
    %swap3A_2064 = arith.constant 0 : i32
    %swap3A_2065 = tpu.memref_slice %arg7[%swap3A_2063, %swap3A_2064] : memref<3x512xi32, #tpu.memory_space<vmem>> -> memref<1x512xi32, #tpu.memory_space<vmem>>
    %swap3A_2066 = tpu.memref_squeeze %swap3A_2065 : memref<1x512xi32, #tpu.memory_space<vmem>> -> memref<512xi32, #tpu.memory_space<vmem>>
    %swap3A_2067 = arith.constant 480 : index
    %swap3A_2068 = tpu.vector_load %swap3A_2066[%swap3A_2067] {strides = array<i32>} : memref<512xi32, #tpu.memory_space<vmem>>, vector<16xi32>,
    tpu.vector_store %swap3A_2066[%swap3A_2067], %shift_right_arithmetic3A_2062 {strides = array<i32>} : memref<512xi32, #tpu.memory_space<vmem>>, vector<16xi32>,
    %and3A_2069 = arith.constant 15 : i32
    %and3A_2070 = vector.broadcast %and3A_2069 : i32 to vector<16xi32>
    %and3A_2071 = arith.andi %or3A_2059, %and3A_2070 : vector<16xi32>
    %swap3A_2072 = arith.constant 2 : i32
    %swap3A_2073 = arith.constant 0 : i32
    %swap3A_2074 = tpu.memref_slice %arg7[%swap3A_2072, %swap3A_2073] : memref<3x512xi32, #tpu.memory_space<vmem>> -> memref<1x512xi32, #tpu.memory_space<vmem>>
    %swap3A_2075 = tpu.memref_squeeze %swap3A_2074 : memref<1x512xi32, #tpu.memory_space<vmem>> -> memref<512xi32, #tpu.memory_space<vmem>>
    %swap3A_2076 = arith.constant 480 : index
    %swap3A_2077 = tpu.vector_load %swap3A_2075[%swap3A_2076] {strides = array<i32>} : memref<512xi32, #tpu.memory_space<vmem>>, vector<16xi32>,
    tpu.vector_store %swap3A_2075[%swap3A_2076], %and3A_2071 {strides = array<i32>} : memref<512xi32, #tpu.memory_space<vmem>>, vector<16xi32>,
    %get3A_2078 = arith.constant 1 : i32
    %get3A_2079 = arith.constant 0 : i32
    %get3A_2080 = tpu.memref_slice %arg7[%get3A_2078, %get3A_2079] : memref<3x512xi32, #tpu.memory_space<vmem>> -> memref<1x512xi32, #tpu.memory_space<vmem>>
    %get3A_2081 = tpu.memref_squeeze %get3A_2080 : memref<1x512xi32, #tpu.memory_space<vmem>> -> memref<512xi32, #tpu.memory_space<vmem>>
    %get3A_2082 = arith.constant 496 : index
    %get3A_2083 = tpu.vector_load %get3A_2081[%get3A_2082] {strides = array<i32>} : memref<512xi32, #tpu.memory_space<vmem>>, vector<16xi32>,
    %get3A_2084 = arith.constant 2 : i32
    %get3A_2085 = arith.constant 0 : i32
    %get3A_2086 = tpu.memref_slice %arg7[%get3A_2084, %get3A_2085] : memref<3x512xi32, #tpu.memory_space<vmem>> -> memref<1x512xi32, #tpu.memory_space<vmem>>
    %get3A_2087 = tpu.memref_squeeze %get3A_2086 : memref<1x512xi32, #tpu.memory_space<vmem>> -> memref<512xi32, #tpu.memory_space<vmem>>
    %get3A_2088 = arith.constant 496 : index
    %get3A_2089 = tpu.vector_load %get3A_2087[%get3A_2088] {strides = array<i32>} : memref<512xi32, #tpu.memory_space<vmem>>, vector<16xi32>,
    %get3A_2090 = arith.constant 0 : i32
    %get3A_2091 = arith.constant 0 : i32
    %get3A_2092 = tpu.memref_slice %arg7[%get3A_2090, %get3A_2091] : memref<3x512xi32, #tpu.memory_space<vmem>> -> memref<1x512xi32, #tpu.memory_space<vmem>>
    %get3A_2093 = tpu.memref_squeeze %get3A_2092 : memref<1x512xi32, #tpu.memory_space<vmem>> -> memref<512xi32, #tpu.memory_space<vmem>>
    %get3A_2094 = arith.constant 496 : index
    %get3A_2095 = tpu.vector_load %get3A_2093[%get3A_2094] {strides = array<i32>} : memref<512xi32, #tpu.memory_space<vmem>>, vector<16xi32>,
    %shift_left3A_2096 = arith.constant 16 : i32
    %shift_left3A_2097 = vector.broadcast %shift_left3A_2096 : i32 to vector<16xi32>
    %shift_left3A_2098 = arith.shli %get3A_2095, %shift_left3A_2097 : vector<16xi32>
    %shift_right_arithmetic3A_2099 = arith.constant 3 : i32
    %shift_right_arithmetic3A_2100 = vector.broadcast %shift_right_arithmetic3A_2099 : i32 to vector<16xi32>
    %shift_right_arithmetic3A_2101 = arith.shrsi %get3A_2083, %shift_right_arithmetic3A_2100 : vector<16xi32>
    %shift_left3A_2102 = arith.constant 11 : i32
    %shift_left3A_2103 = vector.broadcast %shift_left3A_2102 : i32 to vector<16xi32>
    %shift_left3A_2104 = arith.shli %shift_right_arithmetic3A_2101, %shift_left3A_2103 : vector<16xi32>
    %or3A_2105 = arith.ori %shift_left3A_2098, %shift_left3A_2104 : vector<16xi32>
    %shift_right_arithmetic3A_2106 = arith.constant 7 : i32
    %shift_right_arithmetic3A_2107 = vector.broadcast %shift_right_arithmetic3A_2106 : i32 to vector<16xi32>
    %shift_right_arithmetic3A_2108 = arith.shrsi %get3A_2089, %shift_right_arithmetic3A_2107 : vector<16xi32>
    %shift_left3A_2109 = arith.constant 10 : i32
    %shift_left3A_2110 = vector.broadcast %shift_left3A_2109 : i32 to vector<16xi32>
    %shift_left3A_2111 = arith.shli %shift_right_arithmetic3A_2108, %shift_left3A_2110 : vector<16xi32>
    %or3A_2112 = arith.ori %or3A_2105, %shift_left3A_2111 : vector<16xi32>
    %and3A_2113 = arith.constant 7 : i32
    %and3A_2114 = vector.broadcast %and3A_2113 : i32 to vector<16xi32>
    %and3A_2115 = arith.andi %get3A_2083, %and3A_2114 : vector<16xi32>
    %shift_left3A_2116 = arith.constant 7 : i32
    %shift_left3A_2117 = vector.broadcast %shift_left3A_2116 : i32 to vector<16xi32>
    %shift_left3A_2118 = arith.shli %and3A_2115, %shift_left3A_2117 : vector<16xi32>
    %or3A_2119 = arith.ori %or3A_2112, %shift_left3A_2118 : vector<16xi32>
    %and3A_2120 = arith.constant 127 : i32
    %and3A_2121 = vector.broadcast %and3A_2120 : i32 to vector<16xi32>
    %and3A_2122 = arith.andi %get3A_2089, %and3A_2121 : vector<16xi32>
    %or3A_2123 = arith.ori %or3A_2119, %and3A_2122 : vector<16xi32>
    %shift_right_arithmetic3A_2124 = arith.constant 4 : i32
    %shift_right_arithmetic3A_2125 = vector.broadcast %shift_right_arithmetic3A_2124 : i32 to vector<16xi32>
    %shift_right_arithmetic3A_2126 = arith.shrsi %or3A_2123, %shift_right_arithmetic3A_2125 : vector<16xi32>
    %swap3A_2127 = arith.constant 1 : i32
    %swap3A_2128 = arith.constant 0 : i32
    %swap3A_2129 = tpu.memref_slice %arg7[%swap3A_2127, %swap3A_2128] : memref<3x512xi32, #tpu.memory_space<vmem>> -> memref<1x512xi32, #tpu.memory_space<vmem>>
    %swap3A_2130 = tpu.memref_squeeze %swap3A_2129 : memref<1x512xi32, #tpu.memory_space<vmem>> -> memref<512xi32, #tpu.memory_space<vmem>>
    %swap3A_2131 = arith.constant 496 : index
    %swap3A_2132 = tpu.vector_load %swap3A_2130[%swap3A_2131] {strides = array<i32>} : memref<512xi32, #tpu.memory_space<vmem>>, vector<16xi32>,
    tpu.vector_store %swap3A_2130[%swap3A_2131], %shift_right_arithmetic3A_2126 {strides = array<i32>} : memref<512xi32, #tpu.memory_space<vmem>>, vector<16xi32>,
    %and3A_2133 = arith.constant 15 : i32
    %and3A_2134 = vector.broadcast %and3A_2133 : i32 to vector<16xi32>
    %and3A_2135 = arith.andi %or3A_2123, %and3A_2134 : vector<16xi32>
    %swap3A_2136 = arith.constant 2 : i32
    %swap3A_2137 = arith.constant 0 : i32
    %swap3A_2138 = tpu.memref_slice %arg7[%swap3A_2136, %swap3A_2137] : memref<3x512xi32, #tpu.memory_space<vmem>> -> memref<1x512xi32, #tpu.memory_space<vmem>>
    %swap3A_2139 = tpu.memref_squeeze %swap3A_2138 : memref<1x512xi32, #tpu.memory_space<vmem>> -> memref<512xi32, #tpu.memory_space<vmem>>
    %swap3A_2140 = arith.constant 496 : index
    %swap3A_2141 = tpu.vector_load %swap3A_2139[%swap3A_2140] {strides = array<i32>} : memref<512xi32, #tpu.memory_space<vmem>>, vector<16xi32>,
    tpu.vector_store %swap3A_2139[%swap3A_2140], %and3A_2135 {strides = array<i32>} : memref<512xi32, #tpu.memory_space<vmem>>, vector<16xi32>,
    %dma_start3A_2142 = arith.constant 1 : i32
    %dma_start3A_2143 = arith.constant 3 : i32
    %dma_start3A_2144 = arith.constant 384 : i32
    %dma_start3A_2145 = arith.constant 0 : i32
    %dma_start3A_2146 = tpu.memref_slice %arg9[%dma_start3A_2144, %dma_start3A_2145] : memref<512x16xf32, #tpu.memory_space<vmem>> -> memref<128x16xf32, #tpu.memory_space<vmem>>
    %dma_start3A_2147 = arith.constant 0 : i32
    %dma_start3A_2148 = tpu.memref_slice %arg7[%dma_start3A_2142, %dma_start3A_2147] : memref<3x512xi32, #tpu.memory_space<vmem>> -> memref<1x512xi32, #tpu.memory_space<vmem>>
    %dma_start3A_2149 = tpu.memref_squeeze %dma_start3A_2148 : memref<1x512xi32, #tpu.memory_space<vmem>> -> memref<512xi32, #tpu.memory_space<vmem>>
    %dma_start3A_2150 = arith.constant 384 : i32
    %dma_start3A_2151 = tpu.memref_slice %dma_start3A_2149[%dma_start3A_2150] : memref<512xi32, #tpu.memory_space<vmem>> -> memref<128xi32, #tpu.memory_space<vmem>>
    %dma_start3A_2152 = arith.constant 0 : i32
    %dma_start3A_2153 = arith.constant 0 : i32
    %dma_start3A_2154 = tpu.memref_slice %arg5[%dma_start3A_2152, %dma_start3A_2153] : memref<1048576x16xf32, #tpu.memory_space<hbm>> -> memref<1048576x16xf32, #tpu.memory_space<hbm>>
    %dma_start3A_2155 = tpu.memref_slice %arg11[%dma_start3A_2143] : memref<4x!tpu.dma_semaphore, #tpu.memory_space<semaphore_mem>> -> memref<1x!tpu.dma_semaphore, #tpu.memory_space<semaphore_mem>>
    %dma_start3A_2156 = tpu.memref_squeeze %dma_start3A_2155 : memref<1x!tpu.dma_semaphore, #tpu.memory_space<semaphore_mem>> -> memref<!tpu.dma_semaphore, #tpu.memory_space<semaphore_mem>>
    tpu.enqueue_indirect_dma source(%dma_start3A_2154 : memref<1048576x16xf32, #tpu.memory_space<hbm>>) target(%dma_start3A_2146 : memref<128x16xf32, #tpu.memory_space<vmem>>) offsets(%dma_start3A_2151 : memref<128xi32, #tpu.memory_space<vmem>>) semaphore(%dma_start3A_2156 : memref<!tpu.dma_semaphore, #tpu.memory_space<semaphore_mem>>)
    %iota3A = tpu.iota {dimensions = array<i32: 0>} : vector<16xi32>
    %dma_wait3A_2157 = arith.constant 1 : i32
    %dma_wait3A_2158 = arith.constant 0 : i32
    %dma_wait3A_2159 = arith.constant 0 : i32
    %dma_wait3A_2160 = arith.constant 0 : i32
    %dma_wait3A_2161 = tpu.memref_slice %arg9[%dma_wait3A_2159, %dma_wait3A_2160] : memref<512x16xf32, #tpu.memory_space<vmem>> -> memref<128x16xf32, #tpu.memory_space<vmem>>
    %dma_wait3A_2162 = arith.constant 0 : i32
    %dma_wait3A_2163 = tpu.memref_slice %arg7[%dma_wait3A_2157, %dma_wait3A_2162] : memref<3x512xi32, #tpu.memory_space<vmem>> -> memref<1x512xi32, #tpu.memory_space<vmem>>
    %dma_wait3A_2164 = tpu.memref_squeeze %dma_wait3A_2163 : memref<1x512xi32, #tpu.memory_space<vmem>> -> memref<512xi32, #tpu.memory_space<vmem>>
    %dma_wait3A_2165 = arith.constant 0 : i32
    %dma_wait3A_2166 = tpu.memref_slice %dma_wait3A_2164[%dma_wait3A_2165] : memref<512xi32, #tpu.memory_space<vmem>> -> memref<128xi32, #tpu.memory_space<vmem>>
    %dma_wait3A_2167 = arith.constant 0 : i32
    %dma_wait3A_2168 = arith.constant 0 : i32
    %dma_wait3A_2169 = tpu.memref_slice %arg5[%dma_wait3A_2167, %dma_wait3A_2168] : memref<1048576x16xf32, #tpu.memory_space<hbm>> -> memref<1048576x16xf32, #tpu.memory_space<hbm>>
    %dma_wait3A_2170 = tpu.memref_slice %arg11[%dma_wait3A_2158] : memref<4x!tpu.dma_semaphore, #tpu.memory_space<semaphore_mem>> -> memref<1x!tpu.dma_semaphore, #tpu.memory_space<semaphore_mem>>
    %dma_wait3A_2171 = tpu.memref_squeeze %dma_wait3A_2170 : memref<1x!tpu.dma_semaphore, #tpu.memory_space<semaphore_mem>> -> memref<!tpu.dma_semaphore, #tpu.memory_space<semaphore_mem>>
    tpu.wait_indirect_dma semaphore(%dma_wait3A_2171 : memref<!tpu.dma_semaphore, #tpu.memory_space<semaphore_mem>>) src(%dma_wait3A_2169 : memref<1048576x16xf32, #tpu.memory_space<hbm>>) dst(%dma_wait3A_2161 : memref<128x16xf32, #tpu.memory_space<vmem>>)
    %add3A_2172 = arith.constant 0 : i32
    %add3A_2173 = vector.broadcast %add3A_2172 : i32 to vector<16xi32>
    %add3A_2174 = arith.addi %iota3A, %add3A_2173 : vector<16xi32>
    %get3A_2175 = arith.constant 2 : i32
    %get3A_2176 = arith.constant 0 : i32
    %get3A_2177 = tpu.memref_slice %arg7[%get3A_2175, %get3A_2176] : memref<3x512xi32, #tpu.memory_space<vmem>> -> memref<1x512xi32, #tpu.memory_space<vmem>>
    %get3A_2178 = tpu.memref_squeeze %get3A_2177 : memref<1x512xi32, #tpu.memory_space<vmem>> -> memref<512xi32, #tpu.memory_space<vmem>>
    %get3A_2179 = arith.constant 0 : index
    %get3A_2180 = tpu.vector_load %get3A_2178[%get3A_2179] {strides = array<i32>} : memref<512xi32, #tpu.memory_space<vmem>>, vector<16xi32>,
    %gather3A = tpu.vector_load_idx %arg9[%add3A_2174, %get3A_2180] : memref<512x16xf32, #tpu.memory_space<vmem>>[vector<16xi32>, vector<16xi32>], vector<16xf32>,
    %swap3A_2181 = arith.constant 0 : index
    %swap3A_2182 = tpu.vector_load %arg8[%swap3A_2181] {strides = array<i32>} : memref<512xf32, #tpu.memory_space<vmem>>, vector<16xf32>,
    tpu.vector_store %arg8[%swap3A_2181], %gather3A {strides = array<i32>} : memref<512xf32, #tpu.memory_space<vmem>>, vector<16xf32>,
    %add3A_2183 = arith.constant 16 : i32
    %add3A_2184 = vector.broadcast %add3A_2183 : i32 to vector<16xi32>
    %add3A_2185 = arith.addi %iota3A, %add3A_2184 : vector<16xi32>
    %get3A_2186 = arith.constant 2 : i32
    %get3A_2187 = arith.constant 0 : i32
    %get3A_2188 = tpu.memref_slice %arg7[%get3A_2186, %get3A_2187] : memref<3x512xi32, #tpu.memory_space<vmem>> -> memref<1x512xi32, #tpu.memory_space<vmem>>
    %get3A_2189 = tpu.memref_squeeze %get3A_2188 : memref<1x512xi32, #tpu.memory_space<vmem>> -> memref<512xi32, #tpu.memory_space<vmem>>
    %get3A_2190 = arith.constant 16 : index
    %get3A_2191 = tpu.vector_load %get3A_2189[%get3A_2190] {strides = array<i32>} : memref<512xi32, #tpu.memory_space<vmem>>, vector<16xi32>,
    %gather3A_2192 = tpu.vector_load_idx %arg9[%add3A_2185, %get3A_2191] : memref<512x16xf32, #tpu.memory_space<vmem>>[vector<16xi32>, vector<16xi32>], vector<16xf32>,
    %swap3A_2193 = arith.constant 16 : index
    %swap3A_2194 = tpu.vector_load %arg8[%swap3A_2193] {strides = array<i32>} : memref<512xf32, #tpu.memory_space<vmem>>, vector<16xf32>,
    tpu.vector_store %arg8[%swap3A_2193], %gather3A_2192 {strides = array<i32>} : memref<512xf32, #tpu.memory_space<vmem>>, vector<16xf32>,
    %add3A_2195 = arith.constant 32 : i32
    %add3A_2196 = vector.broadcast %add3A_2195 : i32 to vector<16xi32>
    %add3A_2197 = arith.addi %iota3A, %add3A_2196 : vector<16xi32>
    %get3A_2198 = arith.constant 2 : i32
    %get3A_2199 = arith.constant 0 : i32
    %get3A_2200 = tpu.memref_slice %arg7[%get3A_2198, %get3A_2199] : memref<3x512xi32, #tpu.memory_space<vmem>> -> memref<1x512xi32, #tpu.memory_space<vmem>>
    %get3A_2201 = tpu.memref_squeeze %get3A_2200 : memref<1x512xi32, #tpu.memory_space<vmem>> -> memref<512xi32, #tpu.memory_space<vmem>>
    %get3A_2202 = arith.constant 32 : index
    %get3A_2203 = tpu.vector_load %get3A_2201[%get3A_2202] {strides = array<i32>} : memref<512xi32, #tpu.memory_space<vmem>>, vector<16xi32>,
    %gather3A_2204 = tpu.vector_load_idx %arg9[%add3A_2197, %get3A_2203] : memref<512x16xf32, #tpu.memory_space<vmem>>[vector<16xi32>, vector<16xi32>], vector<16xf32>,
    %swap3A_2205 = arith.constant 32 : index
    %swap3A_2206 = tpu.vector_load %arg8[%swap3A_2205] {strides = array<i32>} : memref<512xf32, #tpu.memory_space<vmem>>, vector<16xf32>,
    tpu.vector_store %arg8[%swap3A_2205], %gather3A_2204 {strides = array<i32>} : memref<512xf32, #tpu.memory_space<vmem>>, vector<16xf32>,
    %add3A_2207 = arith.constant 48 : i32
    %add3A_2208 = vector.broadcast %add3A_2207 : i32 to vector<16xi32>
    %add3A_2209 = arith.addi %iota3A, %add3A_2208 : vector<16xi32>
    %get3A_2210 = arith.constant 2 : i32
    %get3A_2211 = arith.constant 0 : i32
    %get3A_2212 = tpu.memref_slice %arg7[%get3A_2210, %get3A_2211] : memref<3x512xi32, #tpu.memory_space<vmem>> -> memref<1x512xi32, #tpu.memory_space<vmem>>
    %get3A_2213 = tpu.memref_squeeze %get3A_2212 : memref<1x512xi32, #tpu.memory_space<vmem>> -> memref<512xi32, #tpu.memory_space<vmem>>
    %get3A_2214 = arith.constant 48 : index
    %get3A_2215 = tpu.vector_load %get3A_2213[%get3A_2214] {strides = array<i32>} : memref<512xi32, #tpu.memory_space<vmem>>, vector<16xi32>,
    %gather3A_2216 = tpu.vector_load_idx %arg9[%add3A_2209, %get3A_2215] : memref<512x16xf32, #tpu.memory_space<vmem>>[vector<16xi32>, vector<16xi32>], vector<16xf32>,
    %swap3A_2217 = arith.constant 48 : index
    %swap3A_2218 = tpu.vector_load %arg8[%swap3A_2217] {strides = array<i32>} : memref<512xf32, #tpu.memory_space<vmem>>, vector<16xf32>,
    tpu.vector_store %arg8[%swap3A_2217], %gather3A_2216 {strides = array<i32>} : memref<512xf32, #tpu.memory_space<vmem>>, vector<16xf32>,
    %add3A_2219 = arith.constant 64 : i32
    %add3A_2220 = vector.broadcast %add3A_2219 : i32 to vector<16xi32>
    %add3A_2221 = arith.addi %iota3A, %add3A_2220 : vector<16xi32>
    %get3A_2222 = arith.constant 2 : i32
    %get3A_2223 = arith.constant 0 : i32
    %get3A_2224 = tpu.memref_slice %arg7[%get3A_2222, %get3A_2223] : memref<3x512xi32, #tpu.memory_space<vmem>> -> memref<1x512xi32, #tpu.memory_space<vmem>>
    %get3A_2225 = tpu.memref_squeeze %get3A_2224 : memref<1x512xi32, #tpu.memory_space<vmem>> -> memref<512xi32, #tpu.memory_space<vmem>>
    %get3A_2226 = arith.constant 64 : index
    %get3A_2227 = tpu.vector_load %get3A_2225[%get3A_2226] {strides = array<i32>} : memref<512xi32, #tpu.memory_space<vmem>>, vector<16xi32>,
    %gather3A_2228 = tpu.vector_load_idx %arg9[%add3A_2221, %get3A_2227] : memref<512x16xf32, #tpu.memory_space<vmem>>[vector<16xi32>, vector<16xi32>], vector<16xf32>,
    %swap3A_2229 = arith.constant 64 : index
    %swap3A_2230 = tpu.vector_load %arg8[%swap3A_2229] {strides = array<i32>} : memref<512xf32, #tpu.memory_space<vmem>>, vector<16xf32>,
    tpu.vector_store %arg8[%swap3A_2229], %gather3A_2228 {strides = array<i32>} : memref<512xf32, #tpu.memory_space<vmem>>, vector<16xf32>,
    %add3A_2231 = arith.constant 80 : i32
    %add3A_2232 = vector.broadcast %add3A_2231 : i32 to vector<16xi32>
    %add3A_2233 = arith.addi %iota3A, %add3A_2232 : vector<16xi32>
    %get3A_2234 = arith.constant 2 : i32
    %get3A_2235 = arith.constant 0 : i32
    %get3A_2236 = tpu.memref_slice %arg7[%get3A_2234, %get3A_2235] : memref<3x512xi32, #tpu.memory_space<vmem>> -> memref<1x512xi32, #tpu.memory_space<vmem>>
    %get3A_2237 = tpu.memref_squeeze %get3A_2236 : memref<1x512xi32, #tpu.memory_space<vmem>> -> memref<512xi32, #tpu.memory_space<vmem>>
    %get3A_2238 = arith.constant 80 : index
    %get3A_2239 = tpu.vector_load %get3A_2237[%get3A_2238] {strides = array<i32>} : memref<512xi32, #tpu.memory_space<vmem>>, vector<16xi32>,
    %gather3A_2240 = tpu.vector_load_idx %arg9[%add3A_2233, %get3A_2239] : memref<512x16xf32, #tpu.memory_space<vmem>>[vector<16xi32>, vector<16xi32>], vector<16xf32>,
    %swap3A_2241 = arith.constant 80 : index
    %swap3A_2242 = tpu.vector_load %arg8[%swap3A_2241] {strides = array<i32>} : memref<512xf32, #tpu.memory_space<vmem>>, vector<16xf32>,
    tpu.vector_store %arg8[%swap3A_2241], %gather3A_2240 {strides = array<i32>} : memref<512xf32, #tpu.memory_space<vmem>>, vector<16xf32>,
    %add3A_2243 = arith.constant 96 : i32
    %add3A_2244 = vector.broadcast %add3A_2243 : i32 to vector<16xi32>
    %add3A_2245 = arith.addi %iota3A, %add3A_2244 : vector<16xi32>
    %get3A_2246 = arith.constant 2 : i32
    %get3A_2247 = arith.constant 0 : i32
    %get3A_2248 = tpu.memref_slice %arg7[%get3A_2246, %get3A_2247] : memref<3x512xi32, #tpu.memory_space<vmem>> -> memref<1x512xi32, #tpu.memory_space<vmem>>
    %get3A_2249 = tpu.memref_squeeze %get3A_2248 : memref<1x512xi32, #tpu.memory_space<vmem>> -> memref<512xi32, #tpu.memory_space<vmem>>
    %get3A_2250 = arith.constant 96 : index
    %get3A_2251 = tpu.vector_load %get3A_2249[%get3A_2250] {strides = array<i32>} : memref<512xi32, #tpu.memory_space<vmem>>, vector<16xi32>,
    %gather3A_2252 = tpu.vector_load_idx %arg9[%add3A_2245, %get3A_2251] : memref<512x16xf32, #tpu.memory_space<vmem>>[vector<16xi32>, vector<16xi32>], vector<16xf32>,
    %swap3A_2253 = arith.constant 96 : index
    %swap3A_2254 = tpu.vector_load %arg8[%swap3A_2253] {strides = array<i32>} : memref<512xf32, #tpu.memory_space<vmem>>, vector<16xf32>,
    tpu.vector_store %arg8[%swap3A_2253], %gather3A_2252 {strides = array<i32>} : memref<512xf32, #tpu.memory_space<vmem>>, vector<16xf32>,
    %add3A_2255 = arith.constant 112 : i32
    %add3A_2256 = vector.broadcast %add3A_2255 : i32 to vector<16xi32>
    %add3A_2257 = arith.addi %iota3A, %add3A_2256 : vector<16xi32>
    %get3A_2258 = arith.constant 2 : i32
    %get3A_2259 = arith.constant 0 : i32
    %get3A_2260 = tpu.memref_slice %arg7[%get3A_2258, %get3A_2259] : memref<3x512xi32, #tpu.memory_space<vmem>> -> memref<1x512xi32, #tpu.memory_space<vmem>>
    %get3A_2261 = tpu.memref_squeeze %get3A_2260 : memref<1x512xi32, #tpu.memory_space<vmem>> -> memref<512xi32, #tpu.memory_space<vmem>>
    %get3A_2262 = arith.constant 112 : index
    %get3A_2263 = tpu.vector_load %get3A_2261[%get3A_2262] {strides = array<i32>} : memref<512xi32, #tpu.memory_space<vmem>>, vector<16xi32>,
    %gather3A_2264 = tpu.vector_load_idx %arg9[%add3A_2257, %get3A_2263] : memref<512x16xf32, #tpu.memory_space<vmem>>[vector<16xi32>, vector<16xi32>], vector<16xf32>,
    %swap3A_2265 = arith.constant 112 : index
    %swap3A_2266 = tpu.vector_load %arg8[%swap3A_2265] {strides = array<i32>} : memref<512xf32, #tpu.memory_space<vmem>>, vector<16xf32>,
    tpu.vector_store %arg8[%swap3A_2265], %gather3A_2264 {strides = array<i32>} : memref<512xf32, #tpu.memory_space<vmem>>, vector<16xf32>,
    %add3A_2267 = arith.constant 0 : i32
    %add3A_2268 = arith.addi %mul3A_2, %add3A_2267 : i32
    %dma_start3A_2269 = arith.constant 0 : i32
    %dma_start3A_2270 = tpu.memref_slice %arg8[%dma_start3A_2269] : memref<512xf32, #tpu.memory_space<vmem>> -> memref<128xf32, #tpu.memory_space<vmem>>
    %dma_start3A_2271 = tpu.memref_slice %arg6[%add3A_2268] : memref<16384xf32, #tpu.memory_space<hbm>> -> memref<128xf32, #tpu.memory_space<hbm>>
    %dma_start3A_2272 = tpu.memref_slice %arg6[%add3A_2268] : memref<16384xf32, #tpu.memory_space<hbm>> -> memref<128xf32, #tpu.memory_space<hbm>>
    %dma_start3A_2273 = arith.constant 0 : i32
    %dma_start3A_2274 = tpu.memref_slice %arg8[%dma_start3A_2273] : memref<512xf32, #tpu.memory_space<vmem>> -> memref<128xf32, #tpu.memory_space<vmem>>
    tpu.enqueue_dma source(%dma_start3A_2274 : memref<128xf32, #tpu.memory_space<vmem>>) target(%dma_start3A_2272 : memref<128xf32, #tpu.memory_space<hbm>>) target_semaphore(%arg10 : memref<!tpu.dma_semaphore, #tpu.memory_space<semaphore_mem>>)
    %dma_wait3A_2275 = arith.constant 1 : i32
    %dma_wait3A_2276 = arith.constant 1 : i32
    %dma_wait3A_2277 = arith.constant 128 : i32
    %dma_wait3A_2278 = arith.constant 0 : i32
    %dma_wait3A_2279 = tpu.memref_slice %arg9[%dma_wait3A_2277, %dma_wait3A_2278] : memref<512x16xf32, #tpu.memory_space<vmem>> -> memref<128x16xf32, #tpu.memory_space<vmem>>
    %dma_wait3A_2280 = arith.constant 0 : i32
    %dma_wait3A_2281 = tpu.memref_slice %arg7[%dma_wait3A_2275, %dma_wait3A_2280] : memref<3x512xi32, #tpu.memory_space<vmem>> -> memref<1x512xi32, #tpu.memory_space<vmem>>
    %dma_wait3A_2282 = tpu.memref_squeeze %dma_wait3A_2281 : memref<1x512xi32, #tpu.memory_space<vmem>> -> memref<512xi32, #tpu.memory_space<vmem>>
    %dma_wait3A_2283 = arith.constant 128 : i32
    %dma_wait3A_2284 = tpu.memref_slice %dma_wait3A_2282[%dma_wait3A_2283] : memref<512xi32, #tpu.memory_space<vmem>> -> memref<128xi32, #tpu.memory_space<vmem>>
    %dma_wait3A_2285 = arith.constant 0 : i32
    %dma_wait3A_2286 = arith.constant 0 : i32
    %dma_wait3A_2287 = tpu.memref_slice %arg5[%dma_wait3A_2285, %dma_wait3A_2286] : memref<1048576x16xf32, #tpu.memory_space<hbm>> -> memref<1048576x16xf32, #tpu.memory_space<hbm>>
    %dma_wait3A_2288 = tpu.memref_slice %arg11[%dma_wait3A_2276] : memref<4x!tpu.dma_semaphore, #tpu.memory_space<semaphore_mem>> -> memref<1x!tpu.dma_semaphore, #tpu.memory_space<semaphore_mem>>
    %dma_wait3A_2289 = tpu.memref_squeeze %dma_wait3A_2288 : memref<1x!tpu.dma_semaphore, #tpu.memory_space<semaphore_mem>> -> memref<!tpu.dma_semaphore, #tpu.memory_space<semaphore_mem>>
    tpu.wait_indirect_dma semaphore(%dma_wait3A_2289 : memref<!tpu.dma_semaphore, #tpu.memory_space<semaphore_mem>>) src(%dma_wait3A_2287 : memref<1048576x16xf32, #tpu.memory_space<hbm>>) dst(%dma_wait3A_2279 : memref<128x16xf32, #tpu.memory_space<vmem>>)
    %add3A_2290 = arith.constant 128 : i32
    %add3A_2291 = vector.broadcast %add3A_2290 : i32 to vector<16xi32>
    %add3A_2292 = arith.addi %iota3A, %add3A_2291 : vector<16xi32>
    %get3A_2293 = arith.constant 2 : i32
    %get3A_2294 = arith.constant 0 : i32
    %get3A_2295 = tpu.memref_slice %arg7[%get3A_2293, %get3A_2294] : memref<3x512xi32, #tpu.memory_space<vmem>> -> memref<1x512xi32, #tpu.memory_space<vmem>>
    %get3A_2296 = tpu.memref_squeeze %get3A_2295 : memref<1x512xi32, #tpu.memory_space<vmem>> -> memref<512xi32, #tpu.memory_space<vmem>>
    %get3A_2297 = arith.constant 128 : index
    %get3A_2298 = tpu.vector_load %get3A_2296[%get3A_2297] {strides = array<i32>} : memref<512xi32, #tpu.memory_space<vmem>>, vector<16xi32>,
    %gather3A_2299 = tpu.vector_load_idx %arg9[%add3A_2292, %get3A_2298] : memref<512x16xf32, #tpu.memory_space<vmem>>[vector<16xi32>, vector<16xi32>], vector<16xf32>,
    %swap3A_2300 = arith.constant 128 : index
    %swap3A_2301 = tpu.vector_load %arg8[%swap3A_2300] {strides = array<i32>} : memref<512xf32, #tpu.memory_space<vmem>>, vector<16xf32>,
    tpu.vector_store %arg8[%swap3A_2300], %gather3A_2299 {strides = array<i32>} : memref<512xf32, #tpu.memory_space<vmem>>, vector<16xf32>,
    %add3A_2302 = arith.constant 144 : i32
    %add3A_2303 = vector.broadcast %add3A_2302 : i32 to vector<16xi32>
    %add3A_2304 = arith.addi %iota3A, %add3A_2303 : vector<16xi32>
    %get3A_2305 = arith.constant 2 : i32
    %get3A_2306 = arith.constant 0 : i32
    %get3A_2307 = tpu.memref_slice %arg7[%get3A_2305, %get3A_2306] : memref<3x512xi32, #tpu.memory_space<vmem>> -> memref<1x512xi32, #tpu.memory_space<vmem>>
    %get3A_2308 = tpu.memref_squeeze %get3A_2307 : memref<1x512xi32, #tpu.memory_space<vmem>> -> memref<512xi32, #tpu.memory_space<vmem>>
    %get3A_2309 = arith.constant 144 : index
    %get3A_2310 = tpu.vector_load %get3A_2308[%get3A_2309] {strides = array<i32>} : memref<512xi32, #tpu.memory_space<vmem>>, vector<16xi32>,
    %gather3A_2311 = tpu.vector_load_idx %arg9[%add3A_2304, %get3A_2310] : memref<512x16xf32, #tpu.memory_space<vmem>>[vector<16xi32>, vector<16xi32>], vector<16xf32>,
    %swap3A_2312 = arith.constant 144 : index
    %swap3A_2313 = tpu.vector_load %arg8[%swap3A_2312] {strides = array<i32>} : memref<512xf32, #tpu.memory_space<vmem>>, vector<16xf32>,
    tpu.vector_store %arg8[%swap3A_2312], %gather3A_2311 {strides = array<i32>} : memref<512xf32, #tpu.memory_space<vmem>>, vector<16xf32>,
    %add3A_2314 = arith.constant 160 : i32
    %add3A_2315 = vector.broadcast %add3A_2314 : i32 to vector<16xi32>
    %add3A_2316 = arith.addi %iota3A, %add3A_2315 : vector<16xi32>
    %get3A_2317 = arith.constant 2 : i32
    %get3A_2318 = arith.constant 0 : i32
    %get3A_2319 = tpu.memref_slice %arg7[%get3A_2317, %get3A_2318] : memref<3x512xi32, #tpu.memory_space<vmem>> -> memref<1x512xi32, #tpu.memory_space<vmem>>
    %get3A_2320 = tpu.memref_squeeze %get3A_2319 : memref<1x512xi32, #tpu.memory_space<vmem>> -> memref<512xi32, #tpu.memory_space<vmem>>
    %get3A_2321 = arith.constant 160 : index
    %get3A_2322 = tpu.vector_load %get3A_2320[%get3A_2321] {strides = array<i32>} : memref<512xi32, #tpu.memory_space<vmem>>, vector<16xi32>,
    %gather3A_2323 = tpu.vector_load_idx %arg9[%add3A_2316, %get3A_2322] : memref<512x16xf32, #tpu.memory_space<vmem>>[vector<16xi32>, vector<16xi32>], vector<16xf32>,
    %swap3A_2324 = arith.constant 160 : index
    %swap3A_2325 = tpu.vector_load %arg8[%swap3A_2324] {strides = array<i32>} : memref<512xf32, #tpu.memory_space<vmem>>, vector<16xf32>,
    tpu.vector_store %arg8[%swap3A_2324], %gather3A_2323 {strides = array<i32>} : memref<512xf32, #tpu.memory_space<vmem>>, vector<16xf32>,
    %add3A_2326 = arith.constant 176 : i32
    %add3A_2327 = vector.broadcast %add3A_2326 : i32 to vector<16xi32>
    %add3A_2328 = arith.addi %iota3A, %add3A_2327 : vector<16xi32>
    %get3A_2329 = arith.constant 2 : i32
    %get3A_2330 = arith.constant 0 : i32
    %get3A_2331 = tpu.memref_slice %arg7[%get3A_2329, %get3A_2330] : memref<3x512xi32, #tpu.memory_space<vmem>> -> memref<1x512xi32, #tpu.memory_space<vmem>>
    %get3A_2332 = tpu.memref_squeeze %get3A_2331 : memref<1x512xi32, #tpu.memory_space<vmem>> -> memref<512xi32, #tpu.memory_space<vmem>>
    %get3A_2333 = arith.constant 176 : index
    %get3A_2334 = tpu.vector_load %get3A_2332[%get3A_2333] {strides = array<i32>} : memref<512xi32, #tpu.memory_space<vmem>>, vector<16xi32>,
    %gather3A_2335 = tpu.vector_load_idx %arg9[%add3A_2328, %get3A_2334] : memref<512x16xf32, #tpu.memory_space<vmem>>[vector<16xi32>, vector<16xi32>], vector<16xf32>,
    %swap3A_2336 = arith.constant 176 : index
    %swap3A_2337 = tpu.vector_load %arg8[%swap3A_2336] {strides = array<i32>} : memref<512xf32, #tpu.memory_space<vmem>>, vector<16xf32>,
    tpu.vector_store %arg8[%swap3A_2336], %gather3A_2335 {strides = array<i32>} : memref<512xf32, #tpu.memory_space<vmem>>, vector<16xf32>,
    %add3A_2338 = arith.constant 192 : i32
    %add3A_2339 = vector.broadcast %add3A_2338 : i32 to vector<16xi32>
    %add3A_2340 = arith.addi %iota3A, %add3A_2339 : vector<16xi32>
    %get3A_2341 = arith.constant 2 : i32
    %get3A_2342 = arith.constant 0 : i32
    %get3A_2343 = tpu.memref_slice %arg7[%get3A_2341, %get3A_2342] : memref<3x512xi32, #tpu.memory_space<vmem>> -> memref<1x512xi32, #tpu.memory_space<vmem>>
    %get3A_2344 = tpu.memref_squeeze %get3A_2343 : memref<1x512xi32, #tpu.memory_space<vmem>> -> memref<512xi32, #tpu.memory_space<vmem>>
    %get3A_2345 = arith.constant 192 : index
    %get3A_2346 = tpu.vector_load %get3A_2344[%get3A_2345] {strides = array<i32>} : memref<512xi32, #tpu.memory_space<vmem>>, vector<16xi32>,
    %gather3A_2347 = tpu.vector_load_idx %arg9[%add3A_2340, %get3A_2346] : memref<512x16xf32, #tpu.memory_space<vmem>>[vector<16xi32>, vector<16xi32>], vector<16xf32>,
    %swap3A_2348 = arith.constant 192 : index
    %swap3A_2349 = tpu.vector_load %arg8[%swap3A_2348] {strides = array<i32>} : memref<512xf32, #tpu.memory_space<vmem>>, vector<16xf32>,
    tpu.vector_store %arg8[%swap3A_2348], %gather3A_2347 {strides = array<i32>} : memref<512xf32, #tpu.memory_space<vmem>>, vector<16xf32>,
    %add3A_2350 = arith.constant 208 : i32
    %add3A_2351 = vector.broadcast %add3A_2350 : i32 to vector<16xi32>
    %add3A_2352 = arith.addi %iota3A, %add3A_2351 : vector<16xi32>
    %get3A_2353 = arith.constant 2 : i32
    %get3A_2354 = arith.constant 0 : i32
    %get3A_2355 = tpu.memref_slice %arg7[%get3A_2353, %get3A_2354] : memref<3x512xi32, #tpu.memory_space<vmem>> -> memref<1x512xi32, #tpu.memory_space<vmem>>
    %get3A_2356 = tpu.memref_squeeze %get3A_2355 : memref<1x512xi32, #tpu.memory_space<vmem>> -> memref<512xi32, #tpu.memory_space<vmem>>
    %get3A_2357 = arith.constant 208 : index
    %get3A_2358 = tpu.vector_load %get3A_2356[%get3A_2357] {strides = array<i32>} : memref<512xi32, #tpu.memory_space<vmem>>, vector<16xi32>,
    %gather3A_2359 = tpu.vector_load_idx %arg9[%add3A_2352, %get3A_2358] : memref<512x16xf32, #tpu.memory_space<vmem>>[vector<16xi32>, vector<16xi32>], vector<16xf32>,
    %swap3A_2360 = arith.constant 208 : index
    %swap3A_2361 = tpu.vector_load %arg8[%swap3A_2360] {strides = array<i32>} : memref<512xf32, #tpu.memory_space<vmem>>, vector<16xf32>,
    tpu.vector_store %arg8[%swap3A_2360], %gather3A_2359 {strides = array<i32>} : memref<512xf32, #tpu.memory_space<vmem>>, vector<16xf32>,
    %add3A_2362 = arith.constant 224 : i32
    %add3A_2363 = vector.broadcast %add3A_2362 : i32 to vector<16xi32>
    %add3A_2364 = arith.addi %iota3A, %add3A_2363 : vector<16xi32>
    %get3A_2365 = arith.constant 2 : i32
    %get3A_2366 = arith.constant 0 : i32
    %get3A_2367 = tpu.memref_slice %arg7[%get3A_2365, %get3A_2366] : memref<3x512xi32, #tpu.memory_space<vmem>> -> memref<1x512xi32, #tpu.memory_space<vmem>>
    %get3A_2368 = tpu.memref_squeeze %get3A_2367 : memref<1x512xi32, #tpu.memory_space<vmem>> -> memref<512xi32, #tpu.memory_space<vmem>>
    %get3A_2369 = arith.constant 224 : index
    %get3A_2370 = tpu.vector_load %get3A_2368[%get3A_2369] {strides = array<i32>} : memref<512xi32, #tpu.memory_space<vmem>>, vector<16xi32>,
    %gather3A_2371 = tpu.vector_load_idx %arg9[%add3A_2364, %get3A_2370] : memref<512x16xf32, #tpu.memory_space<vmem>>[vector<16xi32>, vector<16xi32>], vector<16xf32>,
    %swap3A_2372 = arith.constant 224 : index
    %swap3A_2373 = tpu.vector_load %arg8[%swap3A_2372] {strides = array<i32>} : memref<512xf32, #tpu.memory_space<vmem>>, vector<16xf32>,
    tpu.vector_store %arg8[%swap3A_2372], %gather3A_2371 {strides = array<i32>} : memref<512xf32, #tpu.memory_space<vmem>>, vector<16xf32>,
    %add3A_2374 = arith.constant 240 : i32
    %add3A_2375 = vector.broadcast %add3A_2374 : i32 to vector<16xi32>
    %add3A_2376 = arith.addi %iota3A, %add3A_2375 : vector<16xi32>
    %get3A_2377 = arith.constant 2 : i32
    %get3A_2378 = arith.constant 0 : i32
    %get3A_2379 = tpu.memref_slice %arg7[%get3A_2377, %get3A_2378] : memref<3x512xi32, #tpu.memory_space<vmem>> -> memref<1x512xi32, #tpu.memory_space<vmem>>
    %get3A_2380 = tpu.memref_squeeze %get3A_2379 : memref<1x512xi32, #tpu.memory_space<vmem>> -> memref<512xi32, #tpu.memory_space<vmem>>
    %get3A_2381 = arith.constant 240 : index
    %get3A_2382 = tpu.vector_load %get3A_2380[%get3A_2381] {strides = array<i32>} : memref<512xi32, #tpu.memory_space<vmem>>, vector<16xi32>,
    %gather3A_2383 = tpu.vector_load_idx %arg9[%add3A_2376, %get3A_2382] : memref<512x16xf32, #tpu.memory_space<vmem>>[vector<16xi32>, vector<16xi32>], vector<16xf32>,
    %swap3A_2384 = arith.constant 240 : index
    %swap3A_2385 = tpu.vector_load %arg8[%swap3A_2384] {strides = array<i32>} : memref<512xf32, #tpu.memory_space<vmem>>, vector<16xf32>,
    tpu.vector_store %arg8[%swap3A_2384], %gather3A_2383 {strides = array<i32>} : memref<512xf32, #tpu.memory_space<vmem>>, vector<16xf32>,
    %add3A_2386 = arith.constant 128 : i32
    %add3A_2387 = arith.addi %mul3A_2, %add3A_2386 : i32
    %dma_start3A_2388 = arith.constant 128 : i32
    %dma_start3A_2389 = tpu.memref_slice %arg8[%dma_start3A_2388] : memref<512xf32, #tpu.memory_space<vmem>> -> memref<128xf32, #tpu.memory_space<vmem>>
    %dma_start3A_2390 = tpu.memref_slice %arg6[%add3A_2387] : memref<16384xf32, #tpu.memory_space<hbm>> -> memref<128xf32, #tpu.memory_space<hbm>>
    %dma_start3A_2391 = tpu.memref_slice %arg6[%add3A_2387] : memref<16384xf32, #tpu.memory_space<hbm>> -> memref<128xf32, #tpu.memory_space<hbm>>
    %dma_start3A_2392 = arith.constant 128 : i32
    %dma_start3A_2393 = tpu.memref_slice %arg8[%dma_start3A_2392] : memref<512xf32, #tpu.memory_space<vmem>> -> memref<128xf32, #tpu.memory_space<vmem>>
    tpu.enqueue_dma source(%dma_start3A_2393 : memref<128xf32, #tpu.memory_space<vmem>>) target(%dma_start3A_2391 : memref<128xf32, #tpu.memory_space<hbm>>) target_semaphore(%arg10 : memref<!tpu.dma_semaphore, #tpu.memory_space<semaphore_mem>>)
    %dma_wait3A_2394 = arith.constant 1 : i32
    %dma_wait3A_2395 = arith.constant 2 : i32
    %dma_wait3A_2396 = arith.constant 256 : i32
    %dma_wait3A_2397 = arith.constant 0 : i32
    %dma_wait3A_2398 = tpu.memref_slice %arg9[%dma_wait3A_2396, %dma_wait3A_2397] : memref<512x16xf32, #tpu.memory_space<vmem>> -> memref<128x16xf32, #tpu.memory_space<vmem>>
    %dma_wait3A_2399 = arith.constant 0 : i32
    %dma_wait3A_2400 = tpu.memref_slice %arg7[%dma_wait3A_2394, %dma_wait3A_2399] : memref<3x512xi32, #tpu.memory_space<vmem>> -> memref<1x512xi32, #tpu.memory_space<vmem>>
    %dma_wait3A_2401 = tpu.memref_squeeze %dma_wait3A_2400 : memref<1x512xi32, #tpu.memory_space<vmem>> -> memref<512xi32, #tpu.memory_space<vmem>>
    %dma_wait3A_2402 = arith.constant 256 : i32
    %dma_wait3A_2403 = tpu.memref_slice %dma_wait3A_2401[%dma_wait3A_2402] : memref<512xi32, #tpu.memory_space<vmem>> -> memref<128xi32, #tpu.memory_space<vmem>>
    %dma_wait3A_2404 = arith.constant 0 : i32
    %dma_wait3A_2405 = arith.constant 0 : i32
    %dma_wait3A_2406 = tpu.memref_slice %arg5[%dma_wait3A_2404, %dma_wait3A_2405] : memref<1048576x16xf32, #tpu.memory_space<hbm>> -> memref<1048576x16xf32, #tpu.memory_space<hbm>>
    %dma_wait3A_2407 = tpu.memref_slice %arg11[%dma_wait3A_2395] : memref<4x!tpu.dma_semaphore, #tpu.memory_space<semaphore_mem>> -> memref<1x!tpu.dma_semaphore, #tpu.memory_space<semaphore_mem>>
    %dma_wait3A_2408 = tpu.memref_squeeze %dma_wait3A_2407 : memref<1x!tpu.dma_semaphore, #tpu.memory_space<semaphore_mem>> -> memref<!tpu.dma_semaphore, #tpu.memory_space<semaphore_mem>>
    tpu.wait_indirect_dma semaphore(%dma_wait3A_2408 : memref<!tpu.dma_semaphore, #tpu.memory_space<semaphore_mem>>) src(%dma_wait3A_2406 : memref<1048576x16xf32, #tpu.memory_space<hbm>>) dst(%dma_wait3A_2398 : memref<128x16xf32, #tpu.memory_space<vmem>>)
    %add3A_2409 = arith.constant 256 : i32
    %add3A_2410 = vector.broadcast %add3A_2409 : i32 to vector<16xi32>
    %add3A_2411 = arith.addi %iota3A, %add3A_2410 : vector<16xi32>
    %get3A_2412 = arith.constant 2 : i32
    %get3A_2413 = arith.constant 0 : i32
    %get3A_2414 = tpu.memref_slice %arg7[%get3A_2412, %get3A_2413] : memref<3x512xi32, #tpu.memory_space<vmem>> -> memref<1x512xi32, #tpu.memory_space<vmem>>
    %get3A_2415 = tpu.memref_squeeze %get3A_2414 : memref<1x512xi32, #tpu.memory_space<vmem>> -> memref<512xi32, #tpu.memory_space<vmem>>
    %get3A_2416 = arith.constant 256 : index
    %get3A_2417 = tpu.vector_load %get3A_2415[%get3A_2416] {strides = array<i32>} : memref<512xi32, #tpu.memory_space<vmem>>, vector<16xi32>,
    %gather3A_2418 = tpu.vector_load_idx %arg9[%add3A_2411, %get3A_2417] : memref<512x16xf32, #tpu.memory_space<vmem>>[vector<16xi32>, vector<16xi32>], vector<16xf32>,
    %swap3A_2419 = arith.constant 256 : index
    %swap3A_2420 = tpu.vector_load %arg8[%swap3A_2419] {strides = array<i32>} : memref<512xf32, #tpu.memory_space<vmem>>, vector<16xf32>,
    tpu.vector_store %arg8[%swap3A_2419], %gather3A_2418 {strides = array<i32>} : memref<512xf32, #tpu.memory_space<vmem>>, vector<16xf32>,
    %add3A_2421 = arith.constant 272 : i32
    %add3A_2422 = vector.broadcast %add3A_2421 : i32 to vector<16xi32>
    %add3A_2423 = arith.addi %iota3A, %add3A_2422 : vector<16xi32>
    %get3A_2424 = arith.constant 2 : i32
    %get3A_2425 = arith.constant 0 : i32
    %get3A_2426 = tpu.memref_slice %arg7[%get3A_2424, %get3A_2425] : memref<3x512xi32, #tpu.memory_space<vmem>> -> memref<1x512xi32, #tpu.memory_space<vmem>>
    %get3A_2427 = tpu.memref_squeeze %get3A_2426 : memref<1x512xi32, #tpu.memory_space<vmem>> -> memref<512xi32, #tpu.memory_space<vmem>>
    %get3A_2428 = arith.constant 272 : index
    %get3A_2429 = tpu.vector_load %get3A_2427[%get3A_2428] {strides = array<i32>} : memref<512xi32, #tpu.memory_space<vmem>>, vector<16xi32>,
    %gather3A_2430 = tpu.vector_load_idx %arg9[%add3A_2423, %get3A_2429] : memref<512x16xf32, #tpu.memory_space<vmem>>[vector<16xi32>, vector<16xi32>], vector<16xf32>,
    %swap3A_2431 = arith.constant 272 : index
    %swap3A_2432 = tpu.vector_load %arg8[%swap3A_2431] {strides = array<i32>} : memref<512xf32, #tpu.memory_space<vmem>>, vector<16xf32>,
    tpu.vector_store %arg8[%swap3A_2431], %gather3A_2430 {strides = array<i32>} : memref<512xf32, #tpu.memory_space<vmem>>, vector<16xf32>,
    %add3A_2433 = arith.constant 288 : i32
    %add3A_2434 = vector.broadcast %add3A_2433 : i32 to vector<16xi32>
    %add3A_2435 = arith.addi %iota3A, %add3A_2434 : vector<16xi32>
    %get3A_2436 = arith.constant 2 : i32
    %get3A_2437 = arith.constant 0 : i32
    %get3A_2438 = tpu.memref_slice %arg7[%get3A_2436, %get3A_2437] : memref<3x512xi32, #tpu.memory_space<vmem>> -> memref<1x512xi32, #tpu.memory_space<vmem>>
    %get3A_2439 = tpu.memref_squeeze %get3A_2438 : memref<1x512xi32, #tpu.memory_space<vmem>> -> memref<512xi32, #tpu.memory_space<vmem>>
    %get3A_2440 = arith.constant 288 : index
    %get3A_2441 = tpu.vector_load %get3A_2439[%get3A_2440] {strides = array<i32>} : memref<512xi32, #tpu.memory_space<vmem>>, vector<16xi32>,
    %gather3A_2442 = tpu.vector_load_idx %arg9[%add3A_2435, %get3A_2441] : memref<512x16xf32, #tpu.memory_space<vmem>>[vector<16xi32>, vector<16xi32>], vector<16xf32>,
    %swap3A_2443 = arith.constant 288 : index
    %swap3A_2444 = tpu.vector_load %arg8[%swap3A_2443] {strides = array<i32>} : memref<512xf32, #tpu.memory_space<vmem>>, vector<16xf32>,
    tpu.vector_store %arg8[%swap3A_2443], %gather3A_2442 {strides = array<i32>} : memref<512xf32, #tpu.memory_space<vmem>>, vector<16xf32>,
    %add3A_2445 = arith.constant 304 : i32
    %add3A_2446 = vector.broadcast %add3A_2445 : i32 to vector<16xi32>
    %add3A_2447 = arith.addi %iota3A, %add3A_2446 : vector<16xi32>
    %get3A_2448 = arith.constant 2 : i32
    %get3A_2449 = arith.constant 0 : i32
    %get3A_2450 = tpu.memref_slice %arg7[%get3A_2448, %get3A_2449] : memref<3x512xi32, #tpu.memory_space<vmem>> -> memref<1x512xi32, #tpu.memory_space<vmem>>
    %get3A_2451 = tpu.memref_squeeze %get3A_2450 : memref<1x512xi32, #tpu.memory_space<vmem>> -> memref<512xi32, #tpu.memory_space<vmem>>
    %get3A_2452 = arith.constant 304 : index
    %get3A_2453 = tpu.vector_load %get3A_2451[%get3A_2452] {strides = array<i32>} : memref<512xi32, #tpu.memory_space<vmem>>, vector<16xi32>,
    %gather3A_2454 = tpu.vector_load_idx %arg9[%add3A_2447, %get3A_2453] : memref<512x16xf32, #tpu.memory_space<vmem>>[vector<16xi32>, vector<16xi32>], vector<16xf32>,
    %swap3A_2455 = arith.constant 304 : index
    %swap3A_2456 = tpu.vector_load %arg8[%swap3A_2455] {strides = array<i32>} : memref<512xf32, #tpu.memory_space<vmem>>, vector<16xf32>,
    tpu.vector_store %arg8[%swap3A_2455], %gather3A_2454 {strides = array<i32>} : memref<512xf32, #tpu.memory_space<vmem>>, vector<16xf32>,
    %add3A_2457 = arith.constant 320 : i32
    %add3A_2458 = vector.broadcast %add3A_2457 : i32 to vector<16xi32>
    %add3A_2459 = arith.addi %iota3A, %add3A_2458 : vector<16xi32>
    %get3A_2460 = arith.constant 2 : i32
    %get3A_2461 = arith.constant 0 : i32
    %get3A_2462 = tpu.memref_slice %arg7[%get3A_2460, %get3A_2461] : memref<3x512xi32, #tpu.memory_space<vmem>> -> memref<1x512xi32, #tpu.memory_space<vmem>>
    %get3A_2463 = tpu.memref_squeeze %get3A_2462 : memref<1x512xi32, #tpu.memory_space<vmem>> -> memref<512xi32, #tpu.memory_space<vmem>>
    %get3A_2464 = arith.constant 320 : index
    %get3A_2465 = tpu.vector_load %get3A_2463[%get3A_2464] {strides = array<i32>} : memref<512xi32, #tpu.memory_space<vmem>>, vector<16xi32>,
    %gather3A_2466 = tpu.vector_load_idx %arg9[%add3A_2459, %get3A_2465] : memref<512x16xf32, #tpu.memory_space<vmem>>[vector<16xi32>, vector<16xi32>], vector<16xf32>,
    %swap3A_2467 = arith.constant 320 : index
    %swap3A_2468 = tpu.vector_load %arg8[%swap3A_2467] {strides = array<i32>} : memref<512xf32, #tpu.memory_space<vmem>>, vector<16xf32>,
    tpu.vector_store %arg8[%swap3A_2467], %gather3A_2466 {strides = array<i32>} : memref<512xf32, #tpu.memory_space<vmem>>, vector<16xf32>,
    %add3A_2469 = arith.constant 336 : i32
    %add3A_2470 = vector.broadcast %add3A_2469 : i32 to vector<16xi32>
    %add3A_2471 = arith.addi %iota3A, %add3A_2470 : vector<16xi32>
    %get3A_2472 = arith.constant 2 : i32
    %get3A_2473 = arith.constant 0 : i32
    %get3A_2474 = tpu.memref_slice %arg7[%get3A_2472, %get3A_2473] : memref<3x512xi32, #tpu.memory_space<vmem>> -> memref<1x512xi32, #tpu.memory_space<vmem>>
    %get3A_2475 = tpu.memref_squeeze %get3A_2474 : memref<1x512xi32, #tpu.memory_space<vmem>> -> memref<512xi32, #tpu.memory_space<vmem>>
    %get3A_2476 = arith.constant 336 : index
    %get3A_2477 = tpu.vector_load %get3A_2475[%get3A_2476] {strides = array<i32>} : memref<512xi32, #tpu.memory_space<vmem>>, vector<16xi32>,
    %gather3A_2478 = tpu.vector_load_idx %arg9[%add3A_2471, %get3A_2477] : memref<512x16xf32, #tpu.memory_space<vmem>>[vector<16xi32>, vector<16xi32>], vector<16xf32>,
    %swap3A_2479 = arith.constant 336 : index
    %swap3A_2480 = tpu.vector_load %arg8[%swap3A_2479] {strides = array<i32>} : memref<512xf32, #tpu.memory_space<vmem>>, vector<16xf32>,
    tpu.vector_store %arg8[%swap3A_2479], %gather3A_2478 {strides = array<i32>} : memref<512xf32, #tpu.memory_space<vmem>>, vector<16xf32>,
    %add3A_2481 = arith.constant 352 : i32
    %add3A_2482 = vector.broadcast %add3A_2481 : i32 to vector<16xi32>
    %add3A_2483 = arith.addi %iota3A, %add3A_2482 : vector<16xi32>
    %get3A_2484 = arith.constant 2 : i32
    %get3A_2485 = arith.constant 0 : i32
    %get3A_2486 = tpu.memref_slice %arg7[%get3A_2484, %get3A_2485] : memref<3x512xi32, #tpu.memory_space<vmem>> -> memref<1x512xi32, #tpu.memory_space<vmem>>
    %get3A_2487 = tpu.memref_squeeze %get3A_2486 : memref<1x512xi32, #tpu.memory_space<vmem>> -> memref<512xi32, #tpu.memory_space<vmem>>
    %get3A_2488 = arith.constant 352 : index
    %get3A_2489 = tpu.vector_load %get3A_2487[%get3A_2488] {strides = array<i32>} : memref<512xi32, #tpu.memory_space<vmem>>, vector<16xi32>,
    %gather3A_2490 = tpu.vector_load_idx %arg9[%add3A_2483, %get3A_2489] : memref<512x16xf32, #tpu.memory_space<vmem>>[vector<16xi32>, vector<16xi32>], vector<16xf32>,
    %swap3A_2491 = arith.constant 352 : index
    %swap3A_2492 = tpu.vector_load %arg8[%swap3A_2491] {strides = array<i32>} : memref<512xf32, #tpu.memory_space<vmem>>, vector<16xf32>,
    tpu.vector_store %arg8[%swap3A_2491], %gather3A_2490 {strides = array<i32>} : memref<512xf32, #tpu.memory_space<vmem>>, vector<16xf32>,
    %add3A_2493 = arith.constant 368 : i32
    %add3A_2494 = vector.broadcast %add3A_2493 : i32 to vector<16xi32>
    %add3A_2495 = arith.addi %iota3A, %add3A_2494 : vector<16xi32>
    %get3A_2496 = arith.constant 2 : i32
    %get3A_2497 = arith.constant 0 : i32
    %get3A_2498 = tpu.memref_slice %arg7[%get3A_2496, %get3A_2497] : memref<3x512xi32, #tpu.memory_space<vmem>> -> memref<1x512xi32, #tpu.memory_space<vmem>>
    %get3A_2499 = tpu.memref_squeeze %get3A_2498 : memref<1x512xi32, #tpu.memory_space<vmem>> -> memref<512xi32, #tpu.memory_space<vmem>>
    %get3A_2500 = arith.constant 368 : index
    %get3A_2501 = tpu.vector_load %get3A_2499[%get3A_2500] {strides = array<i32>} : memref<512xi32, #tpu.memory_space<vmem>>, vector<16xi32>,
    %gather3A_2502 = tpu.vector_load_idx %arg9[%add3A_2495, %get3A_2501] : memref<512x16xf32, #tpu.memory_space<vmem>>[vector<16xi32>, vector<16xi32>], vector<16xf32>,
    %swap3A_2503 = arith.constant 368 : index
    %swap3A_2504 = tpu.vector_load %arg8[%swap3A_2503] {strides = array<i32>} : memref<512xf32, #tpu.memory_space<vmem>>, vector<16xf32>,
    tpu.vector_store %arg8[%swap3A_2503], %gather3A_2502 {strides = array<i32>} : memref<512xf32, #tpu.memory_space<vmem>>, vector<16xf32>,
    %add3A_2505 = arith.constant 256 : i32
    %add3A_2506 = arith.addi %mul3A_2, %add3A_2505 : i32
    %dma_start3A_2507 = arith.constant 256 : i32
    %dma_start3A_2508 = tpu.memref_slice %arg8[%dma_start3A_2507] : memref<512xf32, #tpu.memory_space<vmem>> -> memref<128xf32, #tpu.memory_space<vmem>>
    %dma_start3A_2509 = tpu.memref_slice %arg6[%add3A_2506] : memref<16384xf32, #tpu.memory_space<hbm>> -> memref<128xf32, #tpu.memory_space<hbm>>
    %dma_start3A_2510 = tpu.memref_slice %arg6[%add3A_2506] : memref<16384xf32, #tpu.memory_space<hbm>> -> memref<128xf32, #tpu.memory_space<hbm>>
    %dma_start3A_2511 = arith.constant 256 : i32
    %dma_start3A_2512 = tpu.memref_slice %arg8[%dma_start3A_2511] : memref<512xf32, #tpu.memory_space<vmem>> -> memref<128xf32, #tpu.memory_space<vmem>>
    tpu.enqueue_dma source(%dma_start3A_2512 : memref<128xf32, #tpu.memory_space<vmem>>) target(%dma_start3A_2510 : memref<128xf32, #tpu.memory_space<hbm>>) target_semaphore(%arg10 : memref<!tpu.dma_semaphore, #tpu.memory_space<semaphore_mem>>)
    %dma_wait3A_2513 = arith.constant 1 : i32
    %dma_wait3A_2514 = arith.constant 3 : i32
    %dma_wait3A_2515 = arith.constant 384 : i32
    %dma_wait3A_2516 = arith.constant 0 : i32
    %dma_wait3A_2517 = tpu.memref_slice %arg9[%dma_wait3A_2515, %dma_wait3A_2516] : memref<512x16xf32, #tpu.memory_space<vmem>> -> memref<128x16xf32, #tpu.memory_space<vmem>>
    %dma_wait3A_2518 = arith.constant 0 : i32
    %dma_wait3A_2519 = tpu.memref_slice %arg7[%dma_wait3A_2513, %dma_wait3A_2518] : memref<3x512xi32, #tpu.memory_space<vmem>> -> memref<1x512xi32, #tpu.memory_space<vmem>>
    %dma_wait3A_2520 = tpu.memref_squeeze %dma_wait3A_2519 : memref<1x512xi32, #tpu.memory_space<vmem>> -> memref<512xi32, #tpu.memory_space<vmem>>
    %dma_wait3A_2521 = arith.constant 384 : i32
    %dma_wait3A_2522 = tpu.memref_slice %dma_wait3A_2520[%dma_wait3A_2521] : memref<512xi32, #tpu.memory_space<vmem>> -> memref<128xi32, #tpu.memory_space<vmem>>
    %dma_wait3A_2523 = arith.constant 0 : i32
    %dma_wait3A_2524 = arith.constant 0 : i32
    %dma_wait3A_2525 = tpu.memref_slice %arg5[%dma_wait3A_2523, %dma_wait3A_2524] : memref<1048576x16xf32, #tpu.memory_space<hbm>> -> memref<1048576x16xf32, #tpu.memory_space<hbm>>
    %dma_wait3A_2526 = tpu.memref_slice %arg11[%dma_wait3A_2514] : memref<4x!tpu.dma_semaphore, #tpu.memory_space<semaphore_mem>> -> memref<1x!tpu.dma_semaphore, #tpu.memory_space<semaphore_mem>>
    %dma_wait3A_2527 = tpu.memref_squeeze %dma_wait3A_2526 : memref<1x!tpu.dma_semaphore, #tpu.memory_space<semaphore_mem>> -> memref<!tpu.dma_semaphore, #tpu.memory_space<semaphore_mem>>
    tpu.wait_indirect_dma semaphore(%dma_wait3A_2527 : memref<!tpu.dma_semaphore, #tpu.memory_space<semaphore_mem>>) src(%dma_wait3A_2525 : memref<1048576x16xf32, #tpu.memory_space<hbm>>) dst(%dma_wait3A_2517 : memref<128x16xf32, #tpu.memory_space<vmem>>)
    %add3A_2528 = arith.constant 384 : i32
    %add3A_2529 = vector.broadcast %add3A_2528 : i32 to vector<16xi32>
    %add3A_2530 = arith.addi %iota3A, %add3A_2529 : vector<16xi32>
    %get3A_2531 = arith.constant 2 : i32
    %get3A_2532 = arith.constant 0 : i32
    %get3A_2533 = tpu.memref_slice %arg7[%get3A_2531, %get3A_2532] : memref<3x512xi32, #tpu.memory_space<vmem>> -> memref<1x512xi32, #tpu.memory_space<vmem>>
    %get3A_2534 = tpu.memref_squeeze %get3A_2533 : memref<1x512xi32, #tpu.memory_space<vmem>> -> memref<512xi32, #tpu.memory_space<vmem>>
    %get3A_2535 = arith.constant 384 : index
    %get3A_2536 = tpu.vector_load %get3A_2534[%get3A_2535] {strides = array<i32>} : memref<512xi32, #tpu.memory_space<vmem>>, vector<16xi32>,
    %gather3A_2537 = tpu.vector_load_idx %arg9[%add3A_2530, %get3A_2536] : memref<512x16xf32, #tpu.memory_space<vmem>>[vector<16xi32>, vector<16xi32>], vector<16xf32>,
    %swap3A_2538 = arith.constant 384 : index
    %swap3A_2539 = tpu.vector_load %arg8[%swap3A_2538] {strides = array<i32>} : memref<512xf32, #tpu.memory_space<vmem>>, vector<16xf32>,
    tpu.vector_store %arg8[%swap3A_2538], %gather3A_2537 {strides = array<i32>} : memref<512xf32, #tpu.memory_space<vmem>>, vector<16xf32>,
    %add3A_2540 = arith.constant 400 : i32
    %add3A_2541 = vector.broadcast %add3A_2540 : i32 to vector<16xi32>
    %add3A_2542 = arith.addi %iota3A, %add3A_2541 : vector<16xi32>
    %get3A_2543 = arith.constant 2 : i32
    %get3A_2544 = arith.constant 0 : i32
    %get3A_2545 = tpu.memref_slice %arg7[%get3A_2543, %get3A_2544] : memref<3x512xi32, #tpu.memory_space<vmem>> -> memref<1x512xi32, #tpu.memory_space<vmem>>
    %get3A_2546 = tpu.memref_squeeze %get3A_2545 : memref<1x512xi32, #tpu.memory_space<vmem>> -> memref<512xi32, #tpu.memory_space<vmem>>
    %get3A_2547 = arith.constant 400 : index
    %get3A_2548 = tpu.vector_load %get3A_2546[%get3A_2547] {strides = array<i32>} : memref<512xi32, #tpu.memory_space<vmem>>, vector<16xi32>,
    %gather3A_2549 = tpu.vector_load_idx %arg9[%add3A_2542, %get3A_2548] : memref<512x16xf32, #tpu.memory_space<vmem>>[vector<16xi32>, vector<16xi32>], vector<16xf32>,
    %swap3A_2550 = arith.constant 400 : index
    %swap3A_2551 = tpu.vector_load %arg8[%swap3A_2550] {strides = array<i32>} : memref<512xf32, #tpu.memory_space<vmem>>, vector<16xf32>,
    tpu.vector_store %arg8[%swap3A_2550], %gather3A_2549 {strides = array<i32>} : memref<512xf32, #tpu.memory_space<vmem>>, vector<16xf32>,
    %add3A_2552 = arith.constant 416 : i32
    %add3A_2553 = vector.broadcast %add3A_2552 : i32 to vector<16xi32>
    %add3A_2554 = arith.addi %iota3A, %add3A_2553 : vector<16xi32>
    %get3A_2555 = arith.constant 2 : i32
    %get3A_2556 = arith.constant 0 : i32
    %get3A_2557 = tpu.memref_slice %arg7[%get3A_2555, %get3A_2556] : memref<3x512xi32, #tpu.memory_space<vmem>> -> memref<1x512xi32, #tpu.memory_space<vmem>>
    %get3A_2558 = tpu.memref_squeeze %get3A_2557 : memref<1x512xi32, #tpu.memory_space<vmem>> -> memref<512xi32, #tpu.memory_space<vmem>>
    %get3A_2559 = arith.constant 416 : index
    %get3A_2560 = tpu.vector_load %get3A_2558[%get3A_2559] {strides = array<i32>} : memref<512xi32, #tpu.memory_space<vmem>>, vector<16xi32>,
    %gather3A_2561 = tpu.vector_load_idx %arg9[%add3A_2554, %get3A_2560] : memref<512x16xf32, #tpu.memory_space<vmem>>[vector<16xi32>, vector<16xi32>], vector<16xf32>,
    %swap3A_2562 = arith.constant 416 : index
    %swap3A_2563 = tpu.vector_load %arg8[%swap3A_2562] {strides = array<i32>} : memref<512xf32, #tpu.memory_space<vmem>>, vector<16xf32>,
    tpu.vector_store %arg8[%swap3A_2562], %gather3A_2561 {strides = array<i32>} : memref<512xf32, #tpu.memory_space<vmem>>, vector<16xf32>,
    %add3A_2564 = arith.constant 432 : i32
    %add3A_2565 = vector.broadcast %add3A_2564 : i32 to vector<16xi32>
    %add3A_2566 = arith.addi %iota3A, %add3A_2565 : vector<16xi32>
    %get3A_2567 = arith.constant 2 : i32
    %get3A_2568 = arith.constant 0 : i32
    %get3A_2569 = tpu.memref_slice %arg7[%get3A_2567, %get3A_2568] : memref<3x512xi32, #tpu.memory_space<vmem>> -> memref<1x512xi32, #tpu.memory_space<vmem>>
    %get3A_2570 = tpu.memref_squeeze %get3A_2569 : memref<1x512xi32, #tpu.memory_space<vmem>> -> memref<512xi32, #tpu.memory_space<vmem>>
    %get3A_2571 = arith.constant 432 : index
    %get3A_2572 = tpu.vector_load %get3A_2570[%get3A_2571] {strides = array<i32>} : memref<512xi32, #tpu.memory_space<vmem>>, vector<16xi32>,
    %gather3A_2573 = tpu.vector_load_idx %arg9[%add3A_2566, %get3A_2572] : memref<512x16xf32, #tpu.memory_space<vmem>>[vector<16xi32>, vector<16xi32>], vector<16xf32>,
    %swap3A_2574 = arith.constant 432 : index
    %swap3A_2575 = tpu.vector_load %arg8[%swap3A_2574] {strides = array<i32>} : memref<512xf32, #tpu.memory_space<vmem>>, vector<16xf32>,
    tpu.vector_store %arg8[%swap3A_2574], %gather3A_2573 {strides = array<i32>} : memref<512xf32, #tpu.memory_space<vmem>>, vector<16xf32>,
    %add3A_2576 = arith.constant 448 : i32
    %add3A_2577 = vector.broadcast %add3A_2576 : i32 to vector<16xi32>
    %add3A_2578 = arith.addi %iota3A, %add3A_2577 : vector<16xi32>
    %get3A_2579 = arith.constant 2 : i32
    %get3A_2580 = arith.constant 0 : i32
    %get3A_2581 = tpu.memref_slice %arg7[%get3A_2579, %get3A_2580] : memref<3x512xi32, #tpu.memory_space<vmem>> -> memref<1x512xi32, #tpu.memory_space<vmem>>
    %get3A_2582 = tpu.memref_squeeze %get3A_2581 : memref<1x512xi32, #tpu.memory_space<vmem>> -> memref<512xi32, #tpu.memory_space<vmem>>
    %get3A_2583 = arith.constant 448 : index
    %get3A_2584 = tpu.vector_load %get3A_2582[%get3A_2583] {strides = array<i32>} : memref<512xi32, #tpu.memory_space<vmem>>, vector<16xi32>,
    %gather3A_2585 = tpu.vector_load_idx %arg9[%add3A_2578, %get3A_2584] : memref<512x16xf32, #tpu.memory_space<vmem>>[vector<16xi32>, vector<16xi32>], vector<16xf32>,
    %swap3A_2586 = arith.constant 448 : index
    %swap3A_2587 = tpu.vector_load %arg8[%swap3A_2586] {strides = array<i32>} : memref<512xf32, #tpu.memory_space<vmem>>, vector<16xf32>,
    tpu.vector_store %arg8[%swap3A_2586], %gather3A_2585 {strides = array<i32>} : memref<512xf32, #tpu.memory_space<vmem>>, vector<16xf32>,
    %add3A_2588 = arith.constant 464 : i32
    %add3A_2589 = vector.broadcast %add3A_2588 : i32 to vector<16xi32>
    %add3A_2590 = arith.addi %iota3A, %add3A_2589 : vector<16xi32>
    %get3A_2591 = arith.constant 2 : i32
    %get3A_2592 = arith.constant 0 : i32
    %get3A_2593 = tpu.memref_slice %arg7[%get3A_2591, %get3A_2592] : memref<3x512xi32, #tpu.memory_space<vmem>> -> memref<1x512xi32, #tpu.memory_space<vmem>>
    %get3A_2594 = tpu.memref_squeeze %get3A_2593 : memref<1x512xi32, #tpu.memory_space<vmem>> -> memref<512xi32, #tpu.memory_space<vmem>>
    %get3A_2595 = arith.constant 464 : index
    %get3A_2596 = tpu.vector_load %get3A_2594[%get3A_2595] {strides = array<i32>} : memref<512xi32, #tpu.memory_space<vmem>>, vector<16xi32>,
    %gather3A_2597 = tpu.vector_load_idx %arg9[%add3A_2590, %get3A_2596] : memref<512x16xf32, #tpu.memory_space<vmem>>[vector<16xi32>, vector<16xi32>], vector<16xf32>,
    %swap3A_2598 = arith.constant 464 : index
    %swap3A_2599 = tpu.vector_load %arg8[%swap3A_2598] {strides = array<i32>} : memref<512xf32, #tpu.memory_space<vmem>>, vector<16xf32>,
    tpu.vector_store %arg8[%swap3A_2598], %gather3A_2597 {strides = array<i32>} : memref<512xf32, #tpu.memory_space<vmem>>, vector<16xf32>,
    %add3A_2600 = arith.constant 480 : i32
    %add3A_2601 = vector.broadcast %add3A_2600 : i32 to vector<16xi32>
    %add3A_2602 = arith.addi %iota3A, %add3A_2601 : vector<16xi32>
    %get3A_2603 = arith.constant 2 : i32
    %get3A_2604 = arith.constant 0 : i32
    %get3A_2605 = tpu.memref_slice %arg7[%get3A_2603, %get3A_2604] : memref<3x512xi32, #tpu.memory_space<vmem>> -> memref<1x512xi32, #tpu.memory_space<vmem>>
    %get3A_2606 = tpu.memref_squeeze %get3A_2605 : memref<1x512xi32, #tpu.memory_space<vmem>> -> memref<512xi32, #tpu.memory_space<vmem>>
    %get3A_2607 = arith.constant 480 : index
    %get3A_2608 = tpu.vector_load %get3A_2606[%get3A_2607] {strides = array<i32>} : memref<512xi32, #tpu.memory_space<vmem>>, vector<16xi32>,
    %gather3A_2609 = tpu.vector_load_idx %arg9[%add3A_2602, %get3A_2608] : memref<512x16xf32, #tpu.memory_space<vmem>>[vector<16xi32>, vector<16xi32>], vector<16xf32>,
    %swap3A_2610 = arith.constant 480 : index
    %swap3A_2611 = tpu.vector_load %arg8[%swap3A_2610] {strides = array<i32>} : memref<512xf32, #tpu.memory_space<vmem>>, vector<16xf32>,
    tpu.vector_store %arg8[%swap3A_2610], %gather3A_2609 {strides = array<i32>} : memref<512xf32, #tpu.memory_space<vmem>>, vector<16xf32>,
    %add3A_2612 = arith.constant 496 : i32
    %add3A_2613 = vector.broadcast %add3A_2612 : i32 to vector<16xi32>
    %add3A_2614 = arith.addi %iota3A, %add3A_2613 : vector<16xi32>
    %get3A_2615 = arith.constant 2 : i32
    %get3A_2616 = arith.constant 0 : i32
    %get3A_2617 = tpu.memref_slice %arg7[%get3A_2615, %get3A_2616] : memref<3x512xi32, #tpu.memory_space<vmem>> -> memref<1x512xi32, #tpu.memory_space<vmem>>
    %get3A_2618 = tpu.memref_squeeze %get3A_2617 : memref<1x512xi32, #tpu.memory_space<vmem>> -> memref<512xi32, #tpu.memory_space<vmem>>
    %get3A_2619 = arith.constant 496 : index
    %get3A_2620 = tpu.vector_load %get3A_2618[%get3A_2619] {strides = array<i32>} : memref<512xi32, #tpu.memory_space<vmem>>, vector<16xi32>,
    %gather3A_2621 = tpu.vector_load_idx %arg9[%add3A_2614, %get3A_2620] : memref<512x16xf32, #tpu.memory_space<vmem>>[vector<16xi32>, vector<16xi32>], vector<16xf32>,
    %swap3A_2622 = arith.constant 496 : index
    %swap3A_2623 = tpu.vector_load %arg8[%swap3A_2622] {strides = array<i32>} : memref<512xf32, #tpu.memory_space<vmem>>, vector<16xf32>,
    tpu.vector_store %arg8[%swap3A_2622], %gather3A_2621 {strides = array<i32>} : memref<512xf32, #tpu.memory_space<vmem>>, vector<16xf32>,
    %add3A_2624 = arith.constant 384 : i32
    %add3A_2625 = arith.addi %mul3A_2, %add3A_2624 : i32
    %dma_start3A_2626 = arith.constant 384 : i32
    %dma_start3A_2627 = tpu.memref_slice %arg8[%dma_start3A_2626] : memref<512xf32, #tpu.memory_space<vmem>> -> memref<128xf32, #tpu.memory_space<vmem>>
    %dma_start3A_2628 = tpu.memref_slice %arg6[%add3A_2625] : memref<16384xf32, #tpu.memory_space<hbm>> -> memref<128xf32, #tpu.memory_space<hbm>>
    %dma_start3A_2629 = tpu.memref_slice %arg6[%add3A_2625] : memref<16384xf32, #tpu.memory_space<hbm>> -> memref<128xf32, #tpu.memory_space<hbm>>
    %dma_start3A_2630 = arith.constant 384 : i32
    %dma_start3A_2631 = tpu.memref_slice %arg8[%dma_start3A_2630] : memref<512xf32, #tpu.memory_space<vmem>> -> memref<128xf32, #tpu.memory_space<vmem>>
    tpu.enqueue_dma source(%dma_start3A_2631 : memref<128xf32, #tpu.memory_space<vmem>>) target(%dma_start3A_2629 : memref<128xf32, #tpu.memory_space<hbm>>) target_semaphore(%arg10 : memref<!tpu.dma_semaphore, #tpu.memory_space<semaphore_mem>>)
    %dma_wait3A_2632 = arith.constant 0 : i32
    %dma_wait3A_2633 = tpu.memref_slice %arg8[%dma_wait3A_2632] : memref<512xf32, #tpu.memory_space<vmem>> -> memref<128xf32, #tpu.memory_space<vmem>>
    %dma_wait3A_2634 = tpu.memref_slice %arg6[%add3A_2268] : memref<16384xf32, #tpu.memory_space<hbm>> -> memref<128xf32, #tpu.memory_space<hbm>>
    %dma_wait3A_2635 = tpu.memref_slice %arg6[%add3A_2268] : memref<16384xf32, #tpu.memory_space<hbm>> -> memref<128xf32, #tpu.memory_space<hbm>>
    %dma_wait3A_2636 = arith.constant 0 : i32
    %dma_wait3A_2637 = tpu.memref_slice %arg8[%dma_wait3A_2636] : memref<512xf32, #tpu.memory_space<vmem>> -> memref<128xf32, #tpu.memory_space<vmem>>
    tpu.wait_dma2 semaphore(%arg10 : memref<!tpu.dma_semaphore, #tpu.memory_space<semaphore_mem>>) src(%dma_wait3A_2637 : memref<128xf32, #tpu.memory_space<vmem>>) dst(%dma_wait3A_2635 : memref<128xf32, #tpu.memory_space<hbm>>)
    %dma_wait3A_2638 = arith.constant 128 : i32
    %dma_wait3A_2639 = tpu.memref_slice %arg8[%dma_wait3A_2638] : memref<512xf32, #tpu.memory_space<vmem>> -> memref<128xf32, #tpu.memory_space<vmem>>
    %dma_wait3A_2640 = tpu.memref_slice %arg6[%add3A_2387] : memref<16384xf32, #tpu.memory_space<hbm>> -> memref<128xf32, #tpu.memory_space<hbm>>
    %dma_wait3A_2641 = tpu.memref_slice %arg6[%add3A_2387] : memref<16384xf32, #tpu.memory_space<hbm>> -> memref<128xf32, #tpu.memory_space<hbm>>
    %dma_wait3A_2642 = arith.constant 128 : i32
    %dma_wait3A_2643 = tpu.memref_slice %arg8[%dma_wait3A_2642] : memref<512xf32, #tpu.memory_space<vmem>> -> memref<128xf32, #tpu.memory_space<vmem>>
    tpu.wait_dma2 semaphore(%arg10 : memref<!tpu.dma_semaphore, #tpu.memory_space<semaphore_mem>>) src(%dma_wait3A_2643 : memref<128xf32, #tpu.memory_space<vmem>>) dst(%dma_wait3A_2641 : memref<128xf32, #tpu.memory_space<hbm>>)
    %dma_wait3A_2644 = arith.constant 256 : i32
    %dma_wait3A_2645 = tpu.memref_slice %arg8[%dma_wait3A_2644] : memref<512xf32, #tpu.memory_space<vmem>> -> memref<128xf32, #tpu.memory_space<vmem>>
    %dma_wait3A_2646 = tpu.memref_slice %arg6[%add3A_2506] : memref<16384xf32, #tpu.memory_space<hbm>> -> memref<128xf32, #tpu.memory_space<hbm>>
    %dma_wait3A_2647 = tpu.memref_slice %arg6[%add3A_2506] : memref<16384xf32, #tpu.memory_space<hbm>> -> memref<128xf32, #tpu.memory_space<hbm>>
    %dma_wait3A_2648 = arith.constant 256 : i32
    %dma_wait3A_2649 = tpu.memref_slice %arg8[%dma_wait3A_2648] : memref<512xf32, #tpu.memory_space<vmem>> -> memref<128xf32, #tpu.memory_space<vmem>>
    tpu.wait_dma2 semaphore(%arg10 : memref<!tpu.dma_semaphore, #tpu.memory_space<semaphore_mem>>) src(%dma_wait3A_2649 : memref<128xf32, #tpu.memory_space<vmem>>) dst(%dma_wait3A_2647 : memref<128xf32, #tpu.memory_space<hbm>>)
    %dma_wait3A_2650 = arith.constant 384 : i32
    %dma_wait3A_2651 = tpu.memref_slice %arg8[%dma_wait3A_2650] : memref<512xf32, #tpu.memory_space<vmem>> -> memref<128xf32, #tpu.memory_space<vmem>>
    %dma_wait3A_2652 = tpu.memref_slice %arg6[%add3A_2625] : memref<16384xf32, #tpu.memory_space<hbm>> -> memref<128xf32, #tpu.memory_space<hbm>>
    %dma_wait3A_2653 = tpu.memref_slice %arg6[%add3A_2625] : memref<16384xf32, #tpu.memory_space<hbm>> -> memref<128xf32, #tpu.memory_space<hbm>>
    %dma_wait3A_2654 = arith.constant 384 : i32
    %dma_wait3A_2655 = tpu.memref_slice %arg8[%dma_wait3A_2654] : memref<512xf32, #tpu.memory_space<vmem>> -> memref<128xf32, #tpu.memory_space<vmem>>
    tpu.wait_dma2 semaphore(%arg10 : memref<!tpu.dma_semaphore, #tpu.memory_space<semaphore_mem>>) src(%dma_wait3A_2655 : memref<128xf32, #tpu.memory_space<vmem>>) dst(%dma_wait3A_2653 : memref<128xf32, #tpu.memory_space<hbm>>)
    return
  }
}

</mosaic_0001>

<sc_bundles>
// kernel: _gather_sc.3.cloned.1.call-start
scs
__scs_entry_jumppad:
0x0: {  	(pc) =	sbr.rel $0x88, $3  }
0x1: {  	(tag) =	ssettag $0x0;
	lr =	simm.s32 $0x1  }
0x2: {  	[smem:$0x3F9D] =	sst lr;
	_ =	strace $0xD0000000  }
0x3: {  	_ = 	snop  }
0x4: {  	_ = 	snop  }
0x5: {  	_ = 	snop  }
0x6: {  	_ = 	snop  }
0x7: {  	_ = 	snop  }
__scs_overlays_trampoline_lowered:
0x8: {  	[smem:$0x3FAC] =	sst s0  }
0x9: {  	[smem:$0x3FAD] =	sst s1  }
0xa: {  	[smem:$0x3FAE] =	sst s2  }
0xb: {  	[smem:$0x3FAF] =	sst s3  }
0xc: {  	[smem:$0x3FB0] =	sst s4  }
0xd: {  	[smem:$0x3FB1] =	sst s5  }
0xe: {  	[smem:$0x3FB2] =	sst s6  }
0xf: {  	[smem:$0x3FB3] =	sst s7  }
0x10: {  	[smem:$0x3FB4] =	sst s8  }
0x11: {  	[smem:$0x3FB5] =	sst s9;
	s0 =	simm.s32 @!p0 $0x0  }
0x12: {  	s1 =	sld [smem:$0x3F9B];
	s0 =	simm.s32 @p0 $0x1  }
0x13: {  	[smem:$0x3FB6] =	sst s0;
	s0 =	simm.s32 @!p1 $0x0  }
0x14: {  	s2 =	sld [smem:$0x3F9A];
	s0 =	simm.s32 @p1 $0x1  }
0x15: {  	[smem:$0x3FB7] =	sst s0;
	s0 =	simm.s32 @!p2 $0x0  }
0x16: {  	s3 =	sld [smem:$0x3FDB];
	s0 =	simm.s32 @p2 $0x1  }
0x17: {  	s4 =	simm.s32 $0x1BF5;
	[smem:$0x3FB9] =	sst s0  }
0x18: {  	s0 =	sld [smem:$0x3F9C];
	_ =	swait.ge [sflag:s4], $0x0  }
0x19: {  	s7 =	sld [smem:$0x3F9D]  }
0x1a: {  	s8 =	sadd.s32 $0xFFFFE003, lr  }
0x1b: {  	s9 =	sadd.s32 $0xFFFFFEF7, lr;
	s5 =	simm.s32 $0xFFFFFFFF;
	p2 =	slt.u32 s8, $0xFFFFF086  }
0x1c: {  	p1 =	slt.u32 s9, $0xF7A;
	s5 =	simm.s32 @!p2 $0x0  }
0x1d: {  	s5 =	simm.s32 @p1 $0x1;
	p0 =	seq.s32 s7, s2  }
0x1e: {  	s7 =	smul.u32 @!p0 $0xF7A, s2;
	p2 =	seq.s32 @!p0 s5, $0x0  }
0x1f: {  	s9 =	smul.u32 $0xF7A, s1;
	s8 =	simm.s32 @!p0 $0x1BF5;
	p2 =	por !p2, p0  }
0x20: {  	[sflag:s8] =	ssyncset.s32 @!p0 $0xFFFFF086;
	s6 =	sadd.s32 @!p0 s3, s7;
	s7 =	simm.s32 @!p0 $0x108  }
0x21: {  	s3 =	sadd.s32 s3, s9;
	s6 =	sadd.s32 @!p0 $0x88, s6;
	s7 =	simm.s32 @p2 $0x1082  }
0x22: {  	[simem:s7], [sflag:s8] =	dma.local @!p0 [hbm:s6], $0xF7A  }
0x23: {  	s9 =	sor.u32 $0xD0000000, s2;
	s6 =	simm.s32 $0x108;
	_ =	swait.ge @!p0 [sflag:s8], $0x0  }
0x24: {  	s3 =	sadd.s32 $0x88, s3;
	s6 =	simm.s32 @!p1 $0x1082;
	[sflag:s4] =	ssyncset.s32 $0xFFFFF086  }
0x25: {  	[simem:s6], [sflag:s4] =	dma.local [hbm:s3], $0xF7A  }
0x26: {  	[smem:$0x3F9D] =	sst s1;
	(tag) =	ssettag s2;
	_ =	strace s9  }
0x27: {  	s1 =	sld [smem:$0x3FAD]  }
0x28: {  	s2 =	sld [smem:$0x3FAE]  }
0x29: {  	s4 =	sld [smem:$0x3FB0]  }
0x2a: {  	p0 =	seq.s32 s5, $0x0;
	s5 =	sld [smem:$0x3FB1]  }
0x2b: {  	s6 =	sld [smem:$0x3FB2]  }
0x2c: {  	s7 =	sld [smem:$0x3FB3]  }
0x2d: {  	s3 =	simm.s32 $0x108;
	s8 =	sld [smem:$0x3FB4]  }
0x2e: {  	s3 =	simm.s32 @!p0 $0x1082;
	s9 =	sld [smem:$0x3FB5]  }
0x2f: {  	lr =	sadd.s32 s0, s3;
	s0 =	sld [smem:$0x3FAC]  }
0x30: {  	s3 =	sld [smem:$0x3FAF]  }
0x31: {  	[smem:$0x3FB8] =	sst s10  }
0x32: {  	s10 =	sld [smem:$0x3FB6];
	_ =	sdelay $0x3  }
0x33: {  	p0 =	seq.s32 s10, $0x1;
	s10 =	sld [smem:$0x3FB8];
	_ =	sdelay $0x3  }
0x34: {  	[smem:$0x3FB8] =	sst s10  }
0x35: {  	s10 =	sld [smem:$0x3FB7];
	_ =	sdelay $0x3  }
0x36: {  	p1 =	seq.s32 s10, $0x1;
	s10 =	sld [smem:$0x3FB8];
	_ =	sdelay $0x3  }
0x37: {  	[smem:$0x3FB8] =	sst s10  }
0x38: {  	s10 =	sld [smem:$0x3FB9]  }
0x39: {  	_ = 	snop;
	(pc) =	sbr.ind lr, $3  }
0x3a: {  	_ = 	snop  }
0x3b: {  	_ = 	snop  }
0x3c: {  	p2 =	seq.s32 s10, $0x1;
	s10 =	sld [smem:$0x3FB8]  }
0x3d: {  	_ =	shalt  }
0x3e: {  	_ =	shalt  }
0x3f: {  	_ =	shalt  }
0x40: {  	_ =	shalt  }
0x41: {  	_ =	shalt  }
0x42: {  	_ =	shalt  }
0x43: {  	_ =	shalt  }
0x44: {  	_ =	shalt  }
0x45: {  	_ =	shalt  }
0x46: {  	_ =	shalt  }
0x47: {  	_ =	shalt  }
0x48: {  	_ =	shalt  }
0x49: {  	_ =	shalt  }
0x4a: {  	_ =	shalt  }
0x4b: {  	_ =	shalt  }
0x4c: {  	_ =	shalt  }
0x4d: {  	_ =	shalt  }
0x4e: {  	_ =	shalt  }
0x4f: {  	_ =	shalt  }
0x50: {  	_ =	shalt  }
0x51: {  	_ =	shalt  }
0x52: {  	_ =	shalt  }
0x53: {  	_ =	shalt  }
0x54: {  	_ =	shalt  }
0x55: {  	_ =	shalt  }
0x56: {  	_ =	shalt  }
0x57: {  	_ =	shalt  }
0x58: {  	_ =	shalt  }
0x59: {  	_ =	shalt  }
0x5a: {  	_ =	shalt  }
0x5b: {  	_ =	shalt  }
0x5c: {  	_ =	shalt  }
0x5d: {  	_ =	shalt  }
0x5e: {  	_ =	shalt  }
0x5f: {  	_ =	shalt  }
0x60: {  	_ =	shalt  }
0x61: {  	_ =	shalt  }
0x62: {  	_ =	shalt  }
0x63: {  	_ =	shalt  }
0x64: {  	_ =	shalt  }
0x65: {  	_ =	shalt  }
0x66: {  	_ =	shalt  }
0x67: {  	_ =	shalt  }
0x68: {  	_ =	shalt  }
0x69: {  	_ =	shalt  }
0x6a: {  	_ =	shalt  }
0x6b: {  	_ =	shalt  }
0x6c: {  	_ =	shalt  }
0x6d: {  	_ =	shalt  }
0x6e: {  	_ =	shalt  }
0x6f: {  	_ =	shalt  }
0x70: {  	_ =	shalt  }
0x71: {  	_ =	shalt  }
0x72: {  	_ =	shalt  }
0x73: {  	_ =	shalt  }
0x74: {  	_ =	shalt  }
0x75: {  	_ =	shalt  }
0x76: {  	_ =	shalt  }
0x77: {  	_ =	shalt  }
0x78: {  	_ =	shalt  }
0x79: {  	_ =	shalt  }
0x7a: {  	_ =	shalt  }
0x7b: {  	_ =	shalt  }
0x7c: {  	_ =	shalt  }
0x7d: {  	_ =	shalt  }
0x7e: {  	_ =	shalt  }
0x7f: {  	_ =	shalt  }
0x80: {  	_ =	shalt  }
0x81: {  	_ =	shalt  }
0x82: {  	_ =	shalt  }
0x83: {  	_ =	shalt  }
0x84: {  	_ =	shalt  }
0x85: {  	_ =	shalt  }
0x86: {  	_ =	shalt  }
0x87: {  	_ =	shalt  }
.Lfunc_end0:
.L_simem_size_0:
called_computation_lowered:
.L_overlay_start_0:
0x88: {  	s2 =	sld [smem:$0x3FD9]  }
0x89: {  	s3 =	sld [smem:$0x3FFE];
	_ =	sdelay $0x1  }
0x8a: {  	s1 =	srdreg.scid  }
0x8b: {  	s0 =	sand.u32 $0x1, s1  }
0x8c: {  	s17 =	sshll.u32 s0, $0xA;
	s2 =	sadd.s32 s3, s2  }
0x8d: {  	s2 =	sadd.s32 s2, s17  }
0x8e: {  	[smem:$0x3FC4] =	sst s2  }
0x8f: {  	_ = 	snop  }
0x90: {  	s2 =	sld [smem:$0x3FC9]  }
0x91: {  	s18 =	sld [smem:$0x3FC8]  }
0x92: {  	s4 =	sld [smem:$0x3FC7]  }
0x93: {  	s5 =	sld [smem:$0x3FD0];
	(tm) =	ssettm $0x1  }
0x94: {  	s6 =	sld [smem:$0x3FFB];
	_ =	sdelay $0x3  }
0x95: {  	_ =	strace s6  }
0x96: {  	s6 =	sld [smem:$0x3FFC];
	_ =	sdelay $0x3  }
0x97: {  	_ =	strace s6  }
0x98: {  	s6 =	sld [smem:$0x3FFD];
	_ =	sdelay $0x3  }
0x99: {  	_ =	strace s6  }
0x9a: {  	_ =	strace $0x8FFFFFFF  }
0x9b: {  	s19 =	sld [smem:$0x3FDB];
	_ =	sdelay $0x1  }
0x9c: {  	s7 =	simm.s32 $_scs_section_size  }
0x9d: {  	s8 =	simm.s32 $_size__tile_overlayer_lowered;
	s9 =	simm.s32 $_tile_overlayer_lowered  }
0x9e: {  	s22 =	simm.s32 $0x1BFF;
	s21 =	sshll.u32 s9, $0x1;
	s6 =	sadd.s32 s7, s19  }
0x9f: {  	s10 =	simm.s32 $0x0;
	s20 =	sshll.u32 s8, $0x1;
	s8 =	sadd.s32 s21, s6  }
0xa0: {  	[timem:s10], [sflag:s22] =	dma.local [hbm:s8], s20  }
0xa1: {  	_ =	swait.ge [sflag:s22], s20  }
0xa2: {  	s7 =	ssub.s32 $0x0, s20;
	[sflag:s22] =	ssyncset.done $0x0  }
0xa3: {  	[sflag:s22] =	ssyncadd.s32 s7;
	_ =	sdelay $0x1  }
0xa4: {  	s23 =	simm.s32 $0x1B8B  }
0xa5: {  	_ =	swait.ge [sflag:s23], $0x1  }
0xa6: {  	[sflag:s23] =	ssyncset.done $0x0  }
0xa7: {  	s25 =	simm.s32 $0x1B8E;
	s24 =	sld [smem:$0x3FFE];
	[sflag:s23] =	ssyncadd.s32 $0xFFFFFFFF  }
0xa8: {  	s26 =	simm.s32 $execute0_lowered;
	[smem:$0x3FD2] =	sst s25  }
0xa9: {  	s8 =	sshll.u32 s26, $0x1;
	_ =	strace $0x80000046;
	[dreg:$0x1] =	wrdreg $0xFFFFFFFF  }
0xaa: {  	s28 =	simm.s32 $_size_execute0_lowered;
	s6 =	sadd.s32 s6, s8;
	[dreg:$0x0] =	wrdreg $0x0  }
0xab: {  	s8 =	sshll.u32 s28, $0x1;
	[dreg:$0x2] =	wrdreg s6  }
0xac: {  	[dreg:$0x3] =	wrdreg s8  }
0xad: {  	[dreg:$0x4] =	wrdreg $0xC0  }
0xae: {  	_ =	task [dreg:s10], $0x5FFFF  }
0xaf: {  	[dreg:$0x1] =	wrdreg $0xFFFFFFFF  }
0xb0: {  	[dreg:$0x0] =	wrdreg $0x60  }
0xb1: {  	[dreg:$0x2] =	wrdreg s2  }
0xb2: {  	[dreg:$0x3] =	wrdreg s18  }
0xb3: {  	[dreg:$0x4] =	wrdreg s4  }
0xb4: {  	[dreg:$0x5] =	wrdreg s24  }
0xb5: {  	[dreg:$0x6] =	wrdreg s5  }
0xb6: {  	[dreg:$0x7] =	wrdreg $0x9  }
0xb7: {  	_ =	task.clear_ibuf [dreg:s10], $0x8FFFF;
	_ =	strace $0x90000046  }
0xb8: {  	s29 =	simm.s32 $0x9;
	_ =	strace $0x80000048  }
0xb9: {  	_ =	swait.ge [sflag:s29], $0x1  }
0xba: {  	[sflag:s29] =	ssyncadd.s32 $0xFFFFFFFF  }
0xbb: {  	_ =	strace $0x90000048  }
0xbc: {  	_ =	sfence  }
0xbd: {  	s30 =	sld [smem:$0x0];
	_ =	sdelay $0x2  }
0xbe: {  	s31 =	sshll.u32 s1, $0xD;
	s1 =	sshrl.u32 s1, $0x2  }
0xbf: {  	s3 =	sand.u32 $0x4000, s31;
	s1 =	sadd.s32 s1, s30  }
0xc0: {  	s0 =	sor.u32 s3, s0;
	s1 =	sshll.u32 s1, $0x11  }
0xc1: {  	s0 =	sor.u32 s1, s0  }
0xc2: {  	s0 =	sadd.s32 $0x8F2B, s0  }
0xc3: {  	[sflag:s0] =	ssyncadd.remote.s32 $0x1  }
0xc4: {  	_ =	sfence.sel $0xFFFF  }
0xc5: {  	[dreg:$0x0] =	wrdreg $0xFFFFFFFF;
	(pc) =	sbr.abs _section_cstart, $3  }
0xc6: {  	[dreg:$0x1] =	wrdreg $0xFFFFFFFF  }
0xc7: {  	_ =	task.clear_ibuf [dreg:s10], $0x2FFFF;
	_ =	strace $0x9FFFFFFF  }
0xc8: {  	(tm) =	ssettm $0x7FFFFFFF  }
0xc9: {  	_ =	shalt  }
tec
execute0_lowered:
.L_overlay_start_1:
0x0: {  	(tag) =	ssettag $0x1  }
0x1: {  	s4 =	rddreg [dreg:$0x0]  }
0x2: {  	s5 =	rddreg [dreg:$0x1]  }
0x3: {  	s7 =	rddreg [dreg:$0x2]  }
0x4: {  	s3 =	rddreg [dreg:$0x3]  }
0x5: {  	s6 =	rddreg [dreg:$0x4]  }
0x6: {  	s0 =	rddreg [dreg:$0x5];
	s1 =	simm.s32 $0x0;
	v0 =	vlaneseq.u32  }
0x7: {  	s2 =	srdreg.scid;
	s13 =	simm.s32 $0x400;
	s14 =	simm.s32 $0x1;
	v0 =	vmul.u32 $0x10, v0  }
0x8: {  	s15 =	simm.s32 $0x80;
	s16 =	simm.s32 $0x800;
	s17 =	simm.s32 $0x280  }
0x9: {  	s18 =	simm.s32 $0x1000;
	s19 =	simm.s32 $0x300;
	s20 =	simm.s32 $0x1800;
	v1 =	vor.u32 $0x100, v0  }
0xa: {  	s21 =	simm.s32 $0x380;
	s22 =	simm.s32 $0x2000;
	s23 =	simm.s32 $0x2;
	v2 =	vor.u32 $0x200, v0;
	v3 =	vor.u32 $0x300, v0;
	v4 =	vor.u32 $0x400, v0  }
0xb: {  	s24 =	simm.s32 $0x600;
	s25 =	simm.s32 $0x3;
	s26 =	simm.s32 $0x680;
	v5 =	vor.u32 $0x500, v0;
	v6 =	vor.u32 $0x600, v0;
	v7 =	vor.u32 $0x700, v0  }
0xc: {  	s28 =	simm.s32 $0x4;
	s29 =	simm.s32 $0x700;
	s30 =	simm.s32 $0x5;
	v8 =	vor.u32 $0x800, v0;
	v9 =	vor.u32 $0x900, v0;
	v10 =	vor.u32 $0xA00, v0  }
0xd: {  	s31 =	simm.s32 $0x780;
	[smem:$0x7FF] =	sst s1;
	s8 =	sand.u32 $0x1, s2;
	v11 =	vor.u32 $0xB00, v0;
	v12 =	vor.u32 $0xC00, v0;
	v13 =	vor.u32 $0xD00, v0  }
0xe: {  	s2 =	stileid.u32;
	s3 =	sadd.s32 $0x1000400, s3;
	s9 =	ssub.s32 $0x2, s8;
	v14 =	vor.u32 $0xE00, v0;
	v15 =	vor.u32 $0xF00, v0;
	v16 =	vor.u32 $0x1000, v0  }
0xf: {  	s11 =	sshll.u32 s2, $0x7;
	s8 =	sshll.u32 s8, $0x6;
	s10 =	sshrl.u32 s9, $0x1;
	v17 =	vor.u32 $0x1100, v0;
	v18 =	vor.u32 $0x1200, v0;
	v19 =	vor.u32 $0x1300, v0  }
0x10: {  	_ =	strace $0x80000047;
	s8 =	sor.u32 s8, s11;
	v20 =	vor.u32 $0x1400, v0;
	v21 =	vor.u32 $0x1500, v0;
	v22 =	vor.u32 $0x1600, v0;
	s12 =	ssub.s32 s9, s10  }
0x11: {  	v23 =	vor.u32 $0x1700, v0;
	v24 =	vor.u32 $0x1800, v0;
	v25 =	vor.u32 $0x1900, v0;
	s4 =	sadd.s32 s4, s8;
	s5 =	sadd.s32 s5, s8;
	s6 =	sadd.s32 s6, s8  }
0x12: {  	v26 =	vor.u32 $0x1A00, v0;
	v27 =	vor.u32 $0x1B00, v0;
	v28 =	vor.u32 $0x1C00, v0;
	s7 =	sadd.s32 s7, s8;
	s8 =	sadd.s32 $0x10, s6;
	s9 =	sadd.s32 $0x20, s6  }
0x13: {  	v29 =	vor.u32 $0x1D00, v0;
	v30 =	vor.u32 $0x1E00, v0;
	v31 =	vor.u32 $0x1F00, v0;
	s10 =	sadd.s32 $0x30, s6;
	s11 =	smax.u32 s12, $0x1;
	s12 =	simm.s32 $0x200  }
.LBB2_1:
0x14: {  	[tilespmem:s1], [sflag:$0x1] =	stream.linear.gather [hbm4b:s4+s1], $0x200, $0x38;
	[tilespmem:$0x2800] =	vst v63  }
0x15: {  	_ = 	snop  }
0x16: {  	[tilespmem:s12], [sflag:$0x1] =	stream.linear.gather [hbm4b:s5+s1], $0x200, $0x38;
	[tilespmem:$0x2800] =	vst v63  }
0x17: {  	_ = 	snop  }
0x18: {  	[tilespmem:s13], [sflag:$0x1] =	stream.linear.gather [hbm4b:s7+s1], $0x200, $0x38;
	[tilespmem:$0x2800] =	vst v63  }
0x19: {  	_ =	swait.ge [sflag:s14], $0x200  }
0x1a: {  	[sflag:s14] =	ssyncset.done $0x0  }
0x1b: {  	[sflag:s14] =	ssyncadd.s32 $0xFFFFFE00  }
0x1c: {  	_ =	swait.ge [sflag:s14], $0x200  }
0x1d: {  	[sflag:s14] =	ssyncset.done $0x0  }
0x1e: {  	[sflag:s14] =	ssyncadd.s32 $0xFFFFFE00  }
0x1f: {  	_ =	swait.ge [sflag:s14], $0x200  }
0x20: {  	[sflag:s14] =	ssyncset.done $0x0  }
0x21: {  	[sflag:s14] =	ssyncadd.s32 $0xFFFFFE00  }
0x22: {  	v32 =	vld [tilespmem:$0x200]  }
0x23: {  	v33 =	vld [tilespmem:$0x0]  }
0x24: {  	v34 =	vld [tilespmem:$0x400]  }
0x25: {  	v35 =	vld [tilespmem:$0x210]  }
0x26: {  	v36 =	vld [tilespmem:$0x410]  }
0x27: {  	v39 =	vld [tilespmem:$0x10]  }
0x28: {  	v58 =	vld [tilespmem:$0x220]  }
0x29: {  	v61 =	vld [tilespmem:$0x420]  }
0x2a: {  	v63 =	vld [tilespmem:$0x230]  }
0x2b: {  	v43 =	vld [tilespmem:$0x30]  }
0x2c: {  	v45 =	vld [tilespmem:$0x240];
	v33 =	vshll.u32 v33, $0x10  }
0x2d: {  	v50 =	vld [tilespmem:$0x40];
	v37 =	vshll.u32 v32, $0x8;
	v38 =	vshll.u32 v34, $0x3;
	v32 =	vshll.u32 v32, $0x7  }
0x2e: {  	v40 =	vand.u32 $0x70, v34;
	v41 =	vshll.u32 v35, $0x8;
	v35 =	vshll.u32 v35, $0x7  }
0x2f: {  	v59 =	vand.u32 $0x70, v36;
	v39 =	vshll.u32 v39, $0x10;
	v42 =	vshll.u32 v36, $0x3  }
0x30: {  	v34 =	vand.u32 $0xF, v34;
	v36 =	vand.u32 $0xF, v36;
	v47 =	vshll.u32 v58, $0x8  }
0x31: {  	v53 =	vld [tilespmem:$0x250];
	v48 =	vshll.u32 v61, $0x3;
	v44 =	vand.u32 $0x70, v61;
	v49 =	vshll.u32 v63, $0x8  }
0x32: {  	v60 =	vld [tilespmem:$0x20];
	v43 =	vshll.u32 v43, $0x10;
	v54 =	vshll.u32 v50, $0x10;
	v55 =	vshll.u32 v45, $0x8  }
0x33: {  	v56 =	vld [tilespmem:$0x450];
	v45 =	vshll.u32 v45, $0x7;
	v37 =	vand.u32 $0xFFFFF800, v37;
	v38 =	vand.u32 $0xFFFFFC00, v38  }
0x34: {  	v32 =	vand.u32 $0x380, v32;
	v57 =	vand.u32 $0xFFFFF800, v41;
	v35 =	vand.u32 $0x380, v35  }
0x35: {  	v62 =	vand.u32 $0xFFFFFC00, v42;
	v41 =	vshll.u32 v58, $0x7;
	v42 =	vand.u32 $0xFFFFFC00, v48  }
0x36: {  	v45 =	vand.u32 $0x380, v45;
	v58 =	vshll.u32 v53, $0x8;
	v32 =	vor.u32 v37, v32  }
0x37: {  	v35 =	vor.u32 v57, v35;
	v37 =	vshll.u32 v60, $0x10;
	v41 =	vand.u32 $0x380, v41  }
0x38: {  	v60 =	vand.u32 $0x70, v56;
	v32 =	vor.u32 v40, v32;
	v35 =	vor.u32 v59, v35  }
0x39: {  	v40 =	vand.u32 $0xF, v61;
	v32 =	vor.u32 v33, v32;
	v35 =	vor.u32 v39, v35;
	v39 =	vld [tilespmem:$0x430]  }
0x3a: {  	v32 =	vor.u32 v38, v32;
	v33 =	vor.u32 v62, v35;
	v38 =	vand.u32 $0xFFFFF800, v47  }
0x3b: {  	v61 =	vld [tilespmem:$0x60];
	v35 =	vshll.u32 v63, $0x7;
	v63 =	vshll.u32 v56, $0x3;
	v32 =	vshra.s32 v32, $0x4  }
0x3c: {  	v47 =	vld [tilespmem:$0x50];
	v38 =	vor.u32 v38, v41;
	v41 =	vand.u32 $0xFFFFF800, v49;
	v35 =	vand.u32 $0x380, v35  }
0x3d: {  	v50 =	vld [tilespmem:$0x270];
	v33 =	vshra.s32 v33, $0x4;
	v38 =	vor.u32 v44, v38;
	v35 =	vor.u32 v41, v35  }
0x3e: {  	v59 =	vld [tilespmem:$0x260];
	v37 =	vor.u32 v37, v38;
	v51 =	vand.u32 $0x70, v39;
	v46 =	vshll.u32 v39, $0x3  }
0x3f: {  	v41 =	vld [tilespmem:$0x440];
	v37 =	vor.u32 v42, v37;
	v42 =	vshll.u32 v53, $0x7;
	v49 =	vand.u32 $0xF, v39  }
0x40: {  	v53 =	vshll.u32 v61, $0x10;
	v35 =	vor.u32 v51, v35;
	v52 =	vand.u32 $0xFFFFFC00, v46  }
0x41: {  	v37 =	vshra.s32 v37, $0x4;
	v42 =	vand.u32 $0x380, v42;
	v62 =	vshll.u32 v47, $0x10  }
0x42: {  	v47 =	vand.u32 $0xFFFFFC00, v63;
	v63 =	vshll.u32 v50, $0x8;
	v35 =	vor.u32 v43, v35  }
0x43: {  	v43 =	vand.u32 $0xFFFFF800, v55;
	v55 =	vshll.u32 v59, $0x7;
	v35 =	vor.u32 v52, v35  }
0x44: {  	[tilespmem:$0x400] =	vst v34;
	v57 =	vshll.u32 v41, $0x3;
	v48 =	vand.u32 $0x70, v41;
	v43 =	vor.u32 v43, v45  }
0x45: {  	[tilespmem:$0x410] =	vst v36;
	v45 =	vand.u32 $0xFFFFF800, v58;
	v51 =	vand.u32 $0xF, v41;
	v52 =	vand.u32 $0xF, v56  }
0x46: {  	[tilespmem:$0x420] =	vst v40;
	v35 =	vshra.s32 v35, $0x4;
	v43 =	vor.u32 v48, v43;
	v42 =	vor.u32 v45, v42  }
0x47: {  	[tilespmem:$0x200] =	vst v32;
	v56 =	vld [tilespmem:$0x470];
	v46 =	vand.u32 $0xFFFFFC00, v57;
	v38 =	vor.u32 v54, v43;
	v42 =	vor.u32 v60, v42  }
0x48: {  	[tilespmem:$0x210] =	vst v33;
	v43 =	vld [tilespmem:$0x460];
	v54 =	vshll.u32 v59, $0x8;
	v46 =	vor.u32 v46, v38;
	v32 =	vor.u32 v62, v42  }
0x49: {  	[tilespmem:$0x430] =	vst v49;
	v59 =	vld [tilespmem:$0x70];
	v57 =	vand.u32 $0xFFFFF800, v54;
	v42 =	vand.u32 $0x380, v55;
	v38 =	vshll.u32 v50, $0x7  }
0x4a: {  	[tilespmem:$0x220] =	vst v37;
	v34 =	vshra.s32 v46, $0x4;
	v32 =	vor.u32 v47, v32;
	v40 =	vor.u32 v57, v42  }
0x4b: {  	[tilespmem:$0x440] =	vst v51;
	v46 =	vand.u32 $0xFFFFF800, v63;
	v47 =	vand.u32 $0x380, v38;
	v32 =	vshra.s32 v32, $0x4  }
0x4c: {  	[tilespmem:$0x240] =	vst v34;
	v48 =	vand.u32 $0x70, v56;
	v34 =	vor.u32 v46, v47;
	v50 =	vshll.u32 v56, $0x3  }
0x4d: {  	[tilespmem:$0x450] =	vst v52;
	v34 =	vor.u32 v48, v34;
	v51 =	vand.u32 $0xFFFFFC00, v50;
	v58 =	vshll.u32 v43, $0x3  }
0x4e: {  	[tilespmem:$0x230] =	vst v35;
	v61 =	vand.u32 $0x70, v43;
	v49 =	vshll.u32 v59, $0x10;
	v52 =	vand.u32 $0xF, v43  }
0x4f: {  	[tilespmem:$0x250] =	vst v32;
	v60 =	vand.u32 $0xFFFFFC00, v58;
	v62 =	vor.u32 v61, v40;
	v32 =	vor.u32 v49, v34  }
0x50: {  	[tilespmem:$0x460] =	vst v52;
	v33 =	vor.u32 v53, v62;
	v32 =	vor.u32 v51, v32;
	v53 =	vand.u32 $0xF, v56  }
0x51: {  	v33 =	vor.u32 v60, v33;
	v32 =	vshra.s32 v32, $0x4;
	[tilespmem:$0x470] =	vst v53  }
0x52: {  	v33 =	vshra.s32 v33, $0x4;
	[tilespmem:$0x270] =	vst v32  }
0x53: {  	[tilespmem:$0x260] =	vst v33  }
0x54: {  	[tilespmem:s16], [sflag:$0x2] =	stream.indirect.gather [hbm4b:s3+s15], $0x10, s12, s15, $0xb8;
	[tilespmem:$0x2800] =	vst v63  }
0x55: {  	v54 =	vld [tilespmem:$0x280]  }
0x56: {  	v55 =	vld [tilespmem:$0x80]  }
0x57: {  	v56 =	vld [tilespmem:$0x480]  }
0x58: {  	v57 =	vld [tilespmem:$0x290]  }
0x59: {  	v58 =	vld [tilespmem:$0x490]  }
0x5a: {  	v61 =	vld [tilespmem:$0x90]  }
0x5b: {  	v45 =	vld [tilespmem:$0x2A0]  }
0x5c: {  	v49 =	vld [tilespmem:$0x4A0];
	v33 =	vshll.u32 v55, $0x10  }
0x5d: {  	v51 =	vld [tilespmem:$0x2B0];
	v59 =	vshll.u32 v54, $0x8;
	v60 =	vshll.u32 v56, $0x3;
	v32 =	vshll.u32 v54, $0x7  }
0x5e: {  	v62 =	vand.u32 $0x70, v56;
	v63 =	vshll.u32 v57, $0x8;
	v35 =	vshll.u32 v57, $0x7  }
0x5f: {  	v46 =	vand.u32 $0x70, v58;
	v39 =	vshll.u32 v61, $0x10;
	v48 =	vshll.u32 v58, $0x3  }
0x60: {  	v34 =	vand.u32 $0xF, v56;
	v36 =	vand.u32 $0xF, v58;
	v52 =	vshll.u32 v45, $0x8  }
0x61: {  	v47 =	vld [tilespmem:$0xA0];
	v53 =	vshll.u32 v49, $0x3;
	v41 =	vshll.u32 v45, $0x7;
	v55 =	vand.u32 $0x70, v49  }
0x62: {  	v54 =	vld [tilespmem:$0xB0];
	v56 =	vshll.u32 v51, $0x8;
	v40 =	vand.u32 $0xF, v49;
	v37 =	vand.u32 $0xFFFFF800, v59  }
0x63: {  	v57 =	vld [tilespmem:$0x2C0];
	v38 =	vand.u32 $0xFFFFFC00, v60;
	v32 =	vand.u32 $0x380, v32;
	v44 =	vand.u32 $0xFFFFF800, v63  }
0x64: {  	v58 =	vld [tilespmem:$0xC0];
	v35 =	vand.u32 $0x380, v35;
	v50 =	vand.u32 $0xFFFFFC00, v48;
	v32 =	vor.u32 v37, v32  }
0x65: {  	v42 =	vand.u32 $0xFFFFFC00, v53;
	v35 =	vor.u32 v44, v35;
	v32 =	vor.u32 v62, v32  }
0x66: {  	v41 =	vand.u32 $0x380, v41;
	v35 =	vor.u32 v46, v35;
	v32 =	vor.u32 v33, v32  }
0x67: {  	v37 =	vshll.u32 v47, $0x10;
	v44 =	vld [tilespmem:$0x4D0];
	v35 =	vor.u32 v39, v35;
	v32 =	vor.u32 v38, v32  }
0x68: {  	v62 =	vld [tilespmem:$0x2D0];
	v33 =	vor.u32 v50, v35;
	v38 =	vand.u32 $0xFFFFF800, v52;
	v35 =	vshll.u32 v51, $0x7  }
0x69: {  	v39 =	vld [tilespmem:$0x4B0];
	v43 =	vshll.u32 v54, $0x10;
	v63 =	vshll.u32 v58, $0x10;
	v50 =	vshll.u32 v57, $0x8  }
0x6a: {  	v45 =	vshll.u32 v57, $0x7;
	v32 =	vshra.s32 v32, $0x4;
	v33 =	vshra.s32 v33, $0x4  }
0x6b: {  	v38 =	vor.u32 v38, v41;
	v41 =	vand.u32 $0xFFFFF800, v56;
	v35 =	vand.u32 $0x380, v35  }
0x6c: {  	v52 =	vld [tilespmem:$0xD0];
	v45 =	vand.u32 $0x380, v45;
	v38 =	vor.u32 v55, v38;
	v35 =	vor.u32 v41, v35  }
0x6d: {  	v56 =	vand.u32 $0x70, v44;
	v37 =	vor.u32 v37, v38;
	v54 =	vshll.u32 v62, $0x8  }
0x6e: {  	v41 =	vld [tilespmem:$0x4C0];
	v59 =	vand.u32 $0x70, v39;
	v60 =	vshll.u32 v39, $0x3;
	v37 =	vor.u32 v42, v37  }
0x6f: {  	v42 =	vshll.u32 v62, $0x7;
	v62 =	vand.u32 $0xF, v39;
	v35 =	vor.u32 v59, v35  }
0x70: {  	v57 =	vld [tilespmem:$0xE0];
	v61 =	vand.u32 $0xFFFFFC00, v60;
	v37 =	vshra.s32 v37, $0x4;
	v42 =	vand.u32 $0x380, v42  }
0x71: {  	v55 =	vld [tilespmem:$0x2E0];
	v58 =	vshll.u32 v52, $0x10;
	v59 =	vshll.u32 v44, $0x3;
	v35 =	vor.u32 v43, v35  }
0x72: {  	v43 =	vand.u32 $0xFFFFF800, v50;
	v50 =	vand.u32 $0xF, v44;
	v35 =	vor.u32 v61, v35  }
0x73: {  	v51 =	vshll.u32 v41, $0x3;
	v53 =	vand.u32 $0x70, v41;
	v43 =	vor.u32 v43, v45  }
0x74: {  	[tilespmem:$0x480] =	vst v34;
	v45 =	vand.u32 $0xFFFFF800, v54;
	v61 =	vand.u32 $0xFFFFFC00, v59;
	v49 =	vand.u32 $0xF, v41;
	v54 =	vld [tilespmem:$0x4F0]  }
0x75: {  	[tilespmem:$0x490] =	vst v36;
	v46 =	vand.u32 $0xFFFFFC00, v51;
	v43 =	vor.u32 v53, v43;
	v51 =	vshll.u32 v57, $0x10;
	v57 =	vld [tilespmem:$0xF0]  }
0x76: {  	[tilespmem:$0x4A0] =	vst v40;
	v52 =	vshll.u32 v55, $0x8;
	v42 =	vor.u32 v45, v42;
	v38 =	vor.u32 v63, v43;
	v43 =	vld [tilespmem:$0x4E0]  }
0x77: {  	[tilespmem:$0x280] =	vst v32;
	v35 =	vshra.s32 v35, $0x4;
	v53 =	vshll.u32 v55, $0x7;
	v42 =	vor.u32 v56, v42;
	v63 =	vld [tilespmem:$0x2F0]  }
0x78: {  	[tilespmem:$0x290] =	vst v33;
	v55 =	vand.u32 $0xFFFFF800, v52;
	v60 =	vor.u32 v46, v38;
	v32 =	vor.u32 v58, v42  }
0x79: {  	[tilespmem:$0x4B0] =	vst v62;
	v42 =	vand.u32 $0x380, v53;
	v34 =	vshra.s32 v60, $0x4;
	v32 =	vor.u32 v61, v32  }
0x7a: {  	[tilespmem:$0x2A0] =	vst v37;
	v40 =	vor.u32 v55, v42;
	v32 =	vshra.s32 v32, $0x4;
	v42 =	vshll.u32 v54, $0x3  }
0x7b: {  	[tilespmem:$0x4D0] =	vst v50;
	v47 =	vand.u32 $0xF, v54;
	v41 =	vshll.u32 v57, $0x10;
	v45 =	vand.u32 $0xFFFFFC00, v42  }
0x7c: {  	[tilespmem:$0x4C0] =	vst v49;
	v56 =	vshll.u32 v43, $0x3;
	v61 =	vshll.u32 v63, $0x8;
	v38 =	vshll.u32 v63, $0x7  }
0x7d: {  	[tilespmem:$0x2B0] =	vst v35;
	v59 =	vand.u32 $0x70, v43;
	v62 =	vand.u32 $0xFFFFF800, v61;
	v63 =	vand.u32 $0x380, v38  }
0x7e: {  	[tilespmem:$0x2C0] =	vst v34;
	v60 =	vor.u32 v59, v40;
	v40 =	vand.u32 $0x70, v54;
	v34 =	vor.u32 v62, v63  }
0x7f: {  	[tilespmem:$0x2D0] =	vst v32;
	v58 =	vand.u32 $0xFFFFFC00, v56;
	v33 =	vor.u32 v51, v60;
	v34 =	vor.u32 v40, v34  }
0x80: {  	[tilespmem:$0x4F0] =	vst v47;
	v46 =	vand.u32 $0xF, v43;
	v33 =	vor.u32 v58, v33;
	v32 =	vor.u32 v41, v34  }
0x81: {  	[tilespmem:$0x4E0] =	vst v46;
	v33 =	vshra.s32 v33, $0x4;
	v32 =	vor.u32 v45, v32  }
0x82: {  	[tilespmem:$0x2E0] =	vst v33;
	v32 =	vshra.s32 v32, $0x4  }
0x83: {  	[tilespmem:$0x2F0] =	vst v32  }
0x84: {  	[tilespmem:s18], [sflag:$0x3] =	stream.indirect.gather [hbm4b:s3+s15], $0x10, s17, s15, $0xb8;
	[tilespmem:$0x2800] =	vst v63  }
0x85: {  	v48 =	vld [tilespmem:$0x300]  }
0x86: {  	v49 =	vld [tilespmem:$0x100]  }
0x87: {  	v50 =	vld [tilespmem:$0x500]  }
0x88: {  	v51 =	vld [tilespmem:$0x310]  }
0x89: {  	v52 =	vld [tilespmem:$0x510]  }
0x8a: {  	v55 =	vld [tilespmem:$0x110]  }
0x8b: {  	v59 =	vld [tilespmem:$0x320]  }
0x8c: {  	v63 =	vld [tilespmem:$0x520];
	v33 =	vshll.u32 v49, $0x10  }
0x8d: {  	v53 =	vshll.u32 v48, $0x8;
	v54 =	vshll.u32 v50, $0x3;
	v32 =	vshll.u32 v48, $0x7  }
0x8e: {  	v56 =	vand.u32 $0x70, v50;
	v57 =	vshll.u32 v51, $0x8;
	v35 =	vshll.u32 v51, $0x7  }
0x8f: {  	v60 =	vand.u32 $0x70, v52;
	v39 =	vshll.u32 v55, $0x10;
	v62 =	vshll.u32 v52, $0x3  }
0x90: {  	v61 =	vld [tilespmem:$0x120];
	v34 =	vand.u32 $0xF, v50;
	v36 =	vand.u32 $0xF, v52;
	v49 =	vshll.u32 v59, $0x8  }
0x91: {  	v44 =	vld [tilespmem:$0x550];
	v50 =	vshll.u32 v63, $0x3;
	v41 =	vshll.u32 v59, $0x7;
	v52 =	vand.u32 $0x70, v63  }
0x92: {  	v48 =	vld [tilespmem:$0x330];
	v40 =	vand.u32 $0xF, v63;
	v37 =	vand.u32 $0xFFFFF800, v53;
	v38 =	vand.u32 $0xFFFFFC00, v54  }
0x93: {  	v51 =	vld [tilespmem:$0x130];
	v32 =	vand.u32 $0x380, v32;
	v58 =	vand.u32 $0xFFFFF800, v57;
	v35 =	vand.u32 $0x380, v35  }
0x94: {  	v55 =	vld [tilespmem:$0x140];
	v47 =	vand.u32 $0xFFFFFC00, v62;
	v32 =	vor.u32 v37, v32;
	v35 =	vor.u32 v58, v35  }
0x95: {  	v42 =	vand.u32 $0xFFFFFC00, v50;
	v32 =	vor.u32 v56, v32;
	v35 =	vor.u32 v60, v35  }
0x96: {  	v59 =	vld [tilespmem:$0x350];
	v41 =	vand.u32 $0x380, v41;
	v32 =	vor.u32 v33, v32;
	v35 =	vor.u32 v39, v35  }
0x97: {  	v54 =	vld [tilespmem:$0x340];
	v37 =	vshll.u32 v61, $0x10;
	v32 =	vor.u32 v38, v32;
	v33 =	vor.u32 v47, v35  }
0x98: {  	v38 =	vand.u32 $0xFFFFF800, v49;
	v53 =	vshll.u32 v48, $0x8;
	v35 =	vshll.u32 v48, $0x7  }
0x99: {  	v39 =	vld [tilespmem:$0x530];
	v43 =	vshll.u32 v51, $0x10;
	v60 =	vshll.u32 v55, $0x10;
	v55 =	vand.u32 $0x70, v44  }
0x9a: {  	v49 =	vand.u32 $0xF, v44;
	v32 =	vshra.s32 v32, $0x4;
	v33 =	vshra.s32 v33, $0x4  }
0x9b: {  	v38 =	vor.u32 v38, v41;
	v41 =	vand.u32 $0xFFFFF800, v53;
	v35 =	vand.u32 $0x380, v35  }
0x9c: {  	v63 =	vld [tilespmem:$0x150];
	v61 =	vshll.u32 v54, $0x8;
	v45 =	vshll.u32 v54, $0x7;
	v53 =	vshll.u32 v59, $0x8  }
0x9d: {  	v54 =	vld [tilespmem:$0x360];
	v38 =	vor.u32 v52, v38;
	v35 =	vor.u32 v41, v35;
	v45 =	vand.u32 $0x380, v45  }
0x9e: {  	v41 =	vld [tilespmem:$0x540];
	v37 =	vor.u32 v37, v38;
	v56 =	vand.u32 $0x70, v39;
	v57 =	vshll.u32 v39, $0x3  }
0x9f: {  	v37 =	vor.u32 v42, v37;
	v42 =	vshll.u32 v59, $0x7;
	v35 =	vor.u32 v56, v35  }
0xa0: {  	v58 =	vand.u32 $0xFFFFFC00, v57;
	v37 =	vshra.s32 v37, $0x4;
	v42 =	vand.u32 $0x380, v42  }
0xa1: {  	v57 =	vshll.u32 v63, $0x10;
	v35 =	vor.u32 v43, v35;
	v43 =	vand.u32 $0xFFFFF800, v61  }
0xa2: {  	v61 =	vand.u32 $0xF, v39;
	v51 =	vshll.u32 v54, $0x8;
	v35 =	vor.u32 v58, v35  }
0xa3: {  	v56 =	vld [tilespmem:$0x160];
	v62 =	vshll.u32 v41, $0x3;
	v52 =	vand.u32 $0x70, v41;
	v43 =	vor.u32 v43, v45  }
0xa4: {  	[tilespmem:$0x500] =	vst v34;
	v45 =	vand.u32 $0xFFFFF800, v53;
	v58 =	vshll.u32 v44, $0x3;
	v63 =	vand.u32 $0xF, v41  }
0xa5: {  	[tilespmem:$0x510] =	vst v36;
	v53 =	vld [tilespmem:$0x570];
	v35 =	vshra.s32 v35, $0x4;
	v46 =	vand.u32 $0xFFFFFC00, v62;
	v43 =	vor.u32 v52, v43  }
0xa6: {  	[tilespmem:$0x520] =	vst v40;
	v42 =	vor.u32 v45, v42;
	v62 =	vld [tilespmem:$0x370];
	v52 =	vshll.u32 v54, $0x7;
	v54 =	vand.u32 $0xFFFFF800, v51  }
0xa7: {  	[tilespmem:$0x550] =	vst v49;
	v38 =	vor.u32 v60, v43;
	v42 =	vor.u32 v55, v42;
	v43 =	vld [tilespmem:$0x560];
	v60 =	vand.u32 $0xFFFFFC00, v58  }
0xa8: {  	[tilespmem:$0x300] =	vst v32;
	v59 =	vor.u32 v46, v38;
	v32 =	vor.u32 v57, v42;
	v50 =	vshll.u32 v56, $0x10  }
0xa9: {  	[tilespmem:$0x310] =	vst v33;
	v42 =	vand.u32 $0x380, v52;
	v34 =	vshra.s32 v59, $0x4;
	v32 =	vor.u32 v60, v32  }
0xaa: {  	[tilespmem:$0x540] =	vst v63;
	v56 =	vld [tilespmem:$0x170];
	v40 =	vor.u32 v54, v42;
	v32 =	vshra.s32 v32, $0x4;
	v63 =	vand.u32 $0x70, v53  }
0xab: {  	[tilespmem:$0x320] =	vst v37;
	v41 =	vshll.u32 v53, $0x3;
	v45 =	vand.u32 $0xF, v53;
	v60 =	vshll.u32 v62, $0x8  }
0xac: {  	[tilespmem:$0x530] =	vst v61;
	v38 =	vshll.u32 v62, $0x7;
	v42 =	vand.u32 $0xFFFFFC00, v41;
	v55 =	vshll.u32 v43, $0x3  }
0xad: {  	[tilespmem:$0x330] =	vst v35;
	v58 =	vand.u32 $0x70, v43;
	v61 =	vand.u32 $0xFFFFF800, v60;
	v62 =	vand.u32 $0x380, v38  }
0xae: {  	[tilespmem:$0x340] =	vst v34;
	v57 =	vand.u32 $0xFFFFFC00, v55;
	v59 =	vor.u32 v58, v40;
	v34 =	vor.u32 v61, v62  }
0xaf: {  	[tilespmem:$0x350] =	vst v32;
	v40 =	vshll.u32 v56, $0x10;
	v33 =	vor.u32 v50, v59;
	v34 =	vor.u32 v63, v34  }
0xb0: {  	[tilespmem:$0x570] =	vst v45;
	v43 =	vand.u32 $0xF, v43;
	v33 =	vor.u32 v57, v33;
	v32 =	vor.u32 v40, v34  }
0xb1: {  	[tilespmem:$0x560] =	vst v43;
	v33 =	vshra.s32 v33, $0x4;
	v32 =	vor.u32 v42, v32  }
0xb2: {  	[tilespmem:$0x360] =	vst v33;
	v32 =	vshra.s32 v32, $0x4  }
0xb3: {  	[tilespmem:$0x370] =	vst v32  }
0xb4: {  	[tilespmem:s20], [sflag:$0x4] =	stream.indirect.gather [hbm4b:s3+s15], $0x10, s19, s15, $0xb8;
	[tilespmem:$0x2800] =	vst v63  }
0xb5: {  	v46 =	vld [tilespmem:$0x380]  }
0xb6: {  	v47 =	vld [tilespmem:$0x180]  }
0xb7: {  	v48 =	vld [tilespmem:$0x580]  }
0xb8: {  	v49 =	vld [tilespmem:$0x390]  }
0xb9: {  	v50 =	vld [tilespmem:$0x590]  }
0xba: {  	v53 =	vld [tilespmem:$0x190]  }
0xbb: {  	v57 =	vld [tilespmem:$0x3A0]  }
0xbc: {  	v61 =	vld [tilespmem:$0x5A0]  }
0xbd: {  	v63 =	vld [tilespmem:$0x3B0];
	v33 =	vshll.u32 v47, $0x10  }
0xbe: {  	v51 =	vshll.u32 v46, $0x8;
	v52 =	vshll.u32 v48, $0x3;
	v32 =	vshll.u32 v46, $0x7  }
0xbf: {  	v54 =	vand.u32 $0x70, v48;
	v55 =	vshll.u32 v49, $0x8;
	v35 =	vshll.u32 v49, $0x7  }
0xc0: {  	v58 =	vand.u32 $0x70, v50;
	v39 =	vshll.u32 v53, $0x10;
	v60 =	vshll.u32 v50, $0x3  }
0xc1: {  	v34 =	vand.u32 $0xF, v48;
	v36 =	vand.u32 $0xF, v50;
	v48 =	vshll.u32 v57, $0x8  }
0xc2: {  	v50 =	vshll.u32 v61, $0x3;
	v41 =	vshll.u32 v57, $0x7;
	v53 =	vshll.u32 v63, $0x8  }
0xc3: {  	v59 =	vld [tilespmem:$0x1A0];
	v40 =	vand.u32 $0xF, v61;
	v37 =	vand.u32 $0xFFFFF800, v51;
	v38 =	vand.u32 $0xFFFFFC00, v52  }
0xc4: {  	v32 =	vand.u32 $0x380, v32;
	v56 =	vand.u32 $0xFFFFF800, v55;
	v35 =	vand.u32 $0x380, v35  }
0xc5: {  	v49 =	vld [tilespmem:$0x5B0];
	v62 =	vand.u32 $0xFFFFFC00, v60;
	v42 =	vand.u32 $0xFFFFFC00, v50;
	v32 =	vor.u32 v37, v32  }
0xc6: {  	v41 =	vand.u32 $0x380, v41;
	v35 =	vor.u32 v56, v35;
	v32 =	vor.u32 v54, v32  }
0xc7: {  	v51 =	vld [tilespmem:$0x1B0];
	v52 =	vand.u32 $0x70, v61;
	v35 =	vor.u32 v58, v35;
	v32 =	vor.u32 v33, v32  }
0xc8: {  	v45 =	vld [tilespmem:$0x5D0];
	v37 =	vshll.u32 v59, $0x10;
	v35 =	vor.u32 v39, v35;
	v32 =	vor.u32 v38, v32  }
0xc9: {  	v59 =	vld [tilespmem:$0x1C0];
	v33 =	vor.u32 v62, v35;
	v38 =	vand.u32 $0xFFFFF800, v48;
	v35 =	vshll.u32 v63, $0x7  }
0xca: {  	v54 =	vld [tilespmem:$0x3C0];
	v55 =	vand.u32 $0x70, v49;
	v57 =	vshll.u32 v49, $0x3;
	v39 =	vand.u32 $0xF, v49  }
0xcb: {  	v60 =	vld [tilespmem:$0x3D0];
	v32 =	vshra.s32 v32, $0x4;
	v33 =	vshra.s32 v33, $0x4;
	v38 =	vor.u32 v38, v41  }
0xcc: {  	v41 =	vand.u32 $0xFFFFF800, v53;
	v35 =	vand.u32 $0x380, v35;
	v56 =	vshll.u32 v51, $0x10  }
0xcd: {  	v58 =	vand.u32 $0xFFFFFC00, v57;
	v57 =	vand.u32 $0x70, v45;
	v38 =	vor.u32 v52, v38  }
0xce: {  	v62 =	vld [tilespmem:$0x1D0];
	v35 =	vor.u32 v41, v35;
	v41 =	vshll.u32 v59, $0x10;
	v37 =	vor.u32 v37, v38  }
0xcf: {  	v48 =	vld [tilespmem:$0x5E0];
	v35 =	vor.u32 v55, v35;
	v61 =	vshll.u32 v54, $0x8;
	v44 =	vshll.u32 v54, $0x7  }
0xd0: {  	v53 =	vld [tilespmem:$0x3E0];
	v54 =	vshll.u32 v60, $0x8;
	v37 =	vor.u32 v42, v37;
	v35 =	vor.u32 v56, v35  }
0xd1: {  	v50 =	vld [tilespmem:$0x5F0];
	v43 =	vand.u32 $0xFFFFF800, v61;
	v44 =	vand.u32 $0x380, v44;
	v42 =	vshll.u32 v60, $0x7  }
0xd2: {  	v38 =	vld [tilespmem:$0x5C0];
	v37 =	vshra.s32 v37, $0x4;
	v35 =	vor.u32 v58, v35;
	v43 =	vor.u32 v43, v44  }
0xd3: {  	v55 =	vld [tilespmem:$0x1E0];
	v42 =	vand.u32 $0x380, v42;
	v56 =	vshll.u32 v62, $0x10;
	v44 =	vshll.u32 v45, $0x3  }
0xd4: {  	v46 =	vand.u32 $0x70, v48;
	v51 =	vshll.u32 v48, $0x3;
	v35 =	vshra.s32 v35, $0x4  }
0xd5: {  	[tilespmem:$0x590] =	vst v36;
	v59 =	vshll.u32 v53, $0x8;
	v60 =	vshll.u32 v53, $0x7;
	v36 =	vand.u32 $0xFFFFFC00, v44  }
0xd6: {  	[tilespmem:$0x580] =	vst v34;
	v61 =	vand.u32 $0xFFFFF800, v59;
	v62 =	vand.u32 $0x380, v60;
	v59 =	vand.u32 $0x70, v50  }
0xd7: {  	[tilespmem:$0x390] =	vst v33;
	v63 =	vshll.u32 v38, $0x3;
	v52 =	vand.u32 $0x70, v38;
	v33 =	vor.u32 v61, v62  }
0xd8: {  	[tilespmem:$0x5A0] =	vst v40;
	v49 =	vshll.u32 v55, $0x10;
	v47 =	vand.u32 $0xFFFFFC00, v63;
	v43 =	vor.u32 v52, v43;
	v63 =	vld [tilespmem:$0x3F0]  }
0xd9: {  	[tilespmem:$0x5B0] =	vst v39;
	v38 =	vand.u32 $0xF, v38;
	v41 =	vor.u32 v41, v43;
	v43 =	vand.u32 $0xFFFFF800, v54  }
0xda: {  	[tilespmem:$0x380] =	vst v32;
	v61 =	vshll.u32 v50, $0x3;
	v62 =	vand.u32 $0xF, v48;
	v52 =	vld [tilespmem:$0x1F0];
	v42 =	vor.u32 v43, v42  }
0xdb: {  	[tilespmem:$0x3A0] =	vst v37;
	v33 =	vor.u32 v46, v33;
	v41 =	vor.u32 v47, v41;
	v58 =	vor.u32 v57, v42  }
0xdc: {  	[tilespmem:$0x3B0] =	vst v35;
	v33 =	vor.u32 v49, v33;
	v53 =	vshra.s32 v41, $0x4;
	v32 =	vor.u32 v56, v58  }
0xdd: {  	[tilespmem:$0x5C0] =	vst v38;
	v58 =	vand.u32 $0xF, v45;
	v54 =	vshll.u32 v63, $0x8;
	v55 =	vshll.u32 v63, $0x7  }
0xde: {  	[tilespmem:$0x5E0] =	vst v62;
	v32 =	vor.u32 v36, v32;
	v56 =	vand.u32 $0xFFFFF800, v54;
	v57 =	vand.u32 $0x380, v55  }
0xdf: {  	[tilespmem:$0x3C0] =	vst v53;
	v36 =	vand.u32 $0xFFFFFC00, v51;
	v60 =	vshll.u32 v52, $0x10;
	v35 =	vor.u32 v56, v57  }
0xe0: {  	[tilespmem:$0x5D0] =	vst v58;
	v63 =	vand.u32 $0xF, v50;
	v32 =	vshra.s32 v32, $0x4;
	v35 =	vor.u32 v59, v35  }
0xe1: {  	v33 =	vor.u32 v36, v33;
	v36 =	vand.u32 $0xFFFFFC00, v61;
	[tilespmem:$0x3D0] =	vst v32;
	v32 =	vor.u32 v60, v35  }
0xe2: {  	[tilespmem:$0x5F0] =	vst v63;
	v33 =	vshra.s32 v33, $0x4;
	v32 =	vor.u32 v36, v32  }
0xe3: {  	[tilespmem:$0x3E0] =	vst v33;
	v32 =	vshra.s32 v32, $0x4  }
0xe4: {  	[tilespmem:$0x3F0] =	vst v32  }
0xe5: {  	[tilespmem:s22], [sflag:$0x5] =	stream.indirect.gather [hbm4b:s3+s15], $0x10, s21, s15, $0xb8;
	[tilespmem:$0x2800] =	vst v63  }
0xe6: {  	_ =	swait.ge [sflag:s23], $0x800  }
0xe7: {  	[sflag:s23] =	ssyncset.done $0x0  }
0xe8: {  	[sflag:s23] =	ssyncadd.s32 $0xFFFFF800  }
0xe9: {  	v36 =	vld [tilespmem:$0x400];
	_ =	sdelay $0x4  }
0xea: {  	v32 =	vadd.s32 v0, v36  }
0xeb: {  	v37 =	vld [tilespmem:$0x410];
	_ =	sdelay $0x3  }
0xec: {  	v32 =	vld.idx.msk [tilespmem:v32+s16+$0x0], $0xffff  }
0xed: {  	v33 =	vadd.s32 v1, v37  }
0xee: {  	v38 =	vld [tilespmem:$0x420];
	_ =	sdelay $0x2  }
0xef: {  	[tilespmem:$0x600] =	vst v32  }
0xf0: {  	v32 =	vld.idx.msk [tilespmem:v33+s16+$0x0], $0xffff  }
0xf1: {  	v39 =	vadd.s32 v2, v38  }
0xf2: {  	v40 =	vld [tilespmem:$0x430];
	_ =	sdelay $0x2  }
0xf3: {  	[tilespmem:$0x610] =	vst v32  }
0xf4: {  	v32 =	vld.idx.msk [tilespmem:v39+s16+$0x0], $0xffff  }
0xf5: {  	v41 =	vadd.s32 v3, v40  }
0xf6: {  	v42 =	vld [tilespmem:$0x440];
	_ =	sdelay $0x2  }
0xf7: {  	[tilespmem:$0x620] =	vst v32  }
0xf8: {  	v32 =	vld.idx.msk [tilespmem:v41+s16+$0x0], $0xffff  }
0xf9: {  	v43 =	vadd.s32 v4, v42  }
0xfa: {  	v44 =	vld [tilespmem:$0x450];
	_ =	sdelay $0x2  }
0xfb: {  	[tilespmem:$0x630] =	vst v32  }
0xfc: {  	v32 =	vld.idx.msk [tilespmem:v43+s16+$0x0], $0xffff  }
0xfd: {  	v45 =	vadd.s32 v5, v44  }
0xfe: {  	v46 =	vld [tilespmem:$0x460];
	_ =	sdelay $0x2  }
0xff: {  	[tilespmem:$0x640] =	vst v32  }
0x100: {  	v32 =	vld.idx.msk [tilespmem:v45+s16+$0x0], $0xffff  }
0x101: {  	v47 =	vadd.s32 v6, v46  }
0x102: {  	v48 =	vld [tilespmem:$0x470];
	_ =	sdelay $0x2  }
0x103: {  	[tilespmem:$0x650] =	vst v32  }
0x104: {  	v32 =	vld.idx.msk [tilespmem:v47+s16+$0x0], $0xffff  }
0x105: {  	v49 =	vadd.s32 v7, v48;
	_ =	sdelay $0x3  }
0x106: {  	[tilespmem:$0x660] =	vst v32  }
0x107: {  	v32 =	vld.idx.msk [tilespmem:v49+s16+$0x0], $0xffff;
	_ =	sdelay $0x4  }
0x108: {  	[tilespmem:$0x670] =	vst v32  }
0x109: {  	[hbm4b:s6+s1] =	stream.linear.scatter [tilespmem:s24], [sflag:$0x1], $0x80, $0x38;
	[tilespmem:$0x2800] =	vst v63  }
0x10a: {  	_ =	swait.ge [sflag:s25], $0x800  }
0x10b: {  	[sflag:s25] =	ssyncset.done $0x0  }
0x10c: {  	[sflag:s25] =	ssyncadd.s32 $0xFFFFF800  }
0x10d: {  	v50 =	vld [tilespmem:$0x480];
	_ =	sdelay $0x4  }
0x10e: {  	v32 =	vadd.s32 v8, v50  }
0x10f: {  	v51 =	vld [tilespmem:$0x490];
	_ =	sdelay $0x3  }
0x110: {  	v32 =	vld.idx.msk [tilespmem:v32+s16+$0x0], $0xffff  }
0x111: {  	v33 =	vadd.s32 v9, v51  }
0x112: {  	v52 =	vld [tilespmem:$0x4A0];
	_ =	sdelay $0x2  }
0x113: {  	[tilespmem:$0x680] =	vst v32  }
0x114: {  	v32 =	vld.idx.msk [tilespmem:v33+s16+$0x0], $0xffff  }
0x115: {  	v53 =	vadd.s32 v10, v52  }
0x116: {  	v54 =	vld [tilespmem:$0x4B0];
	_ =	sdelay $0x2  }
0x117: {  	[tilespmem:$0x690] =	vst v32  }
0x118: {  	v32 =	vld.idx.msk [tilespmem:v53+s16+$0x0], $0xffff  }
0x119: {  	v55 =	vadd.s32 v11, v54  }
0x11a: {  	v56 =	vld [tilespmem:$0x4C0];
	_ =	sdelay $0x2  }
0x11b: {  	[tilespmem:$0x6A0] =	vst v32  }
0x11c: {  	v32 =	vld.idx.msk [tilespmem:v55+s16+$0x0], $0xffff  }
0x11d: {  	v57 =	vadd.s32 v12, v56  }
0x11e: {  	v58 =	vld [tilespmem:$0x4D0];
	_ =	sdelay $0x2  }
0x11f: {  	[tilespmem:$0x6B0] =	vst v32  }
0x120: {  	v32 =	vld.idx.msk [tilespmem:v57+s16+$0x0], $0xffff  }
0x121: {  	v59 =	vadd.s32 v13, v58  }
0x122: {  	v60 =	vld [tilespmem:$0x4E0];
	_ =	sdelay $0x2  }
0x123: {  	[tilespmem:$0x6C0] =	vst v32  }
0x124: {  	v32 =	vld.idx.msk [tilespmem:v59+s16+$0x0], $0xffff  }
0x125: {  	v61 =	vadd.s32 v14, v60  }
0x126: {  	v62 =	vld [tilespmem:$0x4F0];
	_ =	sdelay $0x2  }
0x127: {  	[tilespmem:$0x6D0] =	vst v32  }
0x128: {  	v32 =	vld.idx.msk [tilespmem:v61+s16+$0x0], $0xffff  }
0x129: {  	v63 =	vadd.s32 v15, v62;
	_ =	sdelay $0x3  }
0x12a: {  	[tilespmem:$0x6E0] =	vst v32  }
0x12b: {  	v32 =	vld.idx.msk [tilespmem:v63+s16+$0x0], $0xffff;
	_ =	sdelay $0x4  }
0x12c: {  	[tilespmem:$0x6F0] =	vst v32  }
0x12d: {  	[hbm4b:s8+s1] =	stream.linear.scatter [tilespmem:s26], [sflag:$0x1], $0x80, $0x38;
	[tilespmem:$0x2800] =	vst v63  }
0x12e: {  	_ =	swait.ge [sflag:s28], $0x800  }
0x12f: {  	[sflag:s28] =	ssyncset.done $0x0  }
0x130: {  	[sflag:s28] =	ssyncadd.s32 $0xFFFFF800  }
0x131: {  	v36 =	vld [tilespmem:$0x500];
	_ =	sdelay $0x4  }
0x132: {  	v32 =	vadd.s32 v16, v36  }
0x133: {  	v37 =	vld [tilespmem:$0x510];
	_ =	sdelay $0x3  }
0x134: {  	v32 =	vld.idx.msk [tilespmem:v32+s16+$0x0], $0xffff  }
0x135: {  	v33 =	vadd.s32 v17, v37  }
0x136: {  	v38 =	vld [tilespmem:$0x520];
	_ =	sdelay $0x2  }
0x137: {  	[tilespmem:$0x700] =	vst v32  }
0x138: {  	v32 =	vld.idx.msk [tilespmem:v33+s16+$0x0], $0xffff  }
0x139: {  	v39 =	vadd.s32 v18, v38  }
0x13a: {  	v40 =	vld [tilespmem:$0x530];
	_ =	sdelay $0x2  }
0x13b: {  	[tilespmem:$0x710] =	vst v32  }
0x13c: {  	v32 =	vld.idx.msk [tilespmem:v39+s16+$0x0], $0xffff  }
0x13d: {  	v41 =	vadd.s32 v19, v40  }
0x13e: {  	v42 =	vld [tilespmem:$0x540];
	_ =	sdelay $0x2  }
0x13f: {  	[tilespmem:$0x720] =	vst v32  }
0x140: {  	v32 =	vld.idx.msk [tilespmem:v41+s16+$0x0], $0xffff  }
0x141: {  	v43 =	vadd.s32 v20, v42  }
0x142: {  	v44 =	vld [tilespmem:$0x550];
	_ =	sdelay $0x2  }
0x143: {  	[tilespmem:$0x730] =	vst v32  }
0x144: {  	v32 =	vld.idx.msk [tilespmem:v43+s16+$0x0], $0xffff  }
0x145: {  	v45 =	vadd.s32 v21, v44  }
0x146: {  	v46 =	vld [tilespmem:$0x560];
	_ =	sdelay $0x2  }
0x147: {  	[tilespmem:$0x740] =	vst v32  }
0x148: {  	v32 =	vld.idx.msk [tilespmem:v45+s16+$0x0], $0xffff  }
0x149: {  	v47 =	vadd.s32 v22, v46  }
0x14a: {  	v48 =	vld [tilespmem:$0x570];
	_ =	sdelay $0x2  }
0x14b: {  	[tilespmem:$0x750] =	vst v32  }
0x14c: {  	v32 =	vld.idx.msk [tilespmem:v47+s16+$0x0], $0xffff  }
0x14d: {  	v49 =	vadd.s32 v23, v48;
	_ =	sdelay $0x3  }
0x14e: {  	[tilespmem:$0x760] =	vst v32  }
0x14f: {  	v32 =	vld.idx.msk [tilespmem:v49+s16+$0x0], $0xffff;
	_ =	sdelay $0x4  }
0x150: {  	[tilespmem:$0x770] =	vst v32  }
0x151: {  	[hbm4b:s9+s1] =	stream.linear.scatter [tilespmem:s29], [sflag:$0x1], $0x80, $0x38;
	[tilespmem:$0x2800] =	vst v63  }
0x152: {  	_ =	swait.ge [sflag:s30], $0x800  }
0x153: {  	[sflag:s30] =	ssyncset.done $0x0  }
0x154: {  	[sflag:s30] =	ssyncadd.s32 $0xFFFFF800  }
0x155: {  	v50 =	vld [tilespmem:$0x580];
	_ =	sdelay $0x4  }
0x156: {  	v32 =	vadd.s32 v24, v50  }
0x157: {  	v51 =	vld [tilespmem:$0x590];
	_ =	sdelay $0x3  }
0x158: {  	v32 =	vld.idx.msk [tilespmem:v32+s16+$0x0], $0xffff  }
0x159: {  	v33 =	vadd.s32 v25, v51  }
0x15a: {  	v52 =	vld [tilespmem:$0x5A0];
	_ =	sdelay $0x2  }
0x15b: {  	[tilespmem:$0x780] =	vst v32  }
0x15c: {  	v32 =	vld.idx.msk [tilespmem:v33+s16+$0x0], $0xffff  }
0x15d: {  	v53 =	vadd.s32 v26, v52  }
0x15e: {  	v54 =	vld [tilespmem:$0x5B0];
	_ =	sdelay $0x2  }
0x15f: {  	[tilespmem:$0x790] =	vst v32  }
0x160: {  	v32 =	vld.idx.msk [tilespmem:v53+s16+$0x0], $0xffff  }
0x161: {  	v55 =	vadd.s32 v27, v54  }
0x162: {  	v56 =	vld [tilespmem:$0x5C0];
	_ =	sdelay $0x2  }
0x163: {  	[tilespmem:$0x7A0] =	vst v32  }
0x164: {  	v32 =	vld.idx.msk [tilespmem:v55+s16+$0x0], $0xffff  }
0x165: {  	v57 =	vadd.s32 v28, v56  }
0x166: {  	v58 =	vld [tilespmem:$0x5D0];
	_ =	sdelay $0x2  }
0x167: {  	[tilespmem:$0x7B0] =	vst v32  }
0x168: {  	v32 =	vld.idx.msk [tilespmem:v57+s16+$0x0], $0xffff  }
0x169: {  	v59 =	vadd.s32 v29, v58  }
0x16a: {  	v60 =	vld [tilespmem:$0x5E0];
	_ =	sdelay $0x2  }
0x16b: {  	[tilespmem:$0x7C0] =	vst v32  }
0x16c: {  	v32 =	vld.idx.msk [tilespmem:v59+s16+$0x0], $0xffff  }
0x16d: {  	v61 =	vadd.s32 v30, v60  }
0x16e: {  	v62 =	vld [tilespmem:$0x5F0];
	_ =	sdelay $0x2  }
0x16f: {  	[tilespmem:$0x7D0] =	vst v32  }
0x170: {  	v32 =	vld.idx.msk [tilespmem:v61+s16+$0x0], $0xffff  }
0x171: {  	v63 =	vadd.s32 v31, v62;
	_ =	sdelay $0x3  }
0x172: {  	[tilespmem:$0x7E0] =	vst v32  }
0x173: {  	v32 =	vld.idx.msk [tilespmem:v63+s16+$0x0], $0xffff;
	_ =	sdelay $0x4  }
0x174: {  	[tilespmem:$0x7F0] =	vst v32  }
0x175: {  	[hbm4b:s10+s1] =	stream.linear.scatter [tilespmem:s31], [sflag:$0x1], $0x80, $0x38;
	[tilespmem:$0x2800] =	vst v63  }
0x176: {  	_ =	swait.ge [sflag:s14], $0x80  }
0x177: {  	[sflag:s14] =	ssyncset.done $0x0  }
0x178: {  	[sflag:s14] =	ssyncadd.s32 $0xFFFFFF80  }
0x179: {  	_ =	swait.ge [sflag:s14], $0x80  }
0x17a: {  	[sflag:s14] =	ssyncset.done $0x0  }
0x17b: {  	[sflag:s14] =	ssyncadd.s32 $0xFFFFFF80  }
0x17c: {  	p0 =	sne.s32 s11, $0x1;
	_ =	swait.ge [sflag:s14], $0x80  }
.Ltmp0:
0x17d: {  	[sflag:s14] =	ssyncset.done $0x0;
	(pc) =	sbr.rel @p0 .LBB2_1-.Ltmp0, $4  }
0x17e: {  	[sflag:s14] =	ssyncadd.s32 $0xFFFFFF80  }
0x17f: {  	_ =	swait.ge [sflag:s14], $0x80  }
0x180: {  	[sflag:s14] =	ssyncset.done $0x0  }
0x181: {  	s11 =	sadd.s32 $0xFFFFFFFF, s11;
	[sflag:s14] =	ssyncadd.s32 $0xFFFFFF80  }
0x182: {  	_ =	sfence.sel $0x180000  }
0x183: {  	[bflag:$0x0] =	sbarrier.arrive $0xFFFF  }
0x184: {  	p0 =	sne.s32 s2, $0x0;
	_ =	strace $0x90000047  }
0x185: {  	s0 =	sadd.s32 @!p0 $0x100000, s0;
	[bflag:$0x2] =	sbarrier.arrive $0xFFFF  }
0x186: {  	[sflag:s0] =	ssyncadd.tile.s32 @!p0 $0x1;
	_ =	shalt  }
.Lfunc_end2:
_tile_overlayer_lowered:
.L_overlay_start_2:
0x187: {  	(tag) =	ssettag $0x2  }
0x188: {  	s0 =	rddreg [dreg:$0x0];
	s2 =	stileid.u32  }
0x189: {  	s1 =	rddreg [dreg:$0x1];
	p0 =	sne.s32 s2, $0x0  }
0x18a: {  	s3 =	rddreg [dreg:$0x2];
	[bflag:$0x3] =	sbarrier.arrive $0xFFFF;
	s2 =	simm.s32 @!p0 $0x1C06  }
0x18b: {  	[timem:s3], [sflag:s2] =	dma.local @!p0 [hbm:s0], s1  }
0x18c: {  	s0 =	simm.s32 @!p0 $0x6  }
0x18d: {  	_ =	swait.ge @!p0 [sflag:s0], s1  }
0x18e: {  	s1 =	ssub.s32 @!p0 $0x0, s1;
	[sflag:s0] =	ssyncset.done @!p0 $0x0  }
0x18f: {  	[sflag:s0] =	ssyncadd.s32 @!p0 s1  }
0x190: {  	[bflag:$0x3] =	sbarrier.arrive $0xFFFF  }
0x191: {  	_ =	shalt  }

</sc_bundles>
